<compile_context>
chip_gen: v7x
topology: tpu7x:2x2x1
jax: 0.10.2.dev20260603
libtpu: 0.0.44.dev20260713+nightly
codegen_flags: <defaults>
</compile_context>

<pallas_src>
import functools

import jax
import jax.numpy as jnp
from jax import lax
from jax.experimental import pallas as pl
from jax.experimental.pallas import tpu as pltpu
from jax.experimental.pallas import tpu_sc as plsc

_NC = 2
_NS = 16
_NW = _NC * _NS
_CH = 128
_NB = 2

_LAT = 128
_HID = 64
_DEGW = 16


def _bdot(a, b):
    return jnp.dot(a.astype(jnp.bfloat16), b.astype(jnp.bfloat16),
                   preferred_element_type=jnp.float32)


def _sc_body(n_pad, cpw, *refs):
    h_hbm, src_hbm, dst_hbm, z64_hbm, agg_out, src_all, dst_all = refs[:7]
    rows = refs[7:7 + _NB]
    h_sh, acc_sh = refs[7 + _NB:9 + _NB]
    sems = refs[9 + _NB:9 + 2 * _NB]

    cid = lax.axis_index("c")
    sid = lax.axis_index("s")
    wid = cid * _NS + sid

    rpt = n_pad // _NS

    i0 = sid * rpt
    pltpu.sync_copy(h_hbm.at[pl.ds(i0, rpt)], h_sh.at[pl.ds(i0, rpt)])
    pltpu.sync_copy(z64_hbm.at[pl.ds(i0, rpt)], acc_sh.at[pl.ds(i0, rpt)])
    pltpu.sync_copy(src_hbm.at[pl.ds(wid * cpw, cpw)], src_all)
    pltpu.sync_copy(dst_hbm.at[pl.ds(wid * cpw, cpw)], dst_all)
    plsc.subcore_barrier()

    def fire(j, b):
        pltpu.async_copy(h_sh.at[src_all.at[j]], rows[b], sems[b])

    def drain(j, b):
        pltpu.make_async_copy(h_sh.at[src_all.at[j]], rows[b], sems[b]).wait()
        pltpu.sync_copy(rows[b], acc_sh.at[dst_all.at[j]], add=True)

    for b in range(_NB):
        fire(b, b)

    def step(t, carry):
        for b in range(_NB):
            j = t * _NB + b
            drain(j, b)
            fire(j + _NB, b)
        return carry

    lax.fori_loop(0, cpw // _NB - 1, step, 0)
    for b in range(_NB):
        drain(cpw - _NB + b, b)
    plsc.subcore_barrier()

    pltpu.sync_copy(acc_sh.at[pl.ds(i0, rpt)],
                    agg_out.at[cid, pl.ds(i0, rpt)])


def _sc_segsum(h, src2d, dst2d, zeros64):
    n_pad = h.shape[0]
    cpw = src2d.shape[0] // _NW

    mesh = plsc.VectorSubcoreMesh(core_axis_name="c", subcore_axis_name="s")
    f32 = jnp.float32
    out_type = [jax.ShapeDtypeStruct((_NC, n_pad, _HID), f32)]
    scratch = [pltpu.VMEM((cpw, _CH), jnp.int32),
               pltpu.VMEM((cpw, _CH), jnp.int32)]
    scratch += [pltpu.VMEM((_CH, _HID), f32)] * _NB
    scratch.append(pltpu.VMEM_SHARED((n_pad, _HID), f32))
    scratch.append(pltpu.VMEM_SHARED((n_pad, _HID), f32))
    scratch += [pltpu.SemaphoreType.DMA] * _NB

    fn = pl.kernel(functools.partial(_sc_body, n_pad, cpw),
                   out_type=tuple(out_type), mesh=mesh,
                   scratch_types=tuple(scratch),
                   compiler_params=pltpu.CompilerParams(
                       use_tc_tiling_on_sc=False))
    return fn(h, src2d, dst2d, zeros64)


def _sc_deg_body(n_pad, cpw, dst_hbm, z16_hbm, ones_hbm, deg_out,
                 dst_all, ones_v, deg_sh):
    cid = lax.axis_index("c")
    sid = lax.axis_index("s")
    wid = cid * _NS + sid
    rpt = n_pad // _NS
    i0 = sid * rpt

    pltpu.sync_copy(z16_hbm.at[pl.ds(i0, rpt)], deg_sh.at[pl.ds(i0, rpt)])
    pltpu.sync_copy(dst_hbm.at[pl.ds(wid * cpw, cpw)], dst_all)
    pltpu.sync_copy(ones_hbm, ones_v)
    plsc.subcore_barrier()

    def step(j, carry):
        pltpu.sync_copy(ones_v, deg_sh.at[dst_all.at[j]], add=True)
        return carry

    lax.fori_loop(0, cpw, step, 0)
    plsc.subcore_barrier()
    pltpu.sync_copy(deg_sh.at[pl.ds(i0, rpt)],
                    deg_out.at[cid, pl.ds(i0, rpt)])


def _sc_deg(dst2d, zeros16, ones, n_pad):
    cpw = dst2d.shape[0] // _NW
    mesh = plsc.VectorSubcoreMesh(core_axis_name="c", subcore_axis_name="s")
    f32 = jnp.float32
    fn = pl.kernel(functools.partial(_sc_deg_body, n_pad, cpw),
                   out_type=(jax.ShapeDtypeStruct((_NC, n_pad, _DEGW), f32),),
                   mesh=mesh,
                   scratch_types=(pltpu.VMEM((cpw, _CH), jnp.int32),
                                  pltpu.VMEM((_CH, _DEGW), f32),
                                  pltpu.VMEM_SHARED((n_pad, _DEGW), f32)),
                   compiler_params=pltpu.CompilerParams(
                       use_tc_tiling_on_sc=False))
    (deg,) = fn(dst2d, zeros16, ones)
    return deg


def _tc_l0(x, a0p, a1p, degp, z_q, Wn0, Ws0, b0):
    n_pad = x.shape[0]
    bn = n_pad // 16

    def body(x_ref, a0_ref, a1_ref, d_ref, zq_ref, wn_ref, ws_ref, b_ref,
             h_ref):
        deg = d_ref[0, :, :1] + d_ref[1, :, :1]
        cd = jnp.maximum(deg, 1.0)
        xb = x_ref[...]
        zq = zq_ref[...]
        m0 = (a0_ref[0] + a0_ref[1]) / cd
        m1 = (a1_ref[0] + a1_ref[1]) / cd
        self_t = (_bdot(xb, ws_ref[:_LAT]) + _bdot(zq, ws_ref[_LAT:]))
        zn = _bdot(zq, wn_ref[_LAT:])
        neigh = (_bdot(m0, wn_ref[:_HID]) + _bdot(m1, wn_ref[_HID:_LAT])
                 + jnp.where(deg > 0.0, zn, 0.0))
        h_ref[...] = jnp.maximum(self_t + neigh + b_ref[...], 0.0)

    return pl.pallas_call(
        body,
        grid=(n_pad // bn,),
        in_specs=[pl.BlockSpec((bn, _LAT), lambda i: (i, 0)),
                  pl.BlockSpec((_NC, bn, _HID), lambda i: (0, i, 0)),
                  pl.BlockSpec((_NC, bn, _HID), lambda i: (0, i, 0)),
                  pl.BlockSpec((_NC, bn, _DEGW), lambda i: (0, i, 0)),
                  pl.BlockSpec((1, _LAT), lambda i: (0, 0)),
                  pl.BlockSpec((2 * _LAT, _HID), lambda i: (0, 0)),
                  pl.BlockSpec((2 * _LAT, _HID), lambda i: (0, 0)),
                  pl.BlockSpec((1, _HID), lambda i: (0, 0))],
        out_specs=pl.BlockSpec((bn, _HID), lambda i: (i, 0)),
        out_shape=jax.ShapeDtypeStruct((n_pad, _HID), jnp.float32),
    )(x, a0p, a1p, degp, z_q.reshape(1, _LAT), Wn0, Ws0, b0.reshape(1, _HID))


def _tc_mid(h, aggp, degp, Wn, Ws, b):
    n_pad = h.shape[0]
    bn = n_pad // 16

    def body(h_ref, a_ref, d_ref, wn_ref, ws_ref, b_ref, o_ref):
        deg = d_ref[0, :, :1] + d_ref[1, :, :1]
        mean = (a_ref[0] + a_ref[1]) / jnp.maximum(deg, 1.0)
        o_ref[...] = jnp.maximum(
            _bdot(h_ref[...], ws_ref[...]) + _bdot(mean, wn_ref[...])
            + b_ref[...], 0.0)

    return pl.pallas_call(
        body,
        grid=(n_pad // bn,),
        in_specs=[pl.BlockSpec((bn, _HID), lambda i: (i, 0)),
                  pl.BlockSpec((_NC, bn, _HID), lambda i: (0, i, 0)),
                  pl.BlockSpec((_NC, bn, _DEGW), lambda i: (0, i, 0)),
                  pl.BlockSpec((_HID, _HID), lambda i: (0, 0)),
                  pl.BlockSpec((_HID, _HID), lambda i: (0, 0)),
                  pl.BlockSpec((1, _HID), lambda i: (0, 0))],
        out_specs=pl.BlockSpec((bn, _HID), lambda i: (i, 0)),
        out_shape=jax.ShapeDtypeStruct((n_pad, _HID), jnp.float32),
    )(h, aggp, degp, Wn, Ws, b.reshape(1, _HID))


def _tc_final(n, h, aggp, degp, pos, Wn2, Ws2, b2, Sw0, Sb0, Sw1, Sb1):
    n_pad = h.shape[0]

    def body(h_ref, a_ref, d_ref, pos_ref, wn_ref, ws_ref, b_ref,
             w0_ref, b0_ref, w1_ref, b1_ref, p_ref, w_ref):
        deg = d_ref[0, :, :1] + d_ref[1, :, :1]
        mean = (a_ref[0] + a_ref[1]) / jnp.maximum(deg, 1.0)
        h3 = (_bdot(h_ref[...], ws_ref[...]) + _bdot(mean, wn_ref[...])
              + b_ref[...])
        m = jnp.maximum(_bdot(h3, w0_ref[...]) + b0_ref[...], 0.0)
        sc = _bdot(m, w1_ref[...]) + b1_ref[0, 0]
        rid = lax.broadcasted_iota(jnp.int32, (n_pad, 1), 0)
        sc = jnp.where(rid < n, sc, -jnp.inf)
        e = jnp.exp(sc - jnp.max(sc))
        w = e / jnp.sum(e)
        w_ref[...] = w
        p_ref[...] = jnp.sum(w * pos_ref[...], axis=0, keepdims=True)

    return pl.pallas_call(
        body,
        out_shape=[jax.ShapeDtypeStruct((1, 2), jnp.float32),
                   jax.ShapeDtypeStruct((n_pad, 1), jnp.float32)],
    )(h, aggp, degp, pos, Wn2, Ws2, b2.reshape(1, _HID),
      Sw0, Sb0.reshape(1, _HID), Sw1, Sb1.reshape(1, 1))


def kernel(x, pos, edge_index, z_q, Ws0, Wn0, b0, Ws1, Wn1, b1,
           Ws2, Wn2, b2, Sw0, Sb0, Sw1, Sb1):
    n = x.shape[0]
    e = edge_index.shape[1]
    n_pad = ((n + 1 + _NS * 8 - 1) // (_NS * 8)) * (_NS * 8)

    step = _NW * _CH * _NB
    e_pad = ((e + step - 1) // step) * step
    src = jnp.concatenate(
        [edge_index[0], jnp.zeros((e_pad - e,), jnp.int32)]).reshape(-1, _CH)
    dst = jnp.concatenate(
        [edge_index[1], jnp.full((e_pad - e,), n, jnp.int32)]).reshape(-1, _CH)

    x_p = jnp.pad(x, ((0, n_pad - n), (0, 0)))
    pos_p = jnp.pad(pos, ((0, n_pad - n), (0, 0)))
    zeros64 = jnp.zeros((n_pad, _HID), jnp.float32)
    zeros16 = jnp.zeros((n_pad, _DEGW), jnp.float32)
    ones = jnp.ones((_CH, _DEGW), jnp.float32)

    degp = _sc_deg(dst, zeros16, ones, n_pad)

    (a0,) = _sc_segsum(x_p[:, :_HID], src, dst, zeros64)
    (a1,) = _sc_segsum(x_p[:, _HID:], src, dst, zeros64)
    h1 = _tc_l0(x_p, a0, a1, degp, z_q, Wn0, Ws0, b0)
    (agg1,) = _sc_segsum(h1, src, dst, zeros64)
    h2 = _tc_mid(h1, agg1, degp, Wn1, Ws1, b1)
    (agg2,) = _sc_segsum(h2, src, dst, zeros64)
    p2d, w2d = _tc_final(n, h2, agg2, degp, pos_p, Wn2, Ws2, b2,
                         Sw0, Sb0, Sw1, Sb1)

    return (p2d.reshape(2), w2d[:n].reshape(n))

# --- scband reference (transcript-rebuilt; emitter-appended) ---
"""Pipeline reference for scband-flindoor-model-21234318311890 (READ-ONLY COPY).

The authoritative reference and input builder live on the scoring server;
editing this copy changes nothing except your own understanding.
"""

import jax, jax.numpy as jnp
import numpy as np

N = 10000
E = 320000
LAT = 128
HID = 64


def _xavier(k, fi, fo):
    a = float(np.sqrt(6.0 / (fi + fo)))
    return jax.random.uniform(k, (fi, fo), jnp.float32, -a, a)


def setup_inputs(seed: int = 0) -> dict:
    key = jax.random.key(seed)
    ks = jax.random.split(key, 16)
    x = jax.random.normal(ks[0], (N, LAT), jnp.float32)
    pos = jax.random.normal(ks[1], (N, 2), jnp.float32)
    edge_index = jax.random.randint(ks[2], (2, E), 0, N, jnp.int32)
    z_q = jax.random.normal(ks[3], (LAT,), jnp.float32)
    # FlexibleGNN (sage): 3 SAGEConv layers, in_dim = 2*LAT -> HID -> HID -> HID
    Ws0 = _xavier(ks[4], 2 * LAT, HID); Wn0 = _xavier(ks[5], 2 * LAT, HID); b0 = jnp.zeros((HID,), jnp.float32)
    Ws1 = _xavier(ks[6], HID, HID); Wn1 = _xavier(ks[7], HID, HID); b1 = jnp.zeros((HID,), jnp.float32)
    Ws2 = _xavier(ks[8], HID, HID); Wn2 = _xavier(ks[9], HID, HID); b2 = jnp.zeros((HID,), jnp.float32)
    # scorer: Linear(HID,HID) + ReLU + Linear(HID,1)
    Sw0 = _xavier(ks[10], HID, HID); Sb0 = jnp.zeros((HID,), jnp.float32)
    Sw1 = _xavier(ks[11], HID, 1); Sb1 = jnp.zeros((1,), jnp.float32)
    return {"x": x, "pos": pos, "edge_index": edge_index, "z_q": z_q,
            "Ws0": Ws0, "Wn0": Wn0, "b0": b0,
            "Ws1": Ws1, "Wn1": Wn1, "b1": b1,
            "Ws2": Ws2, "Wn2": Wn2, "b2": b2,
            "Sw0": Sw0, "Sb0": Sb0, "Sw1": Sw1, "Sb1": Sb1}


def _sage_layer(h, src, dst, Ws, Wn, b, n):
    # GraphSAGE (mean aggregator): W_self * h_i + W_neigh * mean_{j->i} h_j + b
    msg = jnp.take(h, src, axis=0)
    agg = jax.ops.segment_sum(msg, dst, num_segments=n)
    deg = jax.ops.segment_sum(jnp.ones((src.shape[0],), h.dtype), dst, num_segments=n)
    mean = agg / jnp.clip(deg, 1.0)[:, None]
    return h @ Ws + mean @ Wn + b


def reference(x, pos, edge_index, z_q, Ws0, Wn0, b0, Ws1, Wn1, b1, Ws2, Wn2, b2, Sw0, Sb0, Sw1, Sb1):
    n = x.shape[0]
    src = edge_index[0]
    dst = edge_index[1]
    # inject query embedding into all nodes
    z_tiled = jnp.broadcast_to(z_q[None, :], (n, z_q.shape[0]))
    h = jnp.concatenate([x, z_tiled], axis=-1)
    # FlexibleGNN backbone (sage, 3 layers, dropout inactive at eval)
    h = jax.nn.relu(_sage_layer(h, src, dst, Ws0, Wn0, b0, n))
    h = jax.nn.relu(_sage_layer(h, src, dst, Ws1, Wn1, b1, n))
    h = _sage_layer(h, src, dst, Ws2, Wn2, b2, n)
    # scorer
    scores = (jax.nn.relu(h @ Sw0 + Sb0) @ Sw1 + Sb1)[:, 0]
    w = jax.nn.softmax(scores, axis=0)
    p_hat = jnp.sum(w[:, None] * pos, axis=0)
    return (p_hat, w)

if __name__ == "__main__":
    import jax
    _d = setup_inputs()
    print(jax.jit(kernel)(*tuple(_d.values())))

</pallas_src>

<mosaic_0001>
#map = affine_map<(d0, d1) -> (0, 0)>
#map1 = affine_map<(d0, d1) -> (0, 0, 0)>
module attributes {stable_mosaic.version = 14 : i64} {
  func.func @_sc_body(%arg0: i32, %arg1: i32, %arg2: memref<10112x64xf32, #tpu.memory_space<hbm>>, %arg3: memref<2560x128xi32, #tpu.memory_space<hbm>>, %arg4: memref<2560x128xi32, #tpu.memory_space<hbm>>, %arg5: memref<10112x64xf32, #tpu.memory_space<hbm>>, %arg6: memref<2x10112x64xf32, #tpu.memory_space<hbm>>, %arg7: memref<80x128xi32, #tpu.memory_space<vmem>>, %arg8: memref<80x128xi32, #tpu.memory_space<vmem>>, %arg9: memref<128x64xf32, #tpu.memory_space<vmem>>, %arg10: memref<128x64xf32, #tpu.memory_space<vmem>>, %arg11: memref<10112x64xf32, #tpu.memory_space<vmem_shared>>, %arg12: memref<10112x64xf32, #tpu.memory_space<vmem_shared>>, %arg13: memref<!tpu.dma_semaphore, #tpu.memory_space<semaphore_mem>>, %arg14: memref<!tpu.dma_semaphore, #tpu.memory_space<semaphore_mem>>) attributes {dimension_semantics = [#tpu.dimension_semantics<core_parallel>, #tpu.dimension_semantics<subcore_parallel>], iteration_bounds = array<i64: 2, 16>, scalar_prefetch = 0 : i64, scratch_operands = 8 : i64, tpu.core_type = #tpu.core_type<sc_vector_subcore>, window_params = [{transform_indices = #map}, {transform_indices = #map}, {transform_indices = #map}, {transform_indices = #map}, {transform_indices = #map1}]} {
    %mul3A = arith.constant 16 : i32
    %mul3A_0 = arith.muli %arg0, %mul3A : i32
    %add3A = arith.addi %mul3A_0, %arg1 : i32
    %mul3A_1 = arith.constant 632 : i32
    %mul3A_2 = arith.muli %arg1, %mul3A_1 : i32
    "tpu.region"() ({
      %run_scoped3A_40 = tpu.sem_alloc : memref<!tpu.dma_semaphore, #tpu.memory_space<semaphore_mem>>
      %dma_start3A_41 = arith.constant 0 : i32
      %dma_start3A_42 = tpu.memref_slice %arg11[%mul3A_2, %dma_start3A_41] : memref<10112x64xf32, #tpu.memory_space<vmem_shared>> -> memref<632x64xf32, #tpu.memory_space<vmem_shared>>
      %dma_start3A_43 = arith.constant 0 : i32
      %dma_start3A_44 = tpu.memref_slice %arg2[%mul3A_2, %dma_start3A_43] : memref<10112x64xf32, #tpu.memory_space<hbm>> -> memref<632x64xf32, #tpu.memory_space<hbm>>
      tpu.enqueue_dma source(%dma_start3A_44 : memref<632x64xf32, #tpu.memory_space<hbm>>) target(%dma_start3A_42 : memref<632x64xf32, #tpu.memory_space<vmem_shared>>) target_semaphore(%run_scoped3A_40 : memref<!tpu.dma_semaphore, #tpu.memory_space<semaphore_mem>>)
      %dma_wait3A_45 = arith.constant 0 : i32
      %dma_wait3A_46 = tpu.memref_slice %arg11[%mul3A_2, %dma_wait3A_45] : memref<10112x64xf32, #tpu.memory_space<vmem_shared>> -> memref<632x64xf32, #tpu.memory_space<vmem_shared>>
      %dma_wait3A_47 = arith.constant 0 : i32
      %dma_wait3A_48 = tpu.memref_slice %arg2[%mul3A_2, %dma_wait3A_47] : memref<10112x64xf32, #tpu.memory_space<hbm>> -> memref<632x64xf32, #tpu.memory_space<hbm>>
      tpu.wait_dma2 semaphore(%run_scoped3A_40 : memref<!tpu.dma_semaphore, #tpu.memory_space<semaphore_mem>>) src(%dma_wait3A_48 : memref<632x64xf32, #tpu.memory_space<hbm>>) dst(%dma_wait3A_46 : memref<632x64xf32, #tpu.memory_space<vmem_shared>>)
      tpu.yield
    }) : () -> ()
    "tpu.region"() ({
      %run_scoped3A_40 = tpu.sem_alloc : memref<!tpu.dma_semaphore, #tpu.memory_space<semaphore_mem>>
      %dma_start3A_41 = arith.constant 0 : i32
      %dma_start3A_42 = tpu.memref_slice %arg12[%mul3A_2, %dma_start3A_41] : memref<10112x64xf32, #tpu.memory_space<vmem_shared>> -> memref<632x64xf32, #tpu.memory_space<vmem_shared>>
      %dma_start3A_43 = arith.constant 0 : i32
      %dma_start3A_44 = tpu.memref_slice %arg5[%mul3A_2, %dma_start3A_43] : memref<10112x64xf32, #tpu.memory_space<hbm>> -> memref<632x64xf32, #tpu.memory_space<hbm>>
      tpu.enqueue_dma source(%dma_start3A_44 : memref<632x64xf32, #tpu.memory_space<hbm>>) target(%dma_start3A_42 : memref<632x64xf32, #tpu.memory_space<vmem_shared>>) target_semaphore(%run_scoped3A_40 : memref<!tpu.dma_semaphore, #tpu.memory_space<semaphore_mem>>)
      %dma_wait3A_45 = arith.constant 0 : i32
      %dma_wait3A_46 = tpu.memref_slice %arg12[%mul3A_2, %dma_wait3A_45] : memref<10112x64xf32, #tpu.memory_space<vmem_shared>> -> memref<632x64xf32, #tpu.memory_space<vmem_shared>>
      %dma_wait3A_47 = arith.constant 0 : i32
      %dma_wait3A_48 = tpu.memref_slice %arg5[%mul3A_2, %dma_wait3A_47] : memref<10112x64xf32, #tpu.memory_space<hbm>> -> memref<632x64xf32, #tpu.memory_space<hbm>>
      tpu.wait_dma2 semaphore(%run_scoped3A_40 : memref<!tpu.dma_semaphore, #tpu.memory_space<semaphore_mem>>) src(%dma_wait3A_48 : memref<632x64xf32, #tpu.memory_space<hbm>>) dst(%dma_wait3A_46 : memref<632x64xf32, #tpu.memory_space<vmem_shared>>)
      tpu.yield
    }) : () -> ()
    %mul3A_3 = arith.constant 80 : i32
    %mul3A_4 = arith.muli %add3A, %mul3A_3 : i32
    "tpu.region"() ({
      %run_scoped3A_40 = tpu.sem_alloc : memref<!tpu.dma_semaphore, #tpu.memory_space<semaphore_mem>>
      %dma_start3A_41 = arith.constant 0 : i32
      %dma_start3A_42 = tpu.memref_slice %arg3[%mul3A_4, %dma_start3A_41] : memref<2560x128xi32, #tpu.memory_space<hbm>> -> memref<80x128xi32, #tpu.memory_space<hbm>>
      %dma_start3A_43 = arith.constant 0 : i32
      %dma_start3A_44 = tpu.memref_slice %arg3[%mul3A_4, %dma_start3A_43] : memref<2560x128xi32, #tpu.memory_space<hbm>> -> memref<80x128xi32, #tpu.memory_space<hbm>>
      tpu.enqueue_dma source(%dma_start3A_44 : memref<80x128xi32, #tpu.memory_space<hbm>>) target(%arg7 : memref<80x128xi32, #tpu.memory_space<vmem>>) target_semaphore(%run_scoped3A_40 : memref<!tpu.dma_semaphore, #tpu.memory_space<semaphore_mem>>)
      %dma_wait3A_45 = arith.constant 0 : i32
      %dma_wait3A_46 = tpu.memref_slice %arg3[%mul3A_4, %dma_wait3A_45] : memref<2560x128xi32, #tpu.memory_space<hbm>> -> memref<80x128xi32, #tpu.memory_space<hbm>>
      %dma_wait3A_47 = arith.constant 0 : i32
      %dma_wait3A_48 = tpu.memref_slice %arg3[%mul3A_4, %dma_wait3A_47] : memref<2560x128xi32, #tpu.memory_space<hbm>> -> memref<80x128xi32, #tpu.memory_space<hbm>>
      tpu.wait_dma2 semaphore(%run_scoped3A_40 : memref<!tpu.dma_semaphore, #tpu.memory_space<semaphore_mem>>) src(%dma_wait3A_48 : memref<80x128xi32, #tpu.memory_space<hbm>>) dst(%arg7 : memref<80x128xi32, #tpu.memory_space<vmem>>)
      tpu.yield
    }) : () -> ()
    %mul3A_5 = arith.constant 80 : i32
    %mul3A_6 = arith.muli %add3A, %mul3A_5 : i32
    "tpu.region"() ({
      %run_scoped3A_40 = tpu.sem_alloc : memref<!tpu.dma_semaphore, #tpu.memory_space<semaphore_mem>>
      %dma_start3A_41 = arith.constant 0 : i32
      %dma_start3A_42 = tpu.memref_slice %arg4[%mul3A_6, %dma_start3A_41] : memref<2560x128xi32, #tpu.memory_space<hbm>> -> memref<80x128xi32, #tpu.memory_space<hbm>>
      %dma_start3A_43 = arith.constant 0 : i32
      %dma_start3A_44 = tpu.memref_slice %arg4[%mul3A_6, %dma_start3A_43] : memref<2560x128xi32, #tpu.memory_space<hbm>> -> memref<80x128xi32, #tpu.memory_space<hbm>>
      tpu.enqueue_dma source(%dma_start3A_44 : memref<80x128xi32, #tpu.memory_space<hbm>>) target(%arg8 : memref<80x128xi32, #tpu.memory_space<vmem>>) target_semaphore(%run_scoped3A_40 : memref<!tpu.dma_semaphore, #tpu.memory_space<semaphore_mem>>)
      %dma_wait3A_45 = arith.constant 0 : i32
      %dma_wait3A_46 = tpu.memref_slice %arg4[%mul3A_6, %dma_wait3A_45] : memref<2560x128xi32, #tpu.memory_space<hbm>> -> memref<80x128xi32, #tpu.memory_space<hbm>>
      %dma_wait3A_47 = arith.constant 0 : i32
      %dma_wait3A_48 = tpu.memref_slice %arg4[%mul3A_6, %dma_wait3A_47] : memref<2560x128xi32, #tpu.memory_space<hbm>> -> memref<80x128xi32, #tpu.memory_space<hbm>>
      tpu.wait_dma2 semaphore(%run_scoped3A_40 : memref<!tpu.dma_semaphore, #tpu.memory_space<semaphore_mem>>) src(%dma_wait3A_48 : memref<80x128xi32, #tpu.memory_space<hbm>>) dst(%arg8 : memref<80x128xi32, #tpu.memory_space<vmem>>)
      tpu.yield
    }) : () -> ()
    %barrier3A = arith.constant 0 : index
    tpu.barrier barrier_id(%barrier3A)
    %dma_start3A = arith.constant 0 : i32
    %dma_start3A_7 = arith.constant 0 : i32
    %dma_start3A_8 = tpu.memref_slice %arg7[%dma_start3A, %dma_start3A_7] : memref<80x128xi32, #tpu.memory_space<vmem>> -> memref<1x128xi32, #tpu.memory_space<vmem>>
    %dma_start3A_9 = tpu.memref_squeeze %dma_start3A_8 : memref<1x128xi32, #tpu.memory_space<vmem>> -> memref<128xi32, #tpu.memory_space<vmem>>
    %dma_start3A_10 = arith.constant 0 : i32
    %dma_start3A_11 = arith.constant 0 : i32
    %dma_start3A_12 = tpu.memref_slice %arg11[%dma_start3A_10, %dma_start3A_11] : memref<10112x64xf32, #tpu.memory_space<vmem_shared>> -> memref<10112x64xf32, #tpu.memory_space<vmem_shared>>
    tpu.enqueue_indirect_dma source(%dma_start3A_12 : memref<10112x64xf32, #tpu.memory_space<vmem_shared>>) target(%arg9 : memref<128x64xf32, #tpu.memory_space<vmem>>) offsets(%dma_start3A_9 : memref<128xi32, #tpu.memory_space<vmem>>) semaphore(%arg13 : memref<!tpu.dma_semaphore, #tpu.memory_space<semaphore_mem>>)
    %dma_start3A_13 = arith.constant 1 : i32
    %dma_start3A_14 = arith.constant 0 : i32
    %dma_start3A_15 = tpu.memref_slice %arg7[%dma_start3A_13, %dma_start3A_14] : memref<80x128xi32, #tpu.memory_space<vmem>> -> memref<1x128xi32, #tpu.memory_space<vmem>>
    %dma_start3A_16 = tpu.memref_squeeze %dma_start3A_15 : memref<1x128xi32, #tpu.memory_space<vmem>> -> memref<128xi32, #tpu.memory_space<vmem>>
    %dma_start3A_17 = arith.constant 0 : i32
    %dma_start3A_18 = arith.constant 0 : i32
    %dma_start3A_19 = tpu.memref_slice %arg11[%dma_start3A_17, %dma_start3A_18] : memref<10112x64xf32, #tpu.memory_space<vmem_shared>> -> memref<10112x64xf32, #tpu.memory_space<vmem_shared>>
    tpu.enqueue_indirect_dma source(%dma_start3A_19 : memref<10112x64xf32, #tpu.memory_space<vmem_shared>>) target(%arg10 : memref<128x64xf32, #tpu.memory_space<vmem>>) offsets(%dma_start3A_16 : memref<128xi32, #tpu.memory_space<vmem>>) semaphore(%arg14 : memref<!tpu.dma_semaphore, #tpu.memory_space<semaphore_mem>>)
    %scan3A = arith.constant 0 : i32
    %scan3A_20 = arith.constant 0 : i32
    %scan3A_21 = arith.constant 39 : i32
    %scan3A_22 = arith.addi %scan3A_20, %scan3A_21 : i32
    %scan3A_23 = arith.constant 1 : i32
    scf.for %scan3A_40 = %scan3A_20 to %scan3A_22 step %scan3A_23  : i32 {
      %mul3A_41 = arith.constant 2 : i32
      %mul3A_42 = arith.muli %scan3A_40, %mul3A_41 : i32
      %add3A_43 = arith.constant 0 : i32
      %add3A_44 = arith.addi %mul3A_42, %add3A_43 : i32
      %dma_wait3A_45 = arith.constant 0 : i32
      %dma_wait3A_46 = tpu.memref_slice %arg7[%add3A_44, %dma_wait3A_45] : memref<80x128xi32, #tpu.memory_space<vmem>> -> memref<1x128xi32, #tpu.memory_space<vmem>>
      %dma_wait3A_47 = tpu.memref_squeeze %dma_wait3A_46 : memref<1x128xi32, #tpu.memory_space<vmem>> -> memref<128xi32, #tpu.memory_space<vmem>>
      %dma_wait3A_48 = arith.constant 0 : i32
      %dma_wait3A_49 = arith.constant 0 : i32
      %dma_wait3A_50 = tpu.memref_slice %arg11[%dma_wait3A_48, %dma_wait3A_49] : memref<10112x64xf32, #tpu.memory_space<vmem_shared>> -> memref<10112x64xf32, #tpu.memory_space<vmem_shared>>
      tpu.wait_indirect_dma semaphore(%arg13 : memref<!tpu.dma_semaphore, #tpu.memory_space<semaphore_mem>>) src(%dma_wait3A_50 : memref<10112x64xf32, #tpu.memory_space<vmem_shared>>) dst(%arg9 : memref<128x64xf32, #tpu.memory_space<vmem>>)
      "tpu.region"() ({
        %run_scoped3A_77 = tpu.sem_alloc : memref<!tpu.dma_semaphore, #tpu.memory_space<semaphore_mem>>
        %dma_start3A_78 = arith.constant 0 : i32
        %dma_start3A_79 = tpu.memref_slice %arg8[%add3A_44, %dma_start3A_78] : memref<80x128xi32, #tpu.memory_space<vmem>> -> memref<1x128xi32, #tpu.memory_space<vmem>>
        %dma_start3A_80 = tpu.memref_squeeze %dma_start3A_79 : memref<1x128xi32, #tpu.memory_space<vmem>> -> memref<128xi32, #tpu.memory_space<vmem>>
        %dma_start3A_81 = arith.constant 0 : i32
        %dma_start3A_82 = arith.constant 0 : i32
        %dma_start3A_83 = tpu.memref_slice %arg12[%dma_start3A_81, %dma_start3A_82] : memref<10112x64xf32, #tpu.memory_space<vmem_shared>> -> memref<10112x64xf32, #tpu.memory_space<vmem_shared>>
        tpu.enqueue_indirect_dma source(%arg9 : memref<128x64xf32, #tpu.memory_space<vmem>>) target(%dma_start3A_83 : memref<10112x64xf32, #tpu.memory_space<vmem_shared>>) offsets(%dma_start3A_80 : memref<128xi32, #tpu.memory_space<vmem>>) semaphore(%run_scoped3A_77 : memref<!tpu.dma_semaphore, #tpu.memory_space<semaphore_mem>>) {add = true}
        %dma_wait3A_84 = arith.constant 0 : i32
        %dma_wait3A_85 = tpu.memref_slice %arg8[%add3A_44, %dma_wait3A_84] : memref<80x128xi32, #tpu.memory_space<vmem>> -> memref<1x128xi32, #tpu.memory_space<vmem>>
        %dma_wait3A_86 = tpu.memref_squeeze %dma_wait3A_85 : memref<1x128xi32, #tpu.memory_space<vmem>> -> memref<128xi32, #tpu.memory_space<vmem>>
        %dma_wait3A_87 = arith.constant 0 : i32
        %dma_wait3A_88 = arith.constant 0 : i32
        %dma_wait3A_89 = tpu.memref_slice %arg12[%dma_wait3A_87, %dma_wait3A_88] : memref<10112x64xf32, #tpu.memory_space<vmem_shared>> -> memref<10112x64xf32, #tpu.memory_space<vmem_shared>>
        tpu.wait_indirect_dma semaphore(%run_scoped3A_77 : memref<!tpu.dma_semaphore, #tpu.memory_space<semaphore_mem>>) src(%arg9 : memref<128x64xf32, #tpu.memory_space<vmem>>) dst(%dma_wait3A_89 : memref<10112x64xf32, #tpu.memory_space<vmem_shared>>)
        tpu.yield
      }) : () -> ()
      %add3A_51 = arith.constant 2 : i32
      %add3A_52 = arith.addi %add3A_44, %add3A_51 : i32
      %dma_start3A_53 = arith.constant 0 : i32
      %dma_start3A_54 = tpu.memref_slice %arg7[%add3A_52, %dma_start3A_53] : memref<80x128xi32, #tpu.memory_space<vmem>> -> memref<1x128xi32, #tpu.memory_space<vmem>>
      %dma_start3A_55 = tpu.memref_squeeze %dma_start3A_54 : memref<1x128xi32, #tpu.memory_space<vmem>> -> memref<128xi32, #tpu.memory_space<vmem>>
      %dma_start3A_56 = arith.constant 0 : i32
      %dma_start3A_57 = arith.constant 0 : i32
      %dma_start3A_58 = tpu.memref_slice %arg11[%dma_start3A_56, %dma_start3A_57] : memref<10112x64xf32, #tpu.memory_space<vmem_shared>> -> memref<10112x64xf32, #tpu.memory_space<vmem_shared>>
      tpu.enqueue_indirect_dma source(%dma_start3A_58 : memref<10112x64xf32, #tpu.memory_space<vmem_shared>>) target(%arg9 : memref<128x64xf32, #tpu.memory_space<vmem>>) offsets(%dma_start3A_55 : memref<128xi32, #tpu.memory_space<vmem>>) semaphore(%arg13 : memref<!tpu.dma_semaphore, #tpu.memory_space<semaphore_mem>>)
      %mul3A_59 = arith.constant 2 : i32
      %mul3A_60 = arith.muli %scan3A_40, %mul3A_59 : i32
      %add3A_61 = arith.constant 1 : i32
      %add3A_62 = arith.addi %mul3A_60, %add3A_61 : i32
      %dma_wait3A_63 = arith.constant 0 : i32
      %dma_wait3A_64 = tpu.memref_slice %arg7[%add3A_62, %dma_wait3A_63] : memref<80x128xi32, #tpu.memory_space<vmem>> -> memref<1x128xi32, #tpu.memory_space<vmem>>
      %dma_wait3A_65 = tpu.memref_squeeze %dma_wait3A_64 : memref<1x128xi32, #tpu.memory_space<vmem>> -> memref<128xi32, #tpu.memory_space<vmem>>
      %dma_wait3A_66 = arith.constant 0 : i32
      %dma_wait3A_67 = arith.constant 0 : i32
      %dma_wait3A_68 = tpu.memref_slice %arg11[%dma_wait3A_66, %dma_wait3A_67] : memref<10112x64xf32, #tpu.memory_space<vmem_shared>> -> memref<10112x64xf32, #tpu.memory_space<vmem_shared>>
      tpu.wait_indirect_dma semaphore(%arg14 : memref<!tpu.dma_semaphore, #tpu.memory_space<semaphore_mem>>) src(%dma_wait3A_68 : memref<10112x64xf32, #tpu.memory_space<vmem_shared>>) dst(%arg10 : memref<128x64xf32, #tpu.memory_space<vmem>>)
      "tpu.region"() ({
        %run_scoped3A_77 = tpu.sem_alloc : memref<!tpu.dma_semaphore, #tpu.memory_space<semaphore_mem>>
        %dma_start3A_78 = arith.constant 0 : i32
        %dma_start3A_79 = tpu.memref_slice %arg8[%add3A_62, %dma_start3A_78] : memref<80x128xi32, #tpu.memory_space<vmem>> -> memref<1x128xi32, #tpu.memory_space<vmem>>
        %dma_start3A_80 = tpu.memref_squeeze %dma_start3A_79 : memref<1x128xi32, #tpu.memory_space<vmem>> -> memref<128xi32, #tpu.memory_space<vmem>>
        %dma_start3A_81 = arith.constant 0 : i32
        %dma_start3A_82 = arith.constant 0 : i32
        %dma_start3A_83 = tpu.memref_slice %arg12[%dma_start3A_81, %dma_start3A_82] : memref<10112x64xf32, #tpu.memory_space<vmem_shared>> -> memref<10112x64xf32, #tpu.memory_space<vmem_shared>>
        tpu.enqueue_indirect_dma source(%arg10 : memref<128x64xf32, #tpu.memory_space<vmem>>) target(%dma_start3A_83 : memref<10112x64xf32, #tpu.memory_space<vmem_shared>>) offsets(%dma_start3A_80 : memref<128xi32, #tpu.memory_space<vmem>>) semaphore(%run_scoped3A_77 : memref<!tpu.dma_semaphore, #tpu.memory_space<semaphore_mem>>) {add = true}
        %dma_wait3A_84 = arith.constant 0 : i32
        %dma_wait3A_85 = tpu.memref_slice %arg8[%add3A_62, %dma_wait3A_84] : memref<80x128xi32, #tpu.memory_space<vmem>> -> memref<1x128xi32, #tpu.memory_space<vmem>>
        %dma_wait3A_86 = tpu.memref_squeeze %dma_wait3A_85 : memref<1x128xi32, #tpu.memory_space<vmem>> -> memref<128xi32, #tpu.memory_space<vmem>>
        %dma_wait3A_87 = arith.constant 0 : i32
        %dma_wait3A_88 = arith.constant 0 : i32
        %dma_wait3A_89 = tpu.memref_slice %arg12[%dma_wait3A_87, %dma_wait3A_88] : memref<10112x64xf32, #tpu.memory_space<vmem_shared>> -> memref<10112x64xf32, #tpu.memory_space<vmem_shared>>
        tpu.wait_indirect_dma semaphore(%run_scoped3A_77 : memref<!tpu.dma_semaphore, #tpu.memory_space<semaphore_mem>>) src(%arg10 : memref<128x64xf32, #tpu.memory_space<vmem>>) dst(%dma_wait3A_89 : memref<10112x64xf32, #tpu.memory_space<vmem_shared>>)
        tpu.yield
      }) : () -> ()
      %add3A_69 = arith.constant 2 : i32
      %add3A_70 = arith.addi %add3A_62, %add3A_69 : i32
      %dma_start3A_71 = arith.constant 0 : i32
      %dma_start3A_72 = tpu.memref_slice %arg7[%add3A_70, %dma_start3A_71] : memref<80x128xi32, #tpu.memory_space<vmem>> -> memref<1x128xi32, #tpu.memory_space<vmem>>
      %dma_start3A_73 = tpu.memref_squeeze %dma_start3A_72 : memref<1x128xi32, #tpu.memory_space<vmem>> -> memref<128xi32, #tpu.memory_space<vmem>>
      %dma_start3A_74 = arith.constant 0 : i32
      %dma_start3A_75 = arith.constant 0 : i32
      %dma_start3A_76 = tpu.memref_slice %arg11[%dma_start3A_74, %dma_start3A_75] : memref<10112x64xf32, #tpu.memory_space<vmem_shared>> -> memref<10112x64xf32, #tpu.memory_space<vmem_shared>>
      tpu.enqueue_indirect_dma source(%dma_start3A_76 : memref<10112x64xf32, #tpu.memory_space<vmem_shared>>) target(%arg10 : memref<128x64xf32, #tpu.memory_space<vmem>>) offsets(%dma_start3A_73 : memref<128xi32, #tpu.memory_space<vmem>>) semaphore(%arg14 : memref<!tpu.dma_semaphore, #tpu.memory_space<semaphore_mem>>)
    }
    %scan3A_24 = arith.constant 39 : i32
    %dma_wait3A = arith.constant 78 : i32
    %dma_wait3A_25 = arith.constant 0 : i32
    %dma_wait3A_26 = tpu.memref_slice %arg7[%dma_wait3A, %dma_wait3A_25] : memref<80x128xi32, #tpu.memory_space<vmem>> -> memref<1x128xi32, #tpu.memory_space<vmem>>
    %dma_wait3A_27 = tpu.memref_squeeze %dma_wait3A_26 : memref<1x128xi32, #tpu.memory_space<vmem>> -> memref<128xi32, #tpu.memory_space<vmem>>
    %dma_wait3A_28 = arith.constant 0 : i32
    %dma_wait3A_29 = arith.constant 0 : i32
    %dma_wait3A_30 = tpu.memref_slice %arg11[%dma_wait3A_28, %dma_wait3A_29] : memref<10112x64xf32, #tpu.memory_space<vmem_shared>> -> memref<10112x64xf32, #tpu.memory_space<vmem_shared>>
    tpu.wait_indirect_dma semaphore(%arg13 : memref<!tpu.dma_semaphore, #tpu.memory_space<semaphore_mem>>) src(%dma_wait3A_30 : memref<10112x64xf32, #tpu.memory_space<vmem_shared>>) dst(%arg9 : memref<128x64xf32, #tpu.memory_space<vmem>>)
    %run_scoped3A = arith.constant 78 : i32
    "tpu.region"() ({
      %run_scoped3A_40 = tpu.sem_alloc : memref<!tpu.dma_semaphore, #tpu.memory_space<semaphore_mem>>
      %dma_start3A_41 = arith.constant 0 : i32
      %dma_start3A_42 = tpu.memref_slice %arg8[%run_scoped3A, %dma_start3A_41] : memref<80x128xi32, #tpu.memory_space<vmem>> -> memref<1x128xi32, #tpu.memory_space<vmem>>
      %dma_start3A_43 = tpu.memref_squeeze %dma_start3A_42 : memref<1x128xi32, #tpu.memory_space<vmem>> -> memref<128xi32, #tpu.memory_space<vmem>>
      %dma_start3A_44 = arith.constant 0 : i32
      %dma_start3A_45 = arith.constant 0 : i32
      %dma_start3A_46 = tpu.memref_slice %arg12[%dma_start3A_44, %dma_start3A_45] : memref<10112x64xf32, #tpu.memory_space<vmem_shared>> -> memref<10112x64xf32, #tpu.memory_space<vmem_shared>>
      tpu.enqueue_indirect_dma source(%arg9 : memref<128x64xf32, #tpu.memory_space<vmem>>) target(%dma_start3A_46 : memref<10112x64xf32, #tpu.memory_space<vmem_shared>>) offsets(%dma_start3A_43 : memref<128xi32, #tpu.memory_space<vmem>>) semaphore(%run_scoped3A_40 : memref<!tpu.dma_semaphore, #tpu.memory_space<semaphore_mem>>) {add = true}
      %dma_wait3A_47 = arith.constant 0 : i32
      %dma_wait3A_48 = tpu.memref_slice %arg8[%run_scoped3A, %dma_wait3A_47] : memref<80x128xi32, #tpu.memory_space<vmem>> -> memref<1x128xi32, #tpu.memory_space<vmem>>
      %dma_wait3A_49 = tpu.memref_squeeze %dma_wait3A_48 : memref<1x128xi32, #tpu.memory_space<vmem>> -> memref<128xi32, #tpu.memory_space<vmem>>
      %dma_wait3A_50 = arith.constant 0 : i32
      %dma_wait3A_51 = arith.constant 0 : i32
      %dma_wait3A_52 = tpu.memref_slice %arg12[%dma_wait3A_50, %dma_wait3A_51] : memref<10112x64xf32, #tpu.memory_space<vmem_shared>> -> memref<10112x64xf32, #tpu.memory_space<vmem_shared>>
      tpu.wait_indirect_dma semaphore(%run_scoped3A_40 : memref<!tpu.dma_semaphore, #tpu.memory_space<semaphore_mem>>) src(%arg9 : memref<128x64xf32, #tpu.memory_space<vmem>>) dst(%dma_wait3A_52 : memref<10112x64xf32, #tpu.memory_space<vmem_shared>>)
      tpu.yield
    }) : () -> ()
    %dma_wait3A_31 = arith.constant 79 : i32
    %dma_wait3A_32 = arith.constant 0 : i32
    %dma_wait3A_33 = tpu.memref_slice %arg7[%dma_wait3A_31, %dma_wait3A_32] : memref<80x128xi32, #tpu.memory_space<vmem>> -> memref<1x128xi32, #tpu.memory_space<vmem>>
    %dma_wait3A_34 = tpu.memref_squeeze %dma_wait3A_33 : memref<1x128xi32, #tpu.memory_space<vmem>> -> memref<128xi32, #tpu.memory_space<vmem>>
    %dma_wait3A_35 = arith.constant 0 : i32
    %dma_wait3A_36 = arith.constant 0 : i32
    %dma_wait3A_37 = tpu.memref_slice %arg11[%dma_wait3A_35, %dma_wait3A_36] : memref<10112x64xf32, #tpu.memory_space<vmem_shared>> -> memref<10112x64xf32, #tpu.memory_space<vmem_shared>>
    tpu.wait_indirect_dma semaphore(%arg14 : memref<!tpu.dma_semaphore, #tpu.memory_space<semaphore_mem>>) src(%dma_wait3A_37 : memref<10112x64xf32, #tpu.memory_space<vmem_shared>>) dst(%arg10 : memref<128x64xf32, #tpu.memory_space<vmem>>)
    %run_scoped3A_38 = arith.constant 79 : i32
    "tpu.region"() ({
      %run_scoped3A_40 = tpu.sem_alloc : memref<!tpu.dma_semaphore, #tpu.memory_space<semaphore_mem>>
      %dma_start3A_41 = arith.constant 0 : i32
      %dma_start3A_42 = tpu.memref_slice %arg8[%run_scoped3A_38, %dma_start3A_41] : memref<80x128xi32, #tpu.memory_space<vmem>> -> memref<1x128xi32, #tpu.memory_space<vmem>>
      %dma_start3A_43 = tpu.memref_squeeze %dma_start3A_42 : memref<1x128xi32, #tpu.memory_space<vmem>> -> memref<128xi32, #tpu.memory_space<vmem>>
      %dma_start3A_44 = arith.constant 0 : i32
      %dma_start3A_45 = arith.constant 0 : i32
      %dma_start3A_46 = tpu.memref_slice %arg12[%dma_start3A_44, %dma_start3A_45] : memref<10112x64xf32, #tpu.memory_space<vmem_shared>> -> memref<10112x64xf32, #tpu.memory_space<vmem_shared>>
      tpu.enqueue_indirect_dma source(%arg10 : memref<128x64xf32, #tpu.memory_space<vmem>>) target(%dma_start3A_46 : memref<10112x64xf32, #tpu.memory_space<vmem_shared>>) offsets(%dma_start3A_43 : memref<128xi32, #tpu.memory_space<vmem>>) semaphore(%run_scoped3A_40 : memref<!tpu.dma_semaphore, #tpu.memory_space<semaphore_mem>>) {add = true}
      %dma_wait3A_47 = arith.constant 0 : i32
      %dma_wait3A_48 = tpu.memref_slice %arg8[%run_scoped3A_38, %dma_wait3A_47] : memref<80x128xi32, #tpu.memory_space<vmem>> -> memref<1x128xi32, #tpu.memory_space<vmem>>
      %dma_wait3A_49 = tpu.memref_squeeze %dma_wait3A_48 : memref<1x128xi32, #tpu.memory_space<vmem>> -> memref<128xi32, #tpu.memory_space<vmem>>
      %dma_wait3A_50 = arith.constant 0 : i32
      %dma_wait3A_51 = arith.constant 0 : i32
      %dma_wait3A_52 = tpu.memref_slice %arg12[%dma_wait3A_50, %dma_wait3A_51] : memref<10112x64xf32, #tpu.memory_space<vmem_shared>> -> memref<10112x64xf32, #tpu.memory_space<vmem_shared>>
      tpu.wait_indirect_dma semaphore(%run_scoped3A_40 : memref<!tpu.dma_semaphore, #tpu.memory_space<semaphore_mem>>) src(%arg10 : memref<128x64xf32, #tpu.memory_space<vmem>>) dst(%dma_wait3A_52 : memref<10112x64xf32, #tpu.memory_space<vmem_shared>>)
      tpu.yield
    }) : () -> ()
    %barrier3A_39 = arith.constant 0 : index
    tpu.barrier barrier_id(%barrier3A_39)
    "tpu.region"() ({
      %run_scoped3A_40 = tpu.sem_alloc : memref<!tpu.dma_semaphore, #tpu.memory_space<semaphore_mem>>
      %dma_start3A_41 = arith.constant 0 : i32
      %dma_start3A_42 = tpu.memref_slice %arg6[%arg0, %mul3A_2, %dma_start3A_41] : memref<2x10112x64xf32, #tpu.memory_space<hbm>> -> memref<1x632x64xf32, #tpu.memory_space<hbm>>
      %dma_start3A_43 = tpu.memref_squeeze %dma_start3A_42 : memref<1x632x64xf32, #tpu.memory_space<hbm>> -> memref<632x64xf32, #tpu.memory_space<hbm>>
      %dma_start3A_44 = arith.constant 0 : i32
      %dma_start3A_45 = tpu.memref_slice %arg12[%mul3A_2, %dma_start3A_44] : memref<10112x64xf32, #tpu.memory_space<vmem_shared>> -> memref<632x64xf32, #tpu.memory_space<vmem_shared>>
      tpu.enqueue_dma source(%dma_start3A_45 : memref<632x64xf32, #tpu.memory_space<vmem_shared>>) target(%dma_start3A_43 : memref<632x64xf32, #tpu.memory_space<hbm>>) target_semaphore(%run_scoped3A_40 : memref<!tpu.dma_semaphore, #tpu.memory_space<semaphore_mem>>)
      %dma_wait3A_46 = arith.constant 0 : i32
      %dma_wait3A_47 = tpu.memref_slice %arg6[%arg0, %mul3A_2, %dma_wait3A_46] : memref<2x10112x64xf32, #tpu.memory_space<hbm>> -> memref<1x632x64xf32, #tpu.memory_space<hbm>>
      %dma_wait3A_48 = tpu.memref_squeeze %dma_wait3A_47 : memref<1x632x64xf32, #tpu.memory_space<hbm>> -> memref<632x64xf32, #tpu.memory_space<hbm>>
      %dma_wait3A_49 = arith.constant 0 : i32
      %dma_wait3A_50 = tpu.memref_slice %arg12[%mul3A_2, %dma_wait3A_49] : memref<10112x64xf32, #tpu.memory_space<vmem_shared>> -> memref<632x64xf32, #tpu.memory_space<vmem_shared>>
      tpu.wait_dma2 semaphore(%run_scoped3A_40 : memref<!tpu.dma_semaphore, #tpu.memory_space<semaphore_mem>>) src(%dma_wait3A_50 : memref<632x64xf32, #tpu.memory_space<vmem_shared>>) dst(%dma_wait3A_48 : memref<632x64xf32, #tpu.memory_space<hbm>>)
      tpu.yield
    }) : () -> ()
    return
  }
}

#map = affine_map<(d0, d1) -> (0, 0)>
#map1 = affine_map<(d0, d1) -> (0, 0, 0)>
module attributes {stable_mosaic.version = 14 : i64} {
  func.func @_sc_body(%arg0: i32, %arg1: i32, %arg2: memref<10112x64xf32, #tpu.memory_space<hbm>>, %arg3: memref<2560x128xi32, #tpu.memory_space<hbm>>, %arg4: memref<2560x128xi32, #tpu.memory_space<hbm>>, %arg5: memref<10112x64xf32, #tpu.memory_space<hbm>>, %arg6: memref<2x10112x64xf32, #tpu.memory_space<hbm>>, %arg7: memref<80x128xi32, #tpu.memory_space<vmem>>, %arg8: memref<80x128xi32, #tpu.memory_space<vmem>>, %arg9: memref<128x64xf32, #tpu.memory_space<vmem>>, %arg10: memref<128x64xf32, #tpu.memory_space<vmem>>, %arg11: memref<10112x64xf32, #tpu.memory_space<vmem_shared>>, %arg12: memref<10112x64xf32, #tpu.memory_space<vmem_shared>>, %arg13: memref<!tpu.dma_semaphore, #tpu.memory_space<semaphore_mem>>, %arg14: memref<!tpu.dma_semaphore, #tpu.memory_space<semaphore_mem>>) attributes {dimension_semantics = [#tpu.dimension_semantics<core_parallel>, #tpu.dimension_semantics<subcore_parallel>], iteration_bounds = array<i64: 2, 16>, scalar_prefetch = 0 : i64, scratch_operands = 8 : i64, tpu.core_type = #tpu.core_type<sc_vector_subcore>, window_params = [{transform_indices = #map}, {transform_indices = #map}, {transform_indices = #map}, {transform_indices = #map}, {transform_indices = #map1}]} {
    %mul3A = arith.constant 16 : i32
    %mul3A_0 = arith.muli %arg0, %mul3A : i32
    %add3A = arith.addi %mul3A_0, %arg1 : i32
    %mul3A_1 = arith.constant 632 : i32
    %mul3A_2 = arith.muli %arg1, %mul3A_1 : i32
    "tpu.region"() ({
      %run_scoped3A_40 = tpu.sem_alloc : memref<!tpu.dma_semaphore, #tpu.memory_space<semaphore_mem>>
      %dma_start3A_41 = arith.constant 0 : i32
      %dma_start3A_42 = tpu.memref_slice %arg11[%mul3A_2, %dma_start3A_41] : memref<10112x64xf32, #tpu.memory_space<vmem_shared>> -> memref<632x64xf32, #tpu.memory_space<vmem_shared>>
      %dma_start3A_43 = arith.constant 0 : i32
      %dma_start3A_44 = tpu.memref_slice %arg2[%mul3A_2, %dma_start3A_43] : memref<10112x64xf32, #tpu.memory_space<hbm>> -> memref<632x64xf32, #tpu.memory_space<hbm>>
      tpu.enqueue_dma source(%dma_start3A_44 : memref<632x64xf32, #tpu.memory_space<hbm>>) target(%dma_start3A_42 : memref<632x64xf32, #tpu.memory_space<vmem_shared>>) target_semaphore(%run_scoped3A_40 : memref<!tpu.dma_semaphore, #tpu.memory_space<semaphore_mem>>)
      %dma_wait3A_45 = arith.constant 0 : i32
      %dma_wait3A_46 = tpu.memref_slice %arg11[%mul3A_2, %dma_wait3A_45] : memref<10112x64xf32, #tpu.memory_space<vmem_shared>> -> memref<632x64xf32, #tpu.memory_space<vmem_shared>>
      %dma_wait3A_47 = arith.constant 0 : i32
      %dma_wait3A_48 = tpu.memref_slice %arg2[%mul3A_2, %dma_wait3A_47] : memref<10112x64xf32, #tpu.memory_space<hbm>> -> memref<632x64xf32, #tpu.memory_space<hbm>>
      tpu.wait_dma2 semaphore(%run_scoped3A_40 : memref<!tpu.dma_semaphore, #tpu.memory_space<semaphore_mem>>) src(%dma_wait3A_48 : memref<632x64xf32, #tpu.memory_space<hbm>>) dst(%dma_wait3A_46 : memref<632x64xf32, #tpu.memory_space<vmem_shared>>)
      tpu.yield
    }) : () -> ()
    "tpu.region"() ({
      %run_scoped3A_40 = tpu.sem_alloc : memref<!tpu.dma_semaphore, #tpu.memory_space<semaphore_mem>>
      %dma_start3A_41 = arith.constant 0 : i32
      %dma_start3A_42 = tpu.memref_slice %arg12[%mul3A_2, %dma_start3A_41] : memref<10112x64xf32, #tpu.memory_space<vmem_shared>> -> memref<632x64xf32, #tpu.memory_space<vmem_shared>>
      %dma_start3A_43 = arith.constant 0 : i32
      %dma_start3A_44 = tpu.memref_slice %arg5[%mul3A_2, %dma_start3A_43] : memref<10112x64xf32, #tpu.memory_space<hbm>> -> memref<632x64xf32, #tpu.memory_space<hbm>>
      tpu.enqueue_dma source(%dma_start3A_44 : memref<632x64xf32, #tpu.memory_space<hbm>>) target(%dma_start3A_42 : memref<632x64xf32, #tpu.memory_space<vmem_shared>>) target_semaphore(%run_scoped3A_40 : memref<!tpu.dma_semaphore, #tpu.memory_space<semaphore_mem>>)
      %dma_wait3A_45 = arith.constant 0 : i32
      %dma_wait3A_46 = tpu.memref_slice %arg12[%mul3A_2, %dma_wait3A_45] : memref<10112x64xf32, #tpu.memory_space<vmem_shared>> -> memref<632x64xf32, #tpu.memory_space<vmem_shared>>
      %dma_wait3A_47 = arith.constant 0 : i32
      %dma_wait3A_48 = tpu.memref_slice %arg5[%mul3A_2, %dma_wait3A_47] : memref<10112x64xf32, #tpu.memory_space<hbm>> -> memref<632x64xf32, #tpu.memory_space<hbm>>
      tpu.wait_dma2 semaphore(%run_scoped3A_40 : memref<!tpu.dma_semaphore, #tpu.memory_space<semaphore_mem>>) src(%dma_wait3A_48 : memref<632x64xf32, #tpu.memory_space<hbm>>) dst(%dma_wait3A_46 : memref<632x64xf32, #tpu.memory_space<vmem_shared>>)
      tpu.yield
    }) : () -> ()
    %mul3A_3 = arith.constant 80 : i32
    %mul3A_4 = arith.muli %add3A, %mul3A_3 : i32
    "tpu.region"() ({
      %run_scoped3A_40 = tpu.sem_alloc : memref<!tpu.dma_semaphore, #tpu.memory_space<semaphore_mem>>
      %dma_start3A_41 = arith.constant 0 : i32
      %dma_start3A_42 = tpu.memref_slice %arg3[%mul3A_4, %dma_start3A_41] : memref<2560x128xi32, #tpu.memory_space<hbm>> -> memref<80x128xi32, #tpu.memory_space<hbm>>
      %dma_start3A_43 = arith.constant 0 : i32
      %dma_start3A_44 = tpu.memref_slice %arg3[%mul3A_4, %dma_start3A_43] : memref<2560x128xi32, #tpu.memory_space<hbm>> -> memref<80x128xi32, #tpu.memory_space<hbm>>
      tpu.enqueue_dma source(%dma_start3A_44 : memref<80x128xi32, #tpu.memory_space<hbm>>) target(%arg7 : memref<80x128xi32, #tpu.memory_space<vmem>>) target_semaphore(%run_scoped3A_40 : memref<!tpu.dma_semaphore, #tpu.memory_space<semaphore_mem>>)
      %dma_wait3A_45 = arith.constant 0 : i32
      %dma_wait3A_46 = tpu.memref_slice %arg3[%mul3A_4, %dma_wait3A_45] : memref<2560x128xi32, #tpu.memory_space<hbm>> -> memref<80x128xi32, #tpu.memory_space<hbm>>
      %dma_wait3A_47 = arith.constant 0 : i32
      %dma_wait3A_48 = tpu.memref_slice %arg3[%mul3A_4, %dma_wait3A_47] : memref<2560x128xi32, #tpu.memory_space<hbm>> -> memref<80x128xi32, #tpu.memory_space<hbm>>
      tpu.wait_dma2 semaphore(%run_scoped3A_40 : memref<!tpu.dma_semaphore, #tpu.memory_space<semaphore_mem>>) src(%dma_wait3A_48 : memref<80x128xi32, #tpu.memory_space<hbm>>) dst(%arg7 : memref<80x128xi32, #tpu.memory_space<vmem>>)
      tpu.yield
    }) : () -> ()
    %mul3A_5 = arith.constant 80 : i32
    %mul3A_6 = arith.muli %add3A, %mul3A_5 : i32
    "tpu.region"() ({
      %run_scoped3A_40 = tpu.sem_alloc : memref<!tpu.dma_semaphore, #tpu.memory_space<semaphore_mem>>
      %dma_start3A_41 = arith.constant 0 : i32
      %dma_start3A_42 = tpu.memref_slice %arg4[%mul3A_6, %dma_start3A_41] : memref<2560x128xi32, #tpu.memory_space<hbm>> -> memref<80x128xi32, #tpu.memory_space<hbm>>
      %dma_start3A_43 = arith.constant 0 : i32
      %dma_start3A_44 = tpu.memref_slice %arg4[%mul3A_6, %dma_start3A_43] : memref<2560x128xi32, #tpu.memory_space<hbm>> -> memref<80x128xi32, #tpu.memory_space<hbm>>
      tpu.enqueue_dma source(%dma_start3A_44 : memref<80x128xi32, #tpu.memory_space<hbm>>) target(%arg8 : memref<80x128xi32, #tpu.memory_space<vmem>>) target_semaphore(%run_scoped3A_40 : memref<!tpu.dma_semaphore, #tpu.memory_space<semaphore_mem>>)
      %dma_wait3A_45 = arith.constant 0 : i32
      %dma_wait3A_46 = tpu.memref_slice %arg4[%mul3A_6, %dma_wait3A_45] : memref<2560x128xi32, #tpu.memory_space<hbm>> -> memref<80x128xi32, #tpu.memory_space<hbm>>
      %dma_wait3A_47 = arith.constant 0 : i32
      %dma_wait3A_48 = tpu.memref_slice %arg4[%mul3A_6, %dma_wait3A_47] : memref<2560x128xi32, #tpu.memory_space<hbm>> -> memref<80x128xi32, #tpu.memory_space<hbm>>
      tpu.wait_dma2 semaphore(%run_scoped3A_40 : memref<!tpu.dma_semaphore, #tpu.memory_space<semaphore_mem>>) src(%dma_wait3A_48 : memref<80x128xi32, #tpu.memory_space<hbm>>) dst(%arg8 : memref<80x128xi32, #tpu.memory_space<vmem>>)
      tpu.yield
    }) : () -> ()
    %barrier3A = arith.constant 0 : index
    tpu.barrier barrier_id(%barrier3A)
    %dma_start3A = arith.constant 0 : i32
    %dma_start3A_7 = arith.constant 0 : i32
    %dma_start3A_8 = tpu.memref_slice %arg7[%dma_start3A, %dma_start3A_7] : memref<80x128xi32, #tpu.memory_space<vmem>> -> memref<1x128xi32, #tpu.memory_space<vmem>>
    %dma_start3A_9 = tpu.memref_squeeze %dma_start3A_8 : memref<1x128xi32, #tpu.memory_space<vmem>> -> memref<128xi32, #tpu.memory_space<vmem>>
    %dma_start3A_10 = arith.constant 0 : i32
    %dma_start3A_11 = arith.constant 0 : i32
    %dma_start3A_12 = tpu.memref_slice %arg11[%dma_start3A_10, %dma_start3A_11] : memref<10112x64xf32, #tpu.memory_space<vmem_shared>> -> memref<10112x64xf32, #tpu.memory_space<vmem_shared>>
    tpu.enqueue_indirect_dma source(%dma_start3A_12 : memref<10112x64xf32, #tpu.memory_space<vmem_shared>>) target(%arg9 : memref<128x64xf32, #tpu.memory_space<vmem>>) offsets(%dma_start3A_9 : memref<128xi32, #tpu.memory_space<vmem>>) semaphore(%arg13 : memref<!tpu.dma_semaphore, #tpu.memory_space<semaphore_mem>>)
    %dma_start3A_13 = arith.constant 1 : i32
    %dma_start3A_14 = arith.constant 0 : i32
    %dma_start3A_15 = tpu.memref_slice %arg7[%dma_start3A_13, %dma_start3A_14] : memref<80x128xi32, #tpu.memory_space<vmem>> -> memref<1x128xi32, #tpu.memory_space<vmem>>
    %dma_start3A_16 = tpu.memref_squeeze %dma_start3A_15 : memref<1x128xi32, #tpu.memory_space<vmem>> -> memref<128xi32, #tpu.memory_space<vmem>>
    %dma_start3A_17 = arith.constant 0 : i32
    %dma_start3A_18 = arith.constant 0 : i32
    %dma_start3A_19 = tpu.memref_slice %arg11[%dma_start3A_17, %dma_start3A_18] : memref<10112x64xf32, #tpu.memory_space<vmem_shared>> -> memref<10112x64xf32, #tpu.memory_space<vmem_shared>>
    tpu.enqueue_indirect_dma source(%dma_start3A_19 : memref<10112x64xf32, #tpu.memory_space<vmem_shared>>) target(%arg10 : memref<128x64xf32, #tpu.memory_space<vmem>>) offsets(%dma_start3A_16 : memref<128xi32, #tpu.memory_space<vmem>>) semaphore(%arg14 : memref<!tpu.dma_semaphore, #tpu.memory_space<semaphore_mem>>)
    %scan3A = arith.constant 0 : i32
    %scan3A_20 = arith.constant 0 : i32
    %scan3A_21 = arith.constant 39 : i32
    %scan3A_22 = arith.addi %scan3A_20, %scan3A_21 : i32
    %scan3A_23 = arith.constant 1 : i32
    scf.for %scan3A_40 = %scan3A_20 to %scan3A_22 step %scan3A_23  : i32 {
      %mul3A_41 = arith.constant 2 : i32
      %mul3A_42 = arith.muli %scan3A_40, %mul3A_41 : i32
      %add3A_43 = arith.constant 0 : i32
      %add3A_44 = arith.addi %mul3A_42, %add3A_43 : i32
      %dma_wait3A_45 = arith.constant 0 : i32
      %dma_wait3A_46 = tpu.memref_slice %arg7[%add3A_44, %dma_wait3A_45] : memref<80x128xi32, #tpu.memory_space<vmem>> -> memref<1x128xi32, #tpu.memory_space<vmem>>
      %dma_wait3A_47 = tpu.memref_squeeze %dma_wait3A_46 : memref<1x128xi32, #tpu.memory_space<vmem>> -> memref<128xi32, #tpu.memory_space<vmem>>
      %dma_wait3A_48 = arith.constant 0 : i32
      %dma_wait3A_49 = arith.constant 0 : i32
      %dma_wait3A_50 = tpu.memref_slice %arg11[%dma_wait3A_48, %dma_wait3A_49] : memref<10112x64xf32, #tpu.memory_space<vmem_shared>> -> memref<10112x64xf32, #tpu.memory_space<vmem_shared>>
      tpu.wait_indirect_dma semaphore(%arg13 : memref<!tpu.dma_semaphore, #tpu.memory_space<semaphore_mem>>) src(%dma_wait3A_50 : memref<10112x64xf32, #tpu.memory_space<vmem_shared>>) dst(%arg9 : memref<128x64xf32, #tpu.memory_space<vmem>>)
      "tpu.region"() ({
        %run_scoped3A_77 = tpu.sem_alloc : memref<!tpu.dma_semaphore, #tpu.memory_space<semaphore_mem>>
        %dma_start3A_78 = arith.constant 0 : i32
        %dma_start3A_79 = tpu.memref_slice %arg8[%add3A_44, %dma_start3A_78] : memref<80x128xi32, #tpu.memory_space<vmem>> -> memref<1x128xi32, #tpu.memory_space<vmem>>
        %dma_start3A_80 = tpu.memref_squeeze %dma_start3A_79 : memref<1x128xi32, #tpu.memory_space<vmem>> -> memref<128xi32, #tpu.memory_space<vmem>>
        %dma_start3A_81 = arith.constant 0 : i32
        %dma_start3A_82 = arith.constant 0 : i32
        %dma_start3A_83 = tpu.memref_slice %arg12[%dma_start3A_81, %dma_start3A_82] : memref<10112x64xf32, #tpu.memory_space<vmem_shared>> -> memref<10112x64xf32, #tpu.memory_space<vmem_shared>>
        tpu.enqueue_indirect_dma source(%arg9 : memref<128x64xf32, #tpu.memory_space<vmem>>) target(%dma_start3A_83 : memref<10112x64xf32, #tpu.memory_space<vmem_shared>>) offsets(%dma_start3A_80 : memref<128xi32, #tpu.memory_space<vmem>>) semaphore(%run_scoped3A_77 : memref<!tpu.dma_semaphore, #tpu.memory_space<semaphore_mem>>) {add = true}
        %dma_wait3A_84 = arith.constant 0 : i32
        %dma_wait3A_85 = tpu.memref_slice %arg8[%add3A_44, %dma_wait3A_84] : memref<80x128xi32, #tpu.memory_space<vmem>> -> memref<1x128xi32, #tpu.memory_space<vmem>>
        %dma_wait3A_86 = tpu.memref_squeeze %dma_wait3A_85 : memref<1x128xi32, #tpu.memory_space<vmem>> -> memref<128xi32, #tpu.memory_space<vmem>>
        %dma_wait3A_87 = arith.constant 0 : i32
        %dma_wait3A_88 = arith.constant 0 : i32
        %dma_wait3A_89 = tpu.memref_slice %arg12[%dma_wait3A_87, %dma_wait3A_88] : memref<10112x64xf32, #tpu.memory_space<vmem_shared>> -> memref<10112x64xf32, #tpu.memory_space<vmem_shared>>
        tpu.wait_indirect_dma semaphore(%run_scoped3A_77 : memref<!tpu.dma_semaphore, #tpu.memory_space<semaphore_mem>>) src(%arg9 : memref<128x64xf32, #tpu.memory_space<vmem>>) dst(%dma_wait3A_89 : memref<10112x64xf32, #tpu.memory_space<vmem_shared>>)
        tpu.yield
      }) : () -> ()
      %add3A_51 = arith.constant 2 : i32
      %add3A_52 = arith.addi %add3A_44, %add3A_51 : i32
      %dma_start3A_53 = arith.constant 0 : i32
      %dma_start3A_54 = tpu.memref_slice %arg7[%add3A_52, %dma_start3A_53] : memref<80x128xi32, #tpu.memory_space<vmem>> -> memref<1x128xi32, #tpu.memory_space<vmem>>
      %dma_start3A_55 = tpu.memref_squeeze %dma_start3A_54 : memref<1x128xi32, #tpu.memory_space<vmem>> -> memref<128xi32, #tpu.memory_space<vmem>>
      %dma_start3A_56 = arith.constant 0 : i32
      %dma_start3A_57 = arith.constant 0 : i32
      %dma_start3A_58 = tpu.memref_slice %arg11[%dma_start3A_56, %dma_start3A_57] : memref<10112x64xf32, #tpu.memory_space<vmem_shared>> -> memref<10112x64xf32, #tpu.memory_space<vmem_shared>>
      tpu.enqueue_indirect_dma source(%dma_start3A_58 : memref<10112x64xf32, #tpu.memory_space<vmem_shared>>) target(%arg9 : memref<128x64xf32, #tpu.memory_space<vmem>>) offsets(%dma_start3A_55 : memref<128xi32, #tpu.memory_space<vmem>>) semaphore(%arg13 : memref<!tpu.dma_semaphore, #tpu.memory_space<semaphore_mem>>)
      %mul3A_59 = arith.constant 2 : i32
      %mul3A_60 = arith.muli %scan3A_40, %mul3A_59 : i32
      %add3A_61 = arith.constant 1 : i32
      %add3A_62 = arith.addi %mul3A_60, %add3A_61 : i32
      %dma_wait3A_63 = arith.constant 0 : i32
      %dma_wait3A_64 = tpu.memref_slice %arg7[%add3A_62, %dma_wait3A_63] : memref<80x128xi32, #tpu.memory_space<vmem>> -> memref<1x128xi32, #tpu.memory_space<vmem>>
      %dma_wait3A_65 = tpu.memref_squeeze %dma_wait3A_64 : memref<1x128xi32, #tpu.memory_space<vmem>> -> memref<128xi32, #tpu.memory_space<vmem>>
      %dma_wait3A_66 = arith.constant 0 : i32
      %dma_wait3A_67 = arith.constant 0 : i32
      %dma_wait3A_68 = tpu.memref_slice %arg11[%dma_wait3A_66, %dma_wait3A_67] : memref<10112x64xf32, #tpu.memory_space<vmem_shared>> -> memref<10112x64xf32, #tpu.memory_space<vmem_shared>>
      tpu.wait_indirect_dma semaphore(%arg14 : memref<!tpu.dma_semaphore, #tpu.memory_space<semaphore_mem>>) src(%dma_wait3A_68 : memref<10112x64xf32, #tpu.memory_space<vmem_shared>>) dst(%arg10 : memref<128x64xf32, #tpu.memory_space<vmem>>)
      "tpu.region"() ({
        %run_scoped3A_77 = tpu.sem_alloc : memref<!tpu.dma_semaphore, #tpu.memory_space<semaphore_mem>>
        %dma_start3A_78 = arith.constant 0 : i32
        %dma_start3A_79 = tpu.memref_slice %arg8[%add3A_62, %dma_start3A_78] : memref<80x128xi32, #tpu.memory_space<vmem>> -> memref<1x128xi32, #tpu.memory_space<vmem>>
        %dma_start3A_80 = tpu.memref_squeeze %dma_start3A_79 : memref<1x128xi32, #tpu.memory_space<vmem>> -> memref<128xi32, #tpu.memory_space<vmem>>
        %dma_start3A_81 = arith.constant 0 : i32
        %dma_start3A_82 = arith.constant 0 : i32
        %dma_start3A_83 = tpu.memref_slice %arg12[%dma_start3A_81, %dma_start3A_82] : memref<10112x64xf32, #tpu.memory_space<vmem_shared>> -> memref<10112x64xf32, #tpu.memory_space<vmem_shared>>
        tpu.enqueue_indirect_dma source(%arg10 : memref<128x64xf32, #tpu.memory_space<vmem>>) target(%dma_start3A_83 : memref<10112x64xf32, #tpu.memory_space<vmem_shared>>) offsets(%dma_start3A_80 : memref<128xi32, #tpu.memory_space<vmem>>) semaphore(%run_scoped3A_77 : memref<!tpu.dma_semaphore, #tpu.memory_space<semaphore_mem>>) {add = true}
        %dma_wait3A_84 = arith.constant 0 : i32
        %dma_wait3A_85 = tpu.memref_slice %arg8[%add3A_62, %dma_wait3A_84] : memref<80x128xi32, #tpu.memory_space<vmem>> -> memref<1x128xi32, #tpu.memory_space<vmem>>
        %dma_wait3A_86 = tpu.memref_squeeze %dma_wait3A_85 : memref<1x128xi32, #tpu.memory_space<vmem>> -> memref<128xi32, #tpu.memory_space<vmem>>
        %dma_wait3A_87 = arith.constant 0 : i32
        %dma_wait3A_88 = arith.constant 0 : i32
        %dma_wait3A_89 = tpu.memref_slice %arg12[%dma_wait3A_87, %dma_wait3A_88] : memref<10112x64xf32, #tpu.memory_space<vmem_shared>> -> memref<10112x64xf32, #tpu.memory_space<vmem_shared>>
        tpu.wait_indirect_dma semaphore(%run_scoped3A_77 : memref<!tpu.dma_semaphore, #tpu.memory_space<semaphore_mem>>) src(%arg10 : memref<128x64xf32, #tpu.memory_space<vmem>>) dst(%dma_wait3A_89 : memref<10112x64xf32, #tpu.memory_space<vmem_shared>>)
        tpu.yield
      }) : () -> ()
      %add3A_69 = arith.constant 2 : i32
      %add3A_70 = arith.addi %add3A_62, %add3A_69 : i32
      %dma_start3A_71 = arith.constant 0 : i32
      %dma_start3A_72 = tpu.memref_slice %arg7[%add3A_70, %dma_start3A_71] : memref<80x128xi32, #tpu.memory_space<vmem>> -> memref<1x128xi32, #tpu.memory_space<vmem>>
      %dma_start3A_73 = tpu.memref_squeeze %dma_start3A_72 : memref<1x128xi32, #tpu.memory_space<vmem>> -> memref<128xi32, #tpu.memory_space<vmem>>
      %dma_start3A_74 = arith.constant 0 : i32
      %dma_start3A_75 = arith.constant 0 : i32
      %dma_start3A_76 = tpu.memref_slice %arg11[%dma_start3A_74, %dma_start3A_75] : memref<10112x64xf32, #tpu.memory_space<vmem_shared>> -> memref<10112x64xf32, #tpu.memory_space<vmem_shared>>
      tpu.enqueue_indirect_dma source(%dma_start3A_76 : memref<10112x64xf32, #tpu.memory_space<vmem_shared>>) target(%arg10 : memref<128x64xf32, #tpu.memory_space<vmem>>) offsets(%dma_start3A_73 : memref<128xi32, #tpu.memory_space<vmem>>) semaphore(%arg14 : memref<!tpu.dma_semaphore, #tpu.memory_space<semaphore_mem>>)
    }
    %scan3A_24 = arith.constant 39 : i32
    %dma_wait3A = arith.constant 78 : i32
    %dma_wait3A_25 = arith.constant 0 : i32
    %dma_wait3A_26 = tpu.memref_slice %arg7[%dma_wait3A, %dma_wait3A_25] : memref<80x128xi32, #tpu.memory_space<vmem>> -> memref<1x128xi32, #tpu.memory_space<vmem>>
    %dma_wait3A_27 = tpu.memref_squeeze %dma_wait3A_26 : memref<1x128xi32, #tpu.memory_space<vmem>> -> memref<128xi32, #tpu.memory_space<vmem>>
    %dma_wait3A_28 = arith.constant 0 : i32
    %dma_wait3A_29 = arith.constant 0 : i32
    %dma_wait3A_30 = tpu.memref_slice %arg11[%dma_wait3A_28, %dma_wait3A_29] : memref<10112x64xf32, #tpu.memory_space<vmem_shared>> -> memref<10112x64xf32, #tpu.memory_space<vmem_shared>>
    tpu.wait_indirect_dma semaphore(%arg13 : memref<!tpu.dma_semaphore, #tpu.memory_space<semaphore_mem>>) src(%dma_wait3A_30 : memref<10112x64xf32, #tpu.memory_space<vmem_shared>>) dst(%arg9 : memref<128x64xf32, #tpu.memory_space<vmem>>)
    %run_scoped3A = arith.constant 78 : i32
    "tpu.region"() ({
      %run_scoped3A_40 = tpu.sem_alloc : memref<!tpu.dma_semaphore, #tpu.memory_space<semaphore_mem>>
      %dma_start3A_41 = arith.constant 0 : i32
      %dma_start3A_42 = tpu.memref_slice %arg8[%run_scoped3A, %dma_start3A_41] : memref<80x128xi32, #tpu.memory_space<vmem>> -> memref<1x128xi32, #tpu.memory_space<vmem>>
      %dma_start3A_43 = tpu.memref_squeeze %dma_start3A_42 : memref<1x128xi32, #tpu.memory_space<vmem>> -> memref<128xi32, #tpu.memory_space<vmem>>
      %dma_start3A_44 = arith.constant 0 : i32
      %dma_start3A_45 = arith.constant 0 : i32
      %dma_start3A_46 = tpu.memref_slice %arg12[%dma_start3A_44, %dma_start3A_45] : memref<10112x64xf32, #tpu.memory_space<vmem_shared>> -> memref<10112x64xf32, #tpu.memory_space<vmem_shared>>
      tpu.enqueue_indirect_dma source(%arg9 : memref<128x64xf32, #tpu.memory_space<vmem>>) target(%dma_start3A_46 : memref<10112x64xf32, #tpu.memory_space<vmem_shared>>) offsets(%dma_start3A_43 : memref<128xi32, #tpu.memory_space<vmem>>) semaphore(%run_scoped3A_40 : memref<!tpu.dma_semaphore, #tpu.memory_space<semaphore_mem>>) {add = true}
      %dma_wait3A_47 = arith.constant 0 : i32
      %dma_wait3A_48 = tpu.memref_slice %arg8[%run_scoped3A, %dma_wait3A_47] : memref<80x128xi32, #tpu.memory_space<vmem>> -> memref<1x128xi32, #tpu.memory_space<vmem>>
      %dma_wait3A_49 = tpu.memref_squeeze %dma_wait3A_48 : memref<1x128xi32, #tpu.memory_space<vmem>> -> memref<128xi32, #tpu.memory_space<vmem>>
      %dma_wait3A_50 = arith.constant 0 : i32
      %dma_wait3A_51 = arith.constant 0 : i32
      %dma_wait3A_52 = tpu.memref_slice %arg12[%dma_wait3A_50, %dma_wait3A_51] : memref<10112x64xf32, #tpu.memory_space<vmem_shared>> -> memref<10112x64xf32, #tpu.memory_space<vmem_shared>>
      tpu.wait_indirect_dma semaphore(%run_scoped3A_40 : memref<!tpu.dma_semaphore, #tpu.memory_space<semaphore_mem>>) src(%arg9 : memref<128x64xf32, #tpu.memory_space<vmem>>) dst(%dma_wait3A_52 : memref<10112x64xf32, #tpu.memory_space<vmem_shared>>)
      tpu.yield
    }) : () -> ()
    %dma_wait3A_31 = arith.constant 79 : i32
    %dma_wait3A_32 = arith.constant 0 : i32
    %dma_wait3A_33 = tpu.memref_slice %arg7[%dma_wait3A_31, %dma_wait3A_32] : memref<80x128xi32, #tpu.memory_space<vmem>> -> memref<1x128xi32, #tpu.memory_space<vmem>>
    %dma_wait3A_34 = tpu.memref_squeeze %dma_wait3A_33 : memref<1x128xi32, #tpu.memory_space<vmem>> -> memref<128xi32, #tpu.memory_space<vmem>>
    %dma_wait3A_35 = arith.constant 0 : i32
    %dma_wait3A_36 = arith.constant 0 : i32
    %dma_wait3A_37 = tpu.memref_slice %arg11[%dma_wait3A_35, %dma_wait3A_36] : memref<10112x64xf32, #tpu.memory_space<vmem_shared>> -> memref<10112x64xf32, #tpu.memory_space<vmem_shared>>
    tpu.wait_indirect_dma semaphore(%arg14 : memref<!tpu.dma_semaphore, #tpu.memory_space<semaphore_mem>>) src(%dma_wait3A_37 : memref<10112x64xf32, #tpu.memory_space<vmem_shared>>) dst(%arg10 : memref<128x64xf32, #tpu.memory_space<vmem>>)
    %run_scoped3A_38 = arith.constant 79 : i32
    "tpu.region"() ({
      %run_scoped3A_40 = tpu.sem_alloc : memref<!tpu.dma_semaphore, #tpu.memory_space<semaphore_mem>>
      %dma_start3A_41 = arith.constant 0 : i32
      %dma_start3A_42 = tpu.memref_slice %arg8[%run_scoped3A_38, %dma_start3A_41] : memref<80x128xi32, #tpu.memory_space<vmem>> -> memref<1x128xi32, #tpu.memory_space<vmem>>
      %dma_start3A_43 = tpu.memref_squeeze %dma_start3A_42 : memref<1x128xi32, #tpu.memory_space<vmem>> -> memref<128xi32, #tpu.memory_space<vmem>>
      %dma_start3A_44 = arith.constant 0 : i32
      %dma_start3A_45 = arith.constant 0 : i32
      %dma_start3A_46 = tpu.memref_slice %arg12[%dma_start3A_44, %dma_start3A_45] : memref<10112x64xf32, #tpu.memory_space<vmem_shared>> -> memref<10112x64xf32, #tpu.memory_space<vmem_shared>>
      tpu.enqueue_indirect_dma source(%arg10 : memref<128x64xf32, #tpu.memory_space<vmem>>) target(%dma_start3A_46 : memref<10112x64xf32, #tpu.memory_space<vmem_shared>>) offsets(%dma_start3A_43 : memref<128xi32, #tpu.memory_space<vmem>>) semaphore(%run_scoped3A_40 : memref<!tpu.dma_semaphore, #tpu.memory_space<semaphore_mem>>) {add = true}
      %dma_wait3A_47 = arith.constant 0 : i32
      %dma_wait3A_48 = tpu.memref_slice %arg8[%run_scoped3A_38, %dma_wait3A_47] : memref<80x128xi32, #tpu.memory_space<vmem>> -> memref<1x128xi32, #tpu.memory_space<vmem>>
      %dma_wait3A_49 = tpu.memref_squeeze %dma_wait3A_48 : memref<1x128xi32, #tpu.memory_space<vmem>> -> memref<128xi32, #tpu.memory_space<vmem>>
      %dma_wait3A_50 = arith.constant 0 : i32
      %dma_wait3A_51 = arith.constant 0 : i32
      %dma_wait3A_52 = tpu.memref_slice %arg12[%dma_wait3A_50, %dma_wait3A_51] : memref<10112x64xf32, #tpu.memory_space<vmem_shared>> -> memref<10112x64xf32, #tpu.memory_space<vmem_shared>>
      tpu.wait_indirect_dma semaphore(%run_scoped3A_40 : memref<!tpu.dma_semaphore, #tpu.memory_space<semaphore_mem>>) src(%arg10 : memref<128x64xf32, #tpu.memory_space<vmem>>) dst(%dma_wait3A_52 : memref<10112x64xf32, #tpu.memory_space<vmem_shared>>)
      tpu.yield
    }) : () -> ()
    %barrier3A_39 = arith.constant 0 : index
    tpu.barrier barrier_id(%barrier3A_39)
    "tpu.region"() ({
      %run_scoped3A_40 = tpu.sem_alloc : memref<!tpu.dma_semaphore, #tpu.memory_space<semaphore_mem>>
      %dma_start3A_41 = arith.constant 0 : i32
      %dma_start3A_42 = tpu.memref_slice %arg6[%arg0, %mul3A_2, %dma_start3A_41] : memref<2x10112x64xf32, #tpu.memory_space<hbm>> -> memref<1x632x64xf32, #tpu.memory_space<hbm>>
      %dma_start3A_43 = tpu.memref_squeeze %dma_start3A_42 : memref<1x632x64xf32, #tpu.memory_space<hbm>> -> memref<632x64xf32, #tpu.memory_space<hbm>>
      %dma_start3A_44 = arith.constant 0 : i32
      %dma_start3A_45 = tpu.memref_slice %arg12[%mul3A_2, %dma_start3A_44] : memref<10112x64xf32, #tpu.memory_space<vmem_shared>> -> memref<632x64xf32, #tpu.memory_space<vmem_shared>>
      tpu.enqueue_dma source(%dma_start3A_45 : memref<632x64xf32, #tpu.memory_space<vmem_shared>>) target(%dma_start3A_43 : memref<632x64xf32, #tpu.memory_space<hbm>>) target_semaphore(%run_scoped3A_40 : memref<!tpu.dma_semaphore, #tpu.memory_space<semaphore_mem>>)
      %dma_wait3A_46 = arith.constant 0 : i32
      %dma_wait3A_47 = tpu.memref_slice %arg6[%arg0, %mul3A_2, %dma_wait3A_46] : memref<2x10112x64xf32, #tpu.memory_space<hbm>> -> memref<1x632x64xf32, #tpu.memory_space<hbm>>
      %dma_wait3A_48 = tpu.memref_squeeze %dma_wait3A_47 : memref<1x632x64xf32, #tpu.memory_space<hbm>> -> memref<632x64xf32, #tpu.memory_space<hbm>>
      %dma_wait3A_49 = arith.constant 0 : i32
      %dma_wait3A_50 = tpu.memref_slice %arg12[%mul3A_2, %dma_wait3A_49] : memref<10112x64xf32, #tpu.memory_space<vmem_shared>> -> memref<632x64xf32, #tpu.memory_space<vmem_shared>>
      tpu.wait_dma2 semaphore(%run_scoped3A_40 : memref<!tpu.dma_semaphore, #tpu.memory_space<semaphore_mem>>) src(%dma_wait3A_50 : memref<632x64xf32, #tpu.memory_space<vmem_shared>>) dst(%dma_wait3A_48 : memref<632x64xf32, #tpu.memory_space<hbm>>)
      tpu.yield
    }) : () -> ()
    return
  }
}

#map = affine_map<(d0, d1) -> (0, 0)>
#map1 = affine_map<(d0, d1) -> (0, 0, 0)>
module attributes {stable_mosaic.version = 14 : i64} {
  func.func @_sc_deg_body(%arg0: i32, %arg1: i32, %arg2: memref<2560x128xi32, #tpu.memory_space<hbm>>, %arg3: memref<10112x16xf32, #tpu.memory_space<hbm>>, %arg4: memref<128x16xf32, #tpu.memory_space<hbm>>, %arg5: memref<2x10112x16xf32, #tpu.memory_space<hbm>>, %arg6: memref<80x128xi32, #tpu.memory_space<vmem>>, %arg7: memref<128x16xf32, #tpu.memory_space<vmem>>, %arg8: memref<10112x16xf32, #tpu.memory_space<vmem_shared>>) attributes {dimension_semantics = [#tpu.dimension_semantics<core_parallel>, #tpu.dimension_semantics<subcore_parallel>], iteration_bounds = array<i64: 2, 16>, scalar_prefetch = 0 : i64, scratch_operands = 3 : i64, tpu.core_type = #tpu.core_type<sc_vector_subcore>, window_params = [{transform_indices = #map}, {transform_indices = #map}, {transform_indices = #map}, {transform_indices = #map1}]} {
    %mul3A = arith.constant 16 : i32
    %mul3A_0 = arith.muli %arg0, %mul3A : i32
    %add3A = arith.addi %mul3A_0, %arg1 : i32
    %mul3A_1 = arith.constant 632 : i32
    %mul3A_2 = arith.muli %arg1, %mul3A_1 : i32
    "tpu.region"() ({
      %run_scoped3A = tpu.sem_alloc : memref<!tpu.dma_semaphore, #tpu.memory_space<semaphore_mem>>
      %dma_start3A = arith.constant 0 : i32
      %dma_start3A_11 = tpu.memref_slice %arg8[%mul3A_2, %dma_start3A] : memref<10112x16xf32, #tpu.memory_space<vmem_shared>> -> memref<632x16xf32, #tpu.memory_space<vmem_shared>>
      %dma_start3A_12 = arith.constant 0 : i32
      %dma_start3A_13 = tpu.memref_slice %arg3[%mul3A_2, %dma_start3A_12] : memref<10112x16xf32, #tpu.memory_space<hbm>> -> memref<632x16xf32, #tpu.memory_space<hbm>>
      tpu.enqueue_dma source(%dma_start3A_13 : memref<632x16xf32, #tpu.memory_space<hbm>>) target(%dma_start3A_11 : memref<632x16xf32, #tpu.memory_space<vmem_shared>>) target_semaphore(%run_scoped3A : memref<!tpu.dma_semaphore, #tpu.memory_space<semaphore_mem>>)
      %dma_wait3A = arith.constant 0 : i32
      %dma_wait3A_14 = tpu.memref_slice %arg8[%mul3A_2, %dma_wait3A] : memref<10112x16xf32, #tpu.memory_space<vmem_shared>> -> memref<632x16xf32, #tpu.memory_space<vmem_shared>>
      %dma_wait3A_15 = arith.constant 0 : i32
      %dma_wait3A_16 = tpu.memref_slice %arg3[%mul3A_2, %dma_wait3A_15] : memref<10112x16xf32, #tpu.memory_space<hbm>> -> memref<632x16xf32, #tpu.memory_space<hbm>>
      tpu.wait_dma2 semaphore(%run_scoped3A : memref<!tpu.dma_semaphore, #tpu.memory_space<semaphore_mem>>) src(%dma_wait3A_16 : memref<632x16xf32, #tpu.memory_space<hbm>>) dst(%dma_wait3A_14 : memref<632x16xf32, #tpu.memory_space<vmem_shared>>)
      tpu.yield
    }) : () -> ()
    %mul3A_3 = arith.constant 80 : i32
    %mul3A_4 = arith.muli %add3A, %mul3A_3 : i32
    "tpu.region"() ({
      %run_scoped3A = tpu.sem_alloc : memref<!tpu.dma_semaphore, #tpu.memory_space<semaphore_mem>>
      %dma_start3A = arith.constant 0 : i32
      %dma_start3A_11 = tpu.memref_slice %arg2[%mul3A_4, %dma_start3A] : memref<2560x128xi32, #tpu.memory_space<hbm>> -> memref<80x128xi32, #tpu.memory_space<hbm>>
      %dma_start3A_12 = arith.constant 0 : i32
      %dma_start3A_13 = tpu.memref_slice %arg2[%mul3A_4, %dma_start3A_12] : memref<2560x128xi32, #tpu.memory_space<hbm>> -> memref<80x128xi32, #tpu.memory_space<hbm>>
      tpu.enqueue_dma source(%dma_start3A_13 : memref<80x128xi32, #tpu.memory_space<hbm>>) target(%arg6 : memref<80x128xi32, #tpu.memory_space<vmem>>) target_semaphore(%run_scoped3A : memref<!tpu.dma_semaphore, #tpu.memory_space<semaphore_mem>>)
      %dma_wait3A = arith.constant 0 : i32
      %dma_wait3A_14 = tpu.memref_slice %arg2[%mul3A_4, %dma_wait3A] : memref<2560x128xi32, #tpu.memory_space<hbm>> -> memref<80x128xi32, #tpu.memory_space<hbm>>
      %dma_wait3A_15 = arith.constant 0 : i32
      %dma_wait3A_16 = tpu.memref_slice %arg2[%mul3A_4, %dma_wait3A_15] : memref<2560x128xi32, #tpu.memory_space<hbm>> -> memref<80x128xi32, #tpu.memory_space<hbm>>
      tpu.wait_dma2 semaphore(%run_scoped3A : memref<!tpu.dma_semaphore, #tpu.memory_space<semaphore_mem>>) src(%dma_wait3A_16 : memref<80x128xi32, #tpu.memory_space<hbm>>) dst(%arg6 : memref<80x128xi32, #tpu.memory_space<vmem>>)
      tpu.yield
    }) : () -> ()
    "tpu.region"() ({
      %run_scoped3A = tpu.sem_alloc : memref<!tpu.dma_semaphore, #tpu.memory_space<semaphore_mem>>
      tpu.enqueue_dma source(%arg4 : memref<128x16xf32, #tpu.memory_space<hbm>>) target(%arg7 : memref<128x16xf32, #tpu.memory_space<vmem>>) target_semaphore(%run_scoped3A : memref<!tpu.dma_semaphore, #tpu.memory_space<semaphore_mem>>)
      tpu.wait_dma2 semaphore(%run_scoped3A : memref<!tpu.dma_semaphore, #tpu.memory_space<semaphore_mem>>) src(%arg4 : memref<128x16xf32, #tpu.memory_space<hbm>>) dst(%arg7 : memref<128x16xf32, #tpu.memory_space<vmem>>)
      tpu.yield
    }) : () -> ()
    %barrier3A = arith.constant 0 : index
    tpu.barrier barrier_id(%barrier3A)
    %scan3A = arith.constant 0 : i32
    %scan3A_5 = arith.constant 0 : i32
    %scan3A_6 = arith.constant 80 : i32
    %scan3A_7 = arith.addi %scan3A_5, %scan3A_6 : i32
    %scan3A_8 = arith.constant 1 : i32
    scf.for %scan3A_11 = %scan3A_5 to %scan3A_7 step %scan3A_8  : i32 {
      "tpu.region"() ({
        %run_scoped3A = tpu.sem_alloc : memref<!tpu.dma_semaphore, #tpu.memory_space<semaphore_mem>>
        %dma_start3A = arith.constant 0 : i32
        %dma_start3A_12 = tpu.memref_slice %arg6[%scan3A_11, %dma_start3A] : memref<80x128xi32, #tpu.memory_space<vmem>> -> memref<1x128xi32, #tpu.memory_space<vmem>>
        %dma_start3A_13 = tpu.memref_squeeze %dma_start3A_12 : memref<1x128xi32, #tpu.memory_space<vmem>> -> memref<128xi32, #tpu.memory_space<vmem>>
        %dma_start3A_14 = arith.constant 0 : i32
        %dma_start3A_15 = arith.constant 0 : i32
        %dma_start3A_16 = tpu.memref_slice %arg8[%dma_start3A_14, %dma_start3A_15] : memref<10112x16xf32, #tpu.memory_space<vmem_shared>> -> memref<10112x16xf32, #tpu.memory_space<vmem_shared>>
        tpu.enqueue_indirect_dma source(%arg7 : memref<128x16xf32, #tpu.memory_space<vmem>>) target(%dma_start3A_16 : memref<10112x16xf32, #tpu.memory_space<vmem_shared>>) offsets(%dma_start3A_13 : memref<128xi32, #tpu.memory_space<vmem>>) semaphore(%run_scoped3A : memref<!tpu.dma_semaphore, #tpu.memory_space<semaphore_mem>>) {add = true}
        %dma_wait3A = arith.constant 0 : i32
        %dma_wait3A_17 = tpu.memref_slice %arg6[%scan3A_11, %dma_wait3A] : memref<80x128xi32, #tpu.memory_space<vmem>> -> memref<1x128xi32, #tpu.memory_space<vmem>>
        %dma_wait3A_18 = tpu.memref_squeeze %dma_wait3A_17 : memref<1x128xi32, #tpu.memory_space<vmem>> -> memref<128xi32, #tpu.memory_space<vmem>>
        %dma_wait3A_19 = arith.constant 0 : i32
        %dma_wait3A_20 = arith.constant 0 : i32
        %dma_wait3A_21 = tpu.memref_slice %arg8[%dma_wait3A_19, %dma_wait3A_20] : memref<10112x16xf32, #tpu.memory_space<vmem_shared>> -> memref<10112x16xf32, #tpu.memory_space<vmem_shared>>
        tpu.wait_indirect_dma semaphore(%run_scoped3A : memref<!tpu.dma_semaphore, #tpu.memory_space<semaphore_mem>>) src(%arg7 : memref<128x16xf32, #tpu.memory_space<vmem>>) dst(%dma_wait3A_21 : memref<10112x16xf32, #tpu.memory_space<vmem_shared>>)
        tpu.yield
      }) : () -> ()
    }
    %scan3A_9 = arith.constant 80 : i32
    %barrier3A_10 = arith.constant 0 : index
    tpu.barrier barrier_id(%barrier3A_10)
    "tpu.region"() ({
      %run_scoped3A = tpu.sem_alloc : memref<!tpu.dma_semaphore, #tpu.memory_space<semaphore_mem>>
      %dma_start3A = arith.constant 0 : i32
      %dma_start3A_11 = tpu.memref_slice %arg5[%arg0, %mul3A_2, %dma_start3A] : memref<2x10112x16xf32, #tpu.memory_space<hbm>> -> memref<1x632x16xf32, #tpu.memory_space<hbm>>
      %dma_start3A_12 = tpu.memref_squeeze %dma_start3A_11 : memref<1x632x16xf32, #tpu.memory_space<hbm>> -> memref<632x16xf32, #tpu.memory_space<hbm>>
      %dma_start3A_13 = arith.constant 0 : i32
      %dma_start3A_14 = tpu.memref_slice %arg8[%mul3A_2, %dma_start3A_13] : memref<10112x16xf32, #tpu.memory_space<vmem_shared>> -> memref<632x16xf32, #tpu.memory_space<vmem_shared>>
      tpu.enqueue_dma source(%dma_start3A_14 : memref<632x16xf32, #tpu.memory_space<vmem_shared>>) target(%dma_start3A_12 : memref<632x16xf32, #tpu.memory_space<hbm>>) target_semaphore(%run_scoped3A : memref<!tpu.dma_semaphore, #tpu.memory_space<semaphore_mem>>)
      %dma_wait3A = arith.constant 0 : i32
      %dma_wait3A_15 = tpu.memref_slice %arg5[%arg0, %mul3A_2, %dma_wait3A] : memref<2x10112x16xf32, #tpu.memory_space<hbm>> -> memref<1x632x16xf32, #tpu.memory_space<hbm>>
      %dma_wait3A_16 = tpu.memref_squeeze %dma_wait3A_15 : memref<1x632x16xf32, #tpu.memory_space<hbm>> -> memref<632x16xf32, #tpu.memory_space<hbm>>
      %dma_wait3A_17 = arith.constant 0 : i32
      %dma_wait3A_18 = tpu.memref_slice %arg8[%mul3A_2, %dma_wait3A_17] : memref<10112x16xf32, #tpu.memory_space<vmem_shared>> -> memref<632x16xf32, #tpu.memory_space<vmem_shared>>
      tpu.wait_dma2 semaphore(%run_scoped3A : memref<!tpu.dma_semaphore, #tpu.memory_space<semaphore_mem>>) src(%dma_wait3A_18 : memref<632x16xf32, #tpu.memory_space<vmem_shared>>) dst(%dma_wait3A_16 : memref<632x16xf32, #tpu.memory_space<hbm>>)
      tpu.yield
    }) : () -> ()
    return
  }
}

#map = affine_map<(d0, d1) -> (0, 0)>
#map1 = affine_map<(d0, d1) -> (0, 0, 0)>
module attributes {stable_mosaic.version = 14 : i64} {
  func.func @_sc_body(%arg0: i32, %arg1: i32, %arg2: memref<10112x64xf32, #tpu.memory_space<hbm>>, %arg3: memref<2560x128xi32, #tpu.memory_space<hbm>>, %arg4: memref<2560x128xi32, #tpu.memory_space<hbm>>, %arg5: memref<10112x64xf32, #tpu.memory_space<hbm>>, %arg6: memref<2x10112x64xf32, #tpu.memory_space<hbm>>, %arg7: memref<80x128xi32, #tpu.memory_space<vmem>>, %arg8: memref<80x128xi32, #tpu.memory_space<vmem>>, %arg9: memref<128x64xf32, #tpu.memory_space<vmem>>, %arg10: memref<128x64xf32, #tpu.memory_space<vmem>>, %arg11: memref<10112x64xf32, #tpu.memory_space<vmem_shared>>, %arg12: memref<10112x64xf32, #tpu.memory_space<vmem_shared>>, %arg13: memref<!tpu.dma_semaphore, #tpu.memory_space<semaphore_mem>>, %arg14: memref<!tpu.dma_semaphore, #tpu.memory_space<semaphore_mem>>) attributes {dimension_semantics = [#tpu.dimension_semantics<core_parallel>, #tpu.dimension_semantics<subcore_parallel>], iteration_bounds = array<i64: 2, 16>, scalar_prefetch = 0 : i64, scratch_operands = 8 : i64, tpu.core_type = #tpu.core_type<sc_vector_subcore>, window_params = [{transform_indices = #map}, {transform_indices = #map}, {transform_indices = #map}, {transform_indices = #map}, {transform_indices = #map1}]} {
    %mul3A = arith.constant 16 : i32
    %mul3A_0 = arith.muli %arg0, %mul3A : i32
    %add3A = arith.addi %mul3A_0, %arg1 : i32
    %mul3A_1 = arith.constant 632 : i32
    %mul3A_2 = arith.muli %arg1, %mul3A_1 : i32
    "tpu.region"() ({
      %run_scoped3A_40 = tpu.sem_alloc : memref<!tpu.dma_semaphore, #tpu.memory_space<semaphore_mem>>
      %dma_start3A_41 = arith.constant 0 : i32
      %dma_start3A_42 = tpu.memref_slice %arg11[%mul3A_2, %dma_start3A_41] : memref<10112x64xf32, #tpu.memory_space<vmem_shared>> -> memref<632x64xf32, #tpu.memory_space<vmem_shared>>
      %dma_start3A_43 = arith.constant 0 : i32
      %dma_start3A_44 = tpu.memref_slice %arg2[%mul3A_2, %dma_start3A_43] : memref<10112x64xf32, #tpu.memory_space<hbm>> -> memref<632x64xf32, #tpu.memory_space<hbm>>
      tpu.enqueue_dma source(%dma_start3A_44 : memref<632x64xf32, #tpu.memory_space<hbm>>) target(%dma_start3A_42 : memref<632x64xf32, #tpu.memory_space<vmem_shared>>) target_semaphore(%run_scoped3A_40 : memref<!tpu.dma_semaphore, #tpu.memory_space<semaphore_mem>>)
      %dma_wait3A_45 = arith.constant 0 : i32
      %dma_wait3A_46 = tpu.memref_slice %arg11[%mul3A_2, %dma_wait3A_45] : memref<10112x64xf32, #tpu.memory_space<vmem_shared>> -> memref<632x64xf32, #tpu.memory_space<vmem_shared>>
      %dma_wait3A_47 = arith.constant 0 : i32
      %dma_wait3A_48 = tpu.memref_slice %arg2[%mul3A_2, %dma_wait3A_47] : memref<10112x64xf32, #tpu.memory_space<hbm>> -> memref<632x64xf32, #tpu.memory_space<hbm>>
      tpu.wait_dma2 semaphore(%run_scoped3A_40 : memref<!tpu.dma_semaphore, #tpu.memory_space<semaphore_mem>>) src(%dma_wait3A_48 : memref<632x64xf32, #tpu.memory_space<hbm>>) dst(%dma_wait3A_46 : memref<632x64xf32, #tpu.memory_space<vmem_shared>>)
      tpu.yield
    }) : () -> ()
    "tpu.region"() ({
      %run_scoped3A_40 = tpu.sem_alloc : memref<!tpu.dma_semaphore, #tpu.memory_space<semaphore_mem>>
      %dma_start3A_41 = arith.constant 0 : i32
      %dma_start3A_42 = tpu.memref_slice %arg12[%mul3A_2, %dma_start3A_41] : memref<10112x64xf32, #tpu.memory_space<vmem_shared>> -> memref<632x64xf32, #tpu.memory_space<vmem_shared>>
      %dma_start3A_43 = arith.constant 0 : i32
      %dma_start3A_44 = tpu.memref_slice %arg5[%mul3A_2, %dma_start3A_43] : memref<10112x64xf32, #tpu.memory_space<hbm>> -> memref<632x64xf32, #tpu.memory_space<hbm>>
      tpu.enqueue_dma source(%dma_start3A_44 : memref<632x64xf32, #tpu.memory_space<hbm>>) target(%dma_start3A_42 : memref<632x64xf32, #tpu.memory_space<vmem_shared>>) target_semaphore(%run_scoped3A_40 : memref<!tpu.dma_semaphore, #tpu.memory_space<semaphore_mem>>)
      %dma_wait3A_45 = arith.constant 0 : i32
      %dma_wait3A_46 = tpu.memref_slice %arg12[%mul3A_2, %dma_wait3A_45] : memref<10112x64xf32, #tpu.memory_space<vmem_shared>> -> memref<632x64xf32, #tpu.memory_space<vmem_shared>>
      %dma_wait3A_47 = arith.constant 0 : i32
      %dma_wait3A_48 = tpu.memref_slice %arg5[%mul3A_2, %dma_wait3A_47] : memref<10112x64xf32, #tpu.memory_space<hbm>> -> memref<632x64xf32, #tpu.memory_space<hbm>>
      tpu.wait_dma2 semaphore(%run_scoped3A_40 : memref<!tpu.dma_semaphore, #tpu.memory_space<semaphore_mem>>) src(%dma_wait3A_48 : memref<632x64xf32, #tpu.memory_space<hbm>>) dst(%dma_wait3A_46 : memref<632x64xf32, #tpu.memory_space<vmem_shared>>)
      tpu.yield
    }) : () -> ()
    %mul3A_3 = arith.constant 80 : i32
    %mul3A_4 = arith.muli %add3A, %mul3A_3 : i32
    "tpu.region"() ({
      %run_scoped3A_40 = tpu.sem_alloc : memref<!tpu.dma_semaphore, #tpu.memory_space<semaphore_mem>>
      %dma_start3A_41 = arith.constant 0 : i32
      %dma_start3A_42 = tpu.memref_slice %arg3[%mul3A_4, %dma_start3A_41] : memref<2560x128xi32, #tpu.memory_space<hbm>> -> memref<80x128xi32, #tpu.memory_space<hbm>>
      %dma_start3A_43 = arith.constant 0 : i32
      %dma_start3A_44 = tpu.memref_slice %arg3[%mul3A_4, %dma_start3A_43] : memref<2560x128xi32, #tpu.memory_space<hbm>> -> memref<80x128xi32, #tpu.memory_space<hbm>>
      tpu.enqueue_dma source(%dma_start3A_44 : memref<80x128xi32, #tpu.memory_space<hbm>>) target(%arg7 : memref<80x128xi32, #tpu.memory_space<vmem>>) target_semaphore(%run_scoped3A_40 : memref<!tpu.dma_semaphore, #tpu.memory_space<semaphore_mem>>)
      %dma_wait3A_45 = arith.constant 0 : i32
      %dma_wait3A_46 = tpu.memref_slice %arg3[%mul3A_4, %dma_wait3A_45] : memref<2560x128xi32, #tpu.memory_space<hbm>> -> memref<80x128xi32, #tpu.memory_space<hbm>>
      %dma_wait3A_47 = arith.constant 0 : i32
      %dma_wait3A_48 = tpu.memref_slice %arg3[%mul3A_4, %dma_wait3A_47] : memref<2560x128xi32, #tpu.memory_space<hbm>> -> memref<80x128xi32, #tpu.memory_space<hbm>>
      tpu.wait_dma2 semaphore(%run_scoped3A_40 : memref<!tpu.dma_semaphore, #tpu.memory_space<semaphore_mem>>) src(%dma_wait3A_48 : memref<80x128xi32, #tpu.memory_space<hbm>>) dst(%arg7 : memref<80x128xi32, #tpu.memory_space<vmem>>)
      tpu.yield
    }) : () -> ()
    %mul3A_5 = arith.constant 80 : i32
    %mul3A_6 = arith.muli %add3A, %mul3A_5 : i32
    "tpu.region"() ({
      %run_scoped3A_40 = tpu.sem_alloc : memref<!tpu.dma_semaphore, #tpu.memory_space<semaphore_mem>>
      %dma_start3A_41 = arith.constant 0 : i32
      %dma_start3A_42 = tpu.memref_slice %arg4[%mul3A_6, %dma_start3A_41] : memref<2560x128xi32, #tpu.memory_space<hbm>> -> memref<80x128xi32, #tpu.memory_space<hbm>>
      %dma_start3A_43 = arith.constant 0 : i32
      %dma_start3A_44 = tpu.memref_slice %arg4[%mul3A_6, %dma_start3A_43] : memref<2560x128xi32, #tpu.memory_space<hbm>> -> memref<80x128xi32, #tpu.memory_space<hbm>>
      tpu.enqueue_dma source(%dma_start3A_44 : memref<80x128xi32, #tpu.memory_space<hbm>>) target(%arg8 : memref<80x128xi32, #tpu.memory_space<vmem>>) target_semaphore(%run_scoped3A_40 : memref<!tpu.dma_semaphore, #tpu.memory_space<semaphore_mem>>)
      %dma_wait3A_45 = arith.constant 0 : i32
      %dma_wait3A_46 = tpu.memref_slice %arg4[%mul3A_6, %dma_wait3A_45] : memref<2560x128xi32, #tpu.memory_space<hbm>> -> memref<80x128xi32, #tpu.memory_space<hbm>>
      %dma_wait3A_47 = arith.constant 0 : i32
      %dma_wait3A_48 = tpu.memref_slice %arg4[%mul3A_6, %dma_wait3A_47] : memref<2560x128xi32, #tpu.memory_space<hbm>> -> memref<80x128xi32, #tpu.memory_space<hbm>>
      tpu.wait_dma2 semaphore(%run_scoped3A_40 : memref<!tpu.dma_semaphore, #tpu.memory_space<semaphore_mem>>) src(%dma_wait3A_48 : memref<80x128xi32, #tpu.memory_space<hbm>>) dst(%arg8 : memref<80x128xi32, #tpu.memory_space<vmem>>)
      tpu.yield
    }) : () -> ()
    %barrier3A = arith.constant 0 : index
    tpu.barrier barrier_id(%barrier3A)
    %dma_start3A = arith.constant 0 : i32
    %dma_start3A_7 = arith.constant 0 : i32
    %dma_start3A_8 = tpu.memref_slice %arg7[%dma_start3A, %dma_start3A_7] : memref<80x128xi32, #tpu.memory_space<vmem>> -> memref<1x128xi32, #tpu.memory_space<vmem>>
    %dma_start3A_9 = tpu.memref_squeeze %dma_start3A_8 : memref<1x128xi32, #tpu.memory_space<vmem>> -> memref<128xi32, #tpu.memory_space<vmem>>
    %dma_start3A_10 = arith.constant 0 : i32
    %dma_start3A_11 = arith.constant 0 : i32
    %dma_start3A_12 = tpu.memref_slice %arg11[%dma_start3A_10, %dma_start3A_11] : memref<10112x64xf32, #tpu.memory_space<vmem_shared>> -> memref<10112x64xf32, #tpu.memory_space<vmem_shared>>
    tpu.enqueue_indirect_dma source(%dma_start3A_12 : memref<10112x64xf32, #tpu.memory_space<vmem_shared>>) target(%arg9 : memref<128x64xf32, #tpu.memory_space<vmem>>) offsets(%dma_start3A_9 : memref<128xi32, #tpu.memory_space<vmem>>) semaphore(%arg13 : memref<!tpu.dma_semaphore, #tpu.memory_space<semaphore_mem>>)
    %dma_start3A_13 = arith.constant 1 : i32
    %dma_start3A_14 = arith.constant 0 : i32
    %dma_start3A_15 = tpu.memref_slice %arg7[%dma_start3A_13, %dma_start3A_14] : memref<80x128xi32, #tpu.memory_space<vmem>> -> memref<1x128xi32, #tpu.memory_space<vmem>>
    %dma_start3A_16 = tpu.memref_squeeze %dma_start3A_15 : memref<1x128xi32, #tpu.memory_space<vmem>> -> memref<128xi32, #tpu.memory_space<vmem>>
    %dma_start3A_17 = arith.constant 0 : i32
    %dma_start3A_18 = arith.constant 0 : i32
    %dma_start3A_19 = tpu.memref_slice %arg11[%dma_start3A_17, %dma_start3A_18] : memref<10112x64xf32, #tpu.memory_space<vmem_shared>> -> memref<10112x64xf32, #tpu.memory_space<vmem_shared>>
    tpu.enqueue_indirect_dma source(%dma_start3A_19 : memref<10112x64xf32, #tpu.memory_space<vmem_shared>>) target(%arg10 : memref<128x64xf32, #tpu.memory_space<vmem>>) offsets(%dma_start3A_16 : memref<128xi32, #tpu.memory_space<vmem>>) semaphore(%arg14 : memref<!tpu.dma_semaphore, #tpu.memory_space<semaphore_mem>>)
    %scan3A = arith.constant 0 : i32
    %scan3A_20 = arith.constant 0 : i32
    %scan3A_21 = arith.constant 39 : i32
    %scan3A_22 = arith.addi %scan3A_20, %scan3A_21 : i32
    %scan3A_23 = arith.constant 1 : i32
    scf.for %scan3A_40 = %scan3A_20 to %scan3A_22 step %scan3A_23  : i32 {
      %mul3A_41 = arith.constant 2 : i32
      %mul3A_42 = arith.muli %scan3A_40, %mul3A_41 : i32
      %add3A_43 = arith.constant 0 : i32
      %add3A_44 = arith.addi %mul3A_42, %add3A_43 : i32
      %dma_wait3A_45 = arith.constant 0 : i32
      %dma_wait3A_46 = tpu.memref_slice %arg7[%add3A_44, %dma_wait3A_45] : memref<80x128xi32, #tpu.memory_space<vmem>> -> memref<1x128xi32, #tpu.memory_space<vmem>>
      %dma_wait3A_47 = tpu.memref_squeeze %dma_wait3A_46 : memref<1x128xi32, #tpu.memory_space<vmem>> -> memref<128xi32, #tpu.memory_space<vmem>>
      %dma_wait3A_48 = arith.constant 0 : i32
      %dma_wait3A_49 = arith.constant 0 : i32
      %dma_wait3A_50 = tpu.memref_slice %arg11[%dma_wait3A_48, %dma_wait3A_49] : memref<10112x64xf32, #tpu.memory_space<vmem_shared>> -> memref<10112x64xf32, #tpu.memory_space<vmem_shared>>
      tpu.wait_indirect_dma semaphore(%arg13 : memref<!tpu.dma_semaphore, #tpu.memory_space<semaphore_mem>>) src(%dma_wait3A_50 : memref<10112x64xf32, #tpu.memory_space<vmem_shared>>) dst(%arg9 : memref<128x64xf32, #tpu.memory_space<vmem>>)
      "tpu.region"() ({
        %run_scoped3A_77 = tpu.sem_alloc : memref<!tpu.dma_semaphore, #tpu.memory_space<semaphore_mem>>
        %dma_start3A_78 = arith.constant 0 : i32
        %dma_start3A_79 = tpu.memref_slice %arg8[%add3A_44, %dma_start3A_78] : memref<80x128xi32, #tpu.memory_space<vmem>> -> memref<1x128xi32, #tpu.memory_space<vmem>>
        %dma_start3A_80 = tpu.memref_squeeze %dma_start3A_79 : memref<1x128xi32, #tpu.memory_space<vmem>> -> memref<128xi32, #tpu.memory_space<vmem>>
        %dma_start3A_81 = arith.constant 0 : i32
        %dma_start3A_82 = arith.constant 0 : i32
        %dma_start3A_83 = tpu.memref_slice %arg12[%dma_start3A_81, %dma_start3A_82] : memref<10112x64xf32, #tpu.memory_space<vmem_shared>> -> memref<10112x64xf32, #tpu.memory_space<vmem_shared>>
        tpu.enqueue_indirect_dma source(%arg9 : memref<128x64xf32, #tpu.memory_space<vmem>>) target(%dma_start3A_83 : memref<10112x64xf32, #tpu.memory_space<vmem_shared>>) offsets(%dma_start3A_80 : memref<128xi32, #tpu.memory_space<vmem>>) semaphore(%run_scoped3A_77 : memref<!tpu.dma_semaphore, #tpu.memory_space<semaphore_mem>>) {add = true}
        %dma_wait3A_84 = arith.constant 0 : i32
        %dma_wait3A_85 = tpu.memref_slice %arg8[%add3A_44, %dma_wait3A_84] : memref<80x128xi32, #tpu.memory_space<vmem>> -> memref<1x128xi32, #tpu.memory_space<vmem>>
        %dma_wait3A_86 = tpu.memref_squeeze %dma_wait3A_85 : memref<1x128xi32, #tpu.memory_space<vmem>> -> memref<128xi32, #tpu.memory_space<vmem>>
        %dma_wait3A_87 = arith.constant 0 : i32
        %dma_wait3A_88 = arith.constant 0 : i32
        %dma_wait3A_89 = tpu.memref_slice %arg12[%dma_wait3A_87, %dma_wait3A_88] : memref<10112x64xf32, #tpu.memory_space<vmem_shared>> -> memref<10112x64xf32, #tpu.memory_space<vmem_shared>>
        tpu.wait_indirect_dma semaphore(%run_scoped3A_77 : memref<!tpu.dma_semaphore, #tpu.memory_space<semaphore_mem>>) src(%arg9 : memref<128x64xf32, #tpu.memory_space<vmem>>) dst(%dma_wait3A_89 : memref<10112x64xf32, #tpu.memory_space<vmem_shared>>)
        tpu.yield
      }) : () -> ()
      %add3A_51 = arith.constant 2 : i32
      %add3A_52 = arith.addi %add3A_44, %add3A_51 : i32
      %dma_start3A_53 = arith.constant 0 : i32
      %dma_start3A_54 = tpu.memref_slice %arg7[%add3A_52, %dma_start3A_53] : memref<80x128xi32, #tpu.memory_space<vmem>> -> memref<1x128xi32, #tpu.memory_space<vmem>>
      %dma_start3A_55 = tpu.memref_squeeze %dma_start3A_54 : memref<1x128xi32, #tpu.memory_space<vmem>> -> memref<128xi32, #tpu.memory_space<vmem>>
      %dma_start3A_56 = arith.constant 0 : i32
      %dma_start3A_57 = arith.constant 0 : i32
      %dma_start3A_58 = tpu.memref_slice %arg11[%dma_start3A_56, %dma_start3A_57] : memref<10112x64xf32, #tpu.memory_space<vmem_shared>> -> memref<10112x64xf32, #tpu.memory_space<vmem_shared>>
      tpu.enqueue_indirect_dma source(%dma_start3A_58 : memref<10112x64xf32, #tpu.memory_space<vmem_shared>>) target(%arg9 : memref<128x64xf32, #tpu.memory_space<vmem>>) offsets(%dma_start3A_55 : memref<128xi32, #tpu.memory_space<vmem>>) semaphore(%arg13 : memref<!tpu.dma_semaphore, #tpu.memory_space<semaphore_mem>>)
      %mul3A_59 = arith.constant 2 : i32
      %mul3A_60 = arith.muli %scan3A_40, %mul3A_59 : i32
      %add3A_61 = arith.constant 1 : i32
      %add3A_62 = arith.addi %mul3A_60, %add3A_61 : i32
      %dma_wait3A_63 = arith.constant 0 : i32
      %dma_wait3A_64 = tpu.memref_slice %arg7[%add3A_62, %dma_wait3A_63] : memref<80x128xi32, #tpu.memory_space<vmem>> -> memref<1x128xi32, #tpu.memory_space<vmem>>
      %dma_wait3A_65 = tpu.memref_squeeze %dma_wait3A_64 : memref<1x128xi32, #tpu.memory_space<vmem>> -> memref<128xi32, #tpu.memory_space<vmem>>
      %dma_wait3A_66 = arith.constant 0 : i32
      %dma_wait3A_67 = arith.constant 0 : i32
      %dma_wait3A_68 = tpu.memref_slice %arg11[%dma_wait3A_66, %dma_wait3A_67] : memref<10112x64xf32, #tpu.memory_space<vmem_shared>> -> memref<10112x64xf32, #tpu.memory_space<vmem_shared>>
      tpu.wait_indirect_dma semaphore(%arg14 : memref<!tpu.dma_semaphore, #tpu.memory_space<semaphore_mem>>) src(%dma_wait3A_68 : memref<10112x64xf32, #tpu.memory_space<vmem_shared>>) dst(%arg10 : memref<128x64xf32, #tpu.memory_space<vmem>>)
      "tpu.region"() ({
        %run_scoped3A_77 = tpu.sem_alloc : memref<!tpu.dma_semaphore, #tpu.memory_space<semaphore_mem>>
        %dma_start3A_78 = arith.constant 0 : i32
        %dma_start3A_79 = tpu.memref_slice %arg8[%add3A_62, %dma_start3A_78] : memref<80x128xi32, #tpu.memory_space<vmem>> -> memref<1x128xi32, #tpu.memory_space<vmem>>
        %dma_start3A_80 = tpu.memref_squeeze %dma_start3A_79 : memref<1x128xi32, #tpu.memory_space<vmem>> -> memref<128xi32, #tpu.memory_space<vmem>>
        %dma_start3A_81 = arith.constant 0 : i32
        %dma_start3A_82 = arith.constant 0 : i32
        %dma_start3A_83 = tpu.memref_slice %arg12[%dma_start3A_81, %dma_start3A_82] : memref<10112x64xf32, #tpu.memory_space<vmem_shared>> -> memref<10112x64xf32, #tpu.memory_space<vmem_shared>>
        tpu.enqueue_indirect_dma source(%arg10 : memref<128x64xf32, #tpu.memory_space<vmem>>) target(%dma_start3A_83 : memref<10112x64xf32, #tpu.memory_space<vmem_shared>>) offsets(%dma_start3A_80 : memref<128xi32, #tpu.memory_space<vmem>>) semaphore(%run_scoped3A_77 : memref<!tpu.dma_semaphore, #tpu.memory_space<semaphore_mem>>) {add = true}
        %dma_wait3A_84 = arith.constant 0 : i32
        %dma_wait3A_85 = tpu.memref_slice %arg8[%add3A_62, %dma_wait3A_84] : memref<80x128xi32, #tpu.memory_space<vmem>> -> memref<1x128xi32, #tpu.memory_space<vmem>>
        %dma_wait3A_86 = tpu.memref_squeeze %dma_wait3A_85 : memref<1x128xi32, #tpu.memory_space<vmem>> -> memref<128xi32, #tpu.memory_space<vmem>>
        %dma_wait3A_87 = arith.constant 0 : i32
        %dma_wait3A_88 = arith.constant 0 : i32
        %dma_wait3A_89 = tpu.memref_slice %arg12[%dma_wait3A_87, %dma_wait3A_88] : memref<10112x64xf32, #tpu.memory_space<vmem_shared>> -> memref<10112x64xf32, #tpu.memory_space<vmem_shared>>
        tpu.wait_indirect_dma semaphore(%run_scoped3A_77 : memref<!tpu.dma_semaphore, #tpu.memory_space<semaphore_mem>>) src(%arg10 : memref<128x64xf32, #tpu.memory_space<vmem>>) dst(%dma_wait3A_89 : memref<10112x64xf32, #tpu.memory_space<vmem_shared>>)
        tpu.yield
      }) : () -> ()
      %add3A_69 = arith.constant 2 : i32
      %add3A_70 = arith.addi %add3A_62, %add3A_69 : i32
      %dma_start3A_71 = arith.constant 0 : i32
      %dma_start3A_72 = tpu.memref_slice %arg7[%add3A_70, %dma_start3A_71] : memref<80x128xi32, #tpu.memory_space<vmem>> -> memref<1x128xi32, #tpu.memory_space<vmem>>
      %dma_start3A_73 = tpu.memref_squeeze %dma_start3A_72 : memref<1x128xi32, #tpu.memory_space<vmem>> -> memref<128xi32, #tpu.memory_space<vmem>>
      %dma_start3A_74 = arith.constant 0 : i32
      %dma_start3A_75 = arith.constant 0 : i32
      %dma_start3A_76 = tpu.memref_slice %arg11[%dma_start3A_74, %dma_start3A_75] : memref<10112x64xf32, #tpu.memory_space<vmem_shared>> -> memref<10112x64xf32, #tpu.memory_space<vmem_shared>>
      tpu.enqueue_indirect_dma source(%dma_start3A_76 : memref<10112x64xf32, #tpu.memory_space<vmem_shared>>) target(%arg10 : memref<128x64xf32, #tpu.memory_space<vmem>>) offsets(%dma_start3A_73 : memref<128xi32, #tpu.memory_space<vmem>>) semaphore(%arg14 : memref<!tpu.dma_semaphore, #tpu.memory_space<semaphore_mem>>)
    }
    %scan3A_24 = arith.constant 39 : i32
    %dma_wait3A = arith.constant 78 : i32
    %dma_wait3A_25 = arith.constant 0 : i32
    %dma_wait3A_26 = tpu.memref_slice %arg7[%dma_wait3A, %dma_wait3A_25] : memref<80x128xi32, #tpu.memory_space<vmem>> -> memref<1x128xi32, #tpu.memory_space<vmem>>
    %dma_wait3A_27 = tpu.memref_squeeze %dma_wait3A_26 : memref<1x128xi32, #tpu.memory_space<vmem>> -> memref<128xi32, #tpu.memory_space<vmem>>
    %dma_wait3A_28 = arith.constant 0 : i32
    %dma_wait3A_29 = arith.constant 0 : i32
    %dma_wait3A_30 = tpu.memref_slice %arg11[%dma_wait3A_28, %dma_wait3A_29] : memref<10112x64xf32, #tpu.memory_space<vmem_shared>> -> memref<10112x64xf32, #tpu.memory_space<vmem_shared>>
    tpu.wait_indirect_dma semaphore(%arg13 : memref<!tpu.dma_semaphore, #tpu.memory_space<semaphore_mem>>) src(%dma_wait3A_30 : memref<10112x64xf32, #tpu.memory_space<vmem_shared>>) dst(%arg9 : memref<128x64xf32, #tpu.memory_space<vmem>>)
    %run_scoped3A = arith.constant 78 : i32
    "tpu.region"() ({
      %run_scoped3A_40 = tpu.sem_alloc : memref<!tpu.dma_semaphore, #tpu.memory_space<semaphore_mem>>
      %dma_start3A_41 = arith.constant 0 : i32
      %dma_start3A_42 = tpu.memref_slice %arg8[%run_scoped3A, %dma_start3A_41] : memref<80x128xi32, #tpu.memory_space<vmem>> -> memref<1x128xi32, #tpu.memory_space<vmem>>
      %dma_start3A_43 = tpu.memref_squeeze %dma_start3A_42 : memref<1x128xi32, #tpu.memory_space<vmem>> -> memref<128xi32, #tpu.memory_space<vmem>>
      %dma_start3A_44 = arith.constant 0 : i32
      %dma_start3A_45 = arith.constant 0 : i32
      %dma_start3A_46 = tpu.memref_slice %arg12[%dma_start3A_44, %dma_start3A_45] : memref<10112x64xf32, #tpu.memory_space<vmem_shared>> -> memref<10112x64xf32, #tpu.memory_space<vmem_shared>>
      tpu.enqueue_indirect_dma source(%arg9 : memref<128x64xf32, #tpu.memory_space<vmem>>) target(%dma_start3A_46 : memref<10112x64xf32, #tpu.memory_space<vmem_shared>>) offsets(%dma_start3A_43 : memref<128xi32, #tpu.memory_space<vmem>>) semaphore(%run_scoped3A_40 : memref<!tpu.dma_semaphore, #tpu.memory_space<semaphore_mem>>) {add = true}
      %dma_wait3A_47 = arith.constant 0 : i32
      %dma_wait3A_48 = tpu.memref_slice %arg8[%run_scoped3A, %dma_wait3A_47] : memref<80x128xi32, #tpu.memory_space<vmem>> -> memref<1x128xi32, #tpu.memory_space<vmem>>
      %dma_wait3A_49 = tpu.memref_squeeze %dma_wait3A_48 : memref<1x128xi32, #tpu.memory_space<vmem>> -> memref<128xi32, #tpu.memory_space<vmem>>
      %dma_wait3A_50 = arith.constant 0 : i32
      %dma_wait3A_51 = arith.constant 0 : i32
      %dma_wait3A_52 = tpu.memref_slice %arg12[%dma_wait3A_50, %dma_wait3A_51] : memref<10112x64xf32, #tpu.memory_space<vmem_shared>> -> memref<10112x64xf32, #tpu.memory_space<vmem_shared>>
      tpu.wait_indirect_dma semaphore(%run_scoped3A_40 : memref<!tpu.dma_semaphore, #tpu.memory_space<semaphore_mem>>) src(%arg9 : memref<128x64xf32, #tpu.memory_space<vmem>>) dst(%dma_wait3A_52 : memref<10112x64xf32, #tpu.memory_space<vmem_shared>>)
      tpu.yield
    }) : () -> ()
    %dma_wait3A_31 = arith.constant 79 : i32
    %dma_wait3A_32 = arith.constant 0 : i32
    %dma_wait3A_33 = tpu.memref_slice %arg7[%dma_wait3A_31, %dma_wait3A_32] : memref<80x128xi32, #tpu.memory_space<vmem>> -> memref<1x128xi32, #tpu.memory_space<vmem>>
    %dma_wait3A_34 = tpu.memref_squeeze %dma_wait3A_33 : memref<1x128xi32, #tpu.memory_space<vmem>> -> memref<128xi32, #tpu.memory_space<vmem>>
    %dma_wait3A_35 = arith.constant 0 : i32
    %dma_wait3A_36 = arith.constant 0 : i32
    %dma_wait3A_37 = tpu.memref_slice %arg11[%dma_wait3A_35, %dma_wait3A_36] : memref<10112x64xf32, #tpu.memory_space<vmem_shared>> -> memref<10112x64xf32, #tpu.memory_space<vmem_shared>>
    tpu.wait_indirect_dma semaphore(%arg14 : memref<!tpu.dma_semaphore, #tpu.memory_space<semaphore_mem>>) src(%dma_wait3A_37 : memref<10112x64xf32, #tpu.memory_space<vmem_shared>>) dst(%arg10 : memref<128x64xf32, #tpu.memory_space<vmem>>)
    %run_scoped3A_38 = arith.constant 79 : i32
    "tpu.region"() ({
      %run_scoped3A_40 = tpu.sem_alloc : memref<!tpu.dma_semaphore, #tpu.memory_space<semaphore_mem>>
      %dma_start3A_41 = arith.constant 0 : i32
      %dma_start3A_42 = tpu.memref_slice %arg8[%run_scoped3A_38, %dma_start3A_41] : memref<80x128xi32, #tpu.memory_space<vmem>> -> memref<1x128xi32, #tpu.memory_space<vmem>>
      %dma_start3A_43 = tpu.memref_squeeze %dma_start3A_42 : memref<1x128xi32, #tpu.memory_space<vmem>> -> memref<128xi32, #tpu.memory_space<vmem>>
      %dma_start3A_44 = arith.constant 0 : i32
      %dma_start3A_45 = arith.constant 0 : i32
      %dma_start3A_46 = tpu.memref_slice %arg12[%dma_start3A_44, %dma_start3A_45] : memref<10112x64xf32, #tpu.memory_space<vmem_shared>> -> memref<10112x64xf32, #tpu.memory_space<vmem_shared>>
      tpu.enqueue_indirect_dma source(%arg10 : memref<128x64xf32, #tpu.memory_space<vmem>>) target(%dma_start3A_46 : memref<10112x64xf32, #tpu.memory_space<vmem_shared>>) offsets(%dma_start3A_43 : memref<128xi32, #tpu.memory_space<vmem>>) semaphore(%run_scoped3A_40 : memref<!tpu.dma_semaphore, #tpu.memory_space<semaphore_mem>>) {add = true}
      %dma_wait3A_47 = arith.constant 0 : i32
      %dma_wait3A_48 = tpu.memref_slice %arg8[%run_scoped3A_38, %dma_wait3A_47] : memref<80x128xi32, #tpu.memory_space<vmem>> -> memref<1x128xi32, #tpu.memory_space<vmem>>
      %dma_wait3A_49 = tpu.memref_squeeze %dma_wait3A_48 : memref<1x128xi32, #tpu.memory_space<vmem>> -> memref<128xi32, #tpu.memory_space<vmem>>
      %dma_wait3A_50 = arith.constant 0 : i32
      %dma_wait3A_51 = arith.constant 0 : i32
      %dma_wait3A_52 = tpu.memref_slice %arg12[%dma_wait3A_50, %dma_wait3A_51] : memref<10112x64xf32, #tpu.memory_space<vmem_shared>> -> memref<10112x64xf32, #tpu.memory_space<vmem_shared>>
      tpu.wait_indirect_dma semaphore(%run_scoped3A_40 : memref<!tpu.dma_semaphore, #tpu.memory_space<semaphore_mem>>) src(%arg10 : memref<128x64xf32, #tpu.memory_space<vmem>>) dst(%dma_wait3A_52 : memref<10112x64xf32, #tpu.memory_space<vmem_shared>>)
      tpu.yield
    }) : () -> ()
    %barrier3A_39 = arith.constant 0 : index
    tpu.barrier barrier_id(%barrier3A_39)
    "tpu.region"() ({
      %run_scoped3A_40 = tpu.sem_alloc : memref<!tpu.dma_semaphore, #tpu.memory_space<semaphore_mem>>
      %dma_start3A_41 = arith.constant 0 : i32
      %dma_start3A_42 = tpu.memref_slice %arg6[%arg0, %mul3A_2, %dma_start3A_41] : memref<2x10112x64xf32, #tpu.memory_space<hbm>> -> memref<1x632x64xf32, #tpu.memory_space<hbm>>
      %dma_start3A_43 = tpu.memref_squeeze %dma_start3A_42 : memref<1x632x64xf32, #tpu.memory_space<hbm>> -> memref<632x64xf32, #tpu.memory_space<hbm>>
      %dma_start3A_44 = arith.constant 0 : i32
      %dma_start3A_45 = tpu.memref_slice %arg12[%mul3A_2, %dma_start3A_44] : memref<10112x64xf32, #tpu.memory_space<vmem_shared>> -> memref<632x64xf32, #tpu.memory_space<vmem_shared>>
      tpu.enqueue_dma source(%dma_start3A_45 : memref<632x64xf32, #tpu.memory_space<vmem_shared>>) target(%dma_start3A_43 : memref<632x64xf32, #tpu.memory_space<hbm>>) target_semaphore(%run_scoped3A_40 : memref<!tpu.dma_semaphore, #tpu.memory_space<semaphore_mem>>)
      %dma_wait3A_46 = arith.constant 0 : i32
      %dma_wait3A_47 = tpu.memref_slice %arg6[%arg0, %mul3A_2, %dma_wait3A_46] : memref<2x10112x64xf32, #tpu.memory_space<hbm>> -> memref<1x632x64xf32, #tpu.memory_space<hbm>>
      %dma_wait3A_48 = tpu.memref_squeeze %dma_wait3A_47 : memref<1x632x64xf32, #tpu.memory_space<hbm>> -> memref<632x64xf32, #tpu.memory_space<hbm>>
      %dma_wait3A_49 = arith.constant 0 : i32
      %dma_wait3A_50 = tpu.memref_slice %arg12[%mul3A_2, %dma_wait3A_49] : memref<10112x64xf32, #tpu.memory_space<vmem_shared>> -> memref<632x64xf32, #tpu.memory_space<vmem_shared>>
      tpu.wait_dma2 semaphore(%run_scoped3A_40 : memref<!tpu.dma_semaphore, #tpu.memory_space<semaphore_mem>>) src(%dma_wait3A_50 : memref<632x64xf32, #tpu.memory_space<vmem_shared>>) dst(%dma_wait3A_48 : memref<632x64xf32, #tpu.memory_space<hbm>>)
      tpu.yield
    }) : () -> ()
    return
  }
}

#map = affine_map<(d0, d1) -> (0, 0)>
#map1 = affine_map<(d0, d1) -> (0, 0, 0)>
module attributes {stable_mosaic.version = 14 : i64} {
  func.func @_sc_body(%arg0: i32, %arg1: i32, %arg2: memref<10112x64xf32, #tpu.memory_space<hbm>>, %arg3: memref<2560x128xi32, #tpu.memory_space<hbm>>, %arg4: memref<2560x128xi32, #tpu.memory_space<hbm>>, %arg5: memref<10112x64xf32, #tpu.memory_space<hbm>>, %arg6: memref<2x10112x64xf32, #tpu.memory_space<hbm>>, %arg7: memref<80x128xi32, #tpu.memory_space<vmem>>, %arg8: memref<80x128xi32, #tpu.memory_space<vmem>>, %arg9: memref<128x64xf32, #tpu.memory_space<vmem>>, %arg10: memref<128x64xf32, #tpu.memory_space<vmem>>, %arg11: memref<10112x64xf32, #tpu.memory_space<vmem_shared>>, %arg12: memref<10112x64xf32, #tpu.memory_space<vmem_shared>>, %arg13: memref<!tpu.dma_semaphore, #tpu.memory_space<semaphore_mem>>, %arg14: memref<!tpu.dma_semaphore, #tpu.memory_space<semaphore_mem>>) attributes {dimension_semantics = [#tpu.dimension_semantics<core_parallel>, #tpu.dimension_semantics<subcore_parallel>], iteration_bounds = array<i64: 2, 16>, scalar_prefetch = 0 : i64, scratch_operands = 8 : i64, tpu.core_type = #tpu.core_type<sc_vector_subcore>, window_params = [{transform_indices = #map}, {transform_indices = #map}, {transform_indices = #map}, {transform_indices = #map}, {transform_indices = #map1}]} {
    %mul3A = arith.constant 16 : i32
    %mul3A_0 = arith.muli %arg0, %mul3A : i32
    %add3A = arith.addi %mul3A_0, %arg1 : i32
    %mul3A_1 = arith.constant 632 : i32
    %mul3A_2 = arith.muli %arg1, %mul3A_1 : i32
    "tpu.region"() ({
      %run_scoped3A_40 = tpu.sem_alloc : memref<!tpu.dma_semaphore, #tpu.memory_space<semaphore_mem>>
      %dma_start3A_41 = arith.constant 0 : i32
      %dma_start3A_42 = tpu.memref_slice %arg11[%mul3A_2, %dma_start3A_41] : memref<10112x64xf32, #tpu.memory_space<vmem_shared>> -> memref<632x64xf32, #tpu.memory_space<vmem_shared>>
      %dma_start3A_43 = arith.constant 0 : i32
      %dma_start3A_44 = tpu.memref_slice %arg2[%mul3A_2, %dma_start3A_43] : memref<10112x64xf32, #tpu.memory_space<hbm>> -> memref<632x64xf32, #tpu.memory_space<hbm>>
      tpu.enqueue_dma source(%dma_start3A_44 : memref<632x64xf32, #tpu.memory_space<hbm>>) target(%dma_start3A_42 : memref<632x64xf32, #tpu.memory_space<vmem_shared>>) target_semaphore(%run_scoped3A_40 : memref<!tpu.dma_semaphore, #tpu.memory_space<semaphore_mem>>)
      %dma_wait3A_45 = arith.constant 0 : i32
      %dma_wait3A_46 = tpu.memref_slice %arg11[%mul3A_2, %dma_wait3A_45] : memref<10112x64xf32, #tpu.memory_space<vmem_shared>> -> memref<632x64xf32, #tpu.memory_space<vmem_shared>>
      %dma_wait3A_47 = arith.constant 0 : i32
      %dma_wait3A_48 = tpu.memref_slice %arg2[%mul3A_2, %dma_wait3A_47] : memref<10112x64xf32, #tpu.memory_space<hbm>> -> memref<632x64xf32, #tpu.memory_space<hbm>>
      tpu.wait_dma2 semaphore(%run_scoped3A_40 : memref<!tpu.dma_semaphore, #tpu.memory_space<semaphore_mem>>) src(%dma_wait3A_48 : memref<632x64xf32, #tpu.memory_space<hbm>>) dst(%dma_wait3A_46 : memref<632x64xf32, #tpu.memory_space<vmem_shared>>)
      tpu.yield
    }) : () -> ()
    "tpu.region"() ({
      %run_scoped3A_40 = tpu.sem_alloc : memref<!tpu.dma_semaphore, #tpu.memory_space<semaphore_mem>>
      %dma_start3A_41 = arith.constant 0 : i32
      %dma_start3A_42 = tpu.memref_slice %arg12[%mul3A_2, %dma_start3A_41] : memref<10112x64xf32, #tpu.memory_space<vmem_shared>> -> memref<632x64xf32, #tpu.memory_space<vmem_shared>>
      %dma_start3A_43 = arith.constant 0 : i32
      %dma_start3A_44 = tpu.memref_slice %arg5[%mul3A_2, %dma_start3A_43] : memref<10112x64xf32, #tpu.memory_space<hbm>> -> memref<632x64xf32, #tpu.memory_space<hbm>>
      tpu.enqueue_dma source(%dma_start3A_44 : memref<632x64xf32, #tpu.memory_space<hbm>>) target(%dma_start3A_42 : memref<632x64xf32, #tpu.memory_space<vmem_shared>>) target_semaphore(%run_scoped3A_40 : memref<!tpu.dma_semaphore, #tpu.memory_space<semaphore_mem>>)
      %dma_wait3A_45 = arith.constant 0 : i32
      %dma_wait3A_46 = tpu.memref_slice %arg12[%mul3A_2, %dma_wait3A_45] : memref<10112x64xf32, #tpu.memory_space<vmem_shared>> -> memref<632x64xf32, #tpu.memory_space<vmem_shared>>
      %dma_wait3A_47 = arith.constant 0 : i32
      %dma_wait3A_48 = tpu.memref_slice %arg5[%mul3A_2, %dma_wait3A_47] : memref<10112x64xf32, #tpu.memory_space<hbm>> -> memref<632x64xf32, #tpu.memory_space<hbm>>
      tpu.wait_dma2 semaphore(%run_scoped3A_40 : memref<!tpu.dma_semaphore, #tpu.memory_space<semaphore_mem>>) src(%dma_wait3A_48 : memref<632x64xf32, #tpu.memory_space<hbm>>) dst(%dma_wait3A_46 : memref<632x64xf32, #tpu.memory_space<vmem_shared>>)
      tpu.yield
    }) : () -> ()
    %mul3A_3 = arith.constant 80 : i32
    %mul3A_4 = arith.muli %add3A, %mul3A_3 : i32
    "tpu.region"() ({
      %run_scoped3A_40 = tpu.sem_alloc : memref<!tpu.dma_semaphore, #tpu.memory_space<semaphore_mem>>
      %dma_start3A_41 = arith.constant 0 : i32
      %dma_start3A_42 = tpu.memref_slice %arg3[%mul3A_4, %dma_start3A_41] : memref<2560x128xi32, #tpu.memory_space<hbm>> -> memref<80x128xi32, #tpu.memory_space<hbm>>
      %dma_start3A_43 = arith.constant 0 : i32
      %dma_start3A_44 = tpu.memref_slice %arg3[%mul3A_4, %dma_start3A_43] : memref<2560x128xi32, #tpu.memory_space<hbm>> -> memref<80x128xi32, #tpu.memory_space<hbm>>
      tpu.enqueue_dma source(%dma_start3A_44 : memref<80x128xi32, #tpu.memory_space<hbm>>) target(%arg7 : memref<80x128xi32, #tpu.memory_space<vmem>>) target_semaphore(%run_scoped3A_40 : memref<!tpu.dma_semaphore, #tpu.memory_space<semaphore_mem>>)
      %dma_wait3A_45 = arith.constant 0 : i32
      %dma_wait3A_46 = tpu.memref_slice %arg3[%mul3A_4, %dma_wait3A_45] : memref<2560x128xi32, #tpu.memory_space<hbm>> -> memref<80x128xi32, #tpu.memory_space<hbm>>
      %dma_wait3A_47 = arith.constant 0 : i32
      %dma_wait3A_48 = tpu.memref_slice %arg3[%mul3A_4, %dma_wait3A_47] : memref<2560x128xi32, #tpu.memory_space<hbm>> -> memref<80x128xi32, #tpu.memory_space<hbm>>
      tpu.wait_dma2 semaphore(%run_scoped3A_40 : memref<!tpu.dma_semaphore, #tpu.memory_space<semaphore_mem>>) src(%dma_wait3A_48 : memref<80x128xi32, #tpu.memory_space<hbm>>) dst(%arg7 : memref<80x128xi32, #tpu.memory_space<vmem>>)
      tpu.yield
    }) : () -> ()
    %mul3A_5 = arith.constant 80 : i32
    %mul3A_6 = arith.muli %add3A, %mul3A_5 : i32
    "tpu.region"() ({
      %run_scoped3A_40 = tpu.sem_alloc : memref<!tpu.dma_semaphore, #tpu.memory_space<semaphore_mem>>
      %dma_start3A_41 = arith.constant 0 : i32
      %dma_start3A_42 = tpu.memref_slice %arg4[%mul3A_6, %dma_start3A_41] : memref<2560x128xi32, #tpu.memory_space<hbm>> -> memref<80x128xi32, #tpu.memory_space<hbm>>
      %dma_start3A_43 = arith.constant 0 : i32
      %dma_start3A_44 = tpu.memref_slice %arg4[%mul3A_6, %dma_start3A_43] : memref<2560x128xi32, #tpu.memory_space<hbm>> -> memref<80x128xi32, #tpu.memory_space<hbm>>
      tpu.enqueue_dma source(%dma_start3A_44 : memref<80x128xi32, #tpu.memory_space<hbm>>) target(%arg8 : memref<80x128xi32, #tpu.memory_space<vmem>>) target_semaphore(%run_scoped3A_40 : memref<!tpu.dma_semaphore, #tpu.memory_space<semaphore_mem>>)
      %dma_wait3A_45 = arith.constant 0 : i32
      %dma_wait3A_46 = tpu.memref_slice %arg4[%mul3A_6, %dma_wait3A_45] : memref<2560x128xi32, #tpu.memory_space<hbm>> -> memref<80x128xi32, #tpu.memory_space<hbm>>
      %dma_wait3A_47 = arith.constant 0 : i32
      %dma_wait3A_48 = tpu.memref_slice %arg4[%mul3A_6, %dma_wait3A_47] : memref<2560x128xi32, #tpu.memory_space<hbm>> -> memref<80x128xi32, #tpu.memory_space<hbm>>
      tpu.wait_dma2 semaphore(%run_scoped3A_40 : memref<!tpu.dma_semaphore, #tpu.memory_space<semaphore_mem>>) src(%dma_wait3A_48 : memref<80x128xi32, #tpu.memory_space<hbm>>) dst(%arg8 : memref<80x128xi32, #tpu.memory_space<vmem>>)
      tpu.yield
    }) : () -> ()
    %barrier3A = arith.constant 0 : index
    tpu.barrier barrier_id(%barrier3A)
    %dma_start3A = arith.constant 0 : i32
    %dma_start3A_7 = arith.constant 0 : i32
    %dma_start3A_8 = tpu.memref_slice %arg7[%dma_start3A, %dma_start3A_7] : memref<80x128xi32, #tpu.memory_space<vmem>> -> memref<1x128xi32, #tpu.memory_space<vmem>>
    %dma_start3A_9 = tpu.memref_squeeze %dma_start3A_8 : memref<1x128xi32, #tpu.memory_space<vmem>> -> memref<128xi32, #tpu.memory_space<vmem>>
    %dma_start3A_10 = arith.constant 0 : i32
    %dma_start3A_11 = arith.constant 0 : i32
    %dma_start3A_12 = tpu.memref_slice %arg11[%dma_start3A_10, %dma_start3A_11] : memref<10112x64xf32, #tpu.memory_space<vmem_shared>> -> memref<10112x64xf32, #tpu.memory_space<vmem_shared>>
    tpu.enqueue_indirect_dma source(%dma_start3A_12 : memref<10112x64xf32, #tpu.memory_space<vmem_shared>>) target(%arg9 : memref<128x64xf32, #tpu.memory_space<vmem>>) offsets(%dma_start3A_9 : memref<128xi32, #tpu.memory_space<vmem>>) semaphore(%arg13 : memref<!tpu.dma_semaphore, #tpu.memory_space<semaphore_mem>>)
    %dma_start3A_13 = arith.constant 1 : i32
    %dma_start3A_14 = arith.constant 0 : i32
    %dma_start3A_15 = tpu.memref_slice %arg7[%dma_start3A_13, %dma_start3A_14] : memref<80x128xi32, #tpu.memory_space<vmem>> -> memref<1x128xi32, #tpu.memory_space<vmem>>
    %dma_start3A_16 = tpu.memref_squeeze %dma_start3A_15 : memref<1x128xi32, #tpu.memory_space<vmem>> -> memref<128xi32, #tpu.memory_space<vmem>>
    %dma_start3A_17 = arith.constant 0 : i32
    %dma_start3A_18 = arith.constant 0 : i32
    %dma_start3A_19 = tpu.memref_slice %arg11[%dma_start3A_17, %dma_start3A_18] : memref<10112x64xf32, #tpu.memory_space<vmem_shared>> -> memref<10112x64xf32, #tpu.memory_space<vmem_shared>>
    tpu.enqueue_indirect_dma source(%dma_start3A_19 : memref<10112x64xf32, #tpu.memory_space<vmem_shared>>) target(%arg10 : memref<128x64xf32, #tpu.memory_space<vmem>>) offsets(%dma_start3A_16 : memref<128xi32, #tpu.memory_space<vmem>>) semaphore(%arg14 : memref<!tpu.dma_semaphore, #tpu.memory_space<semaphore_mem>>)
    %scan3A = arith.constant 0 : i32
    %scan3A_20 = arith.constant 0 : i32
    %scan3A_21 = arith.constant 39 : i32
    %scan3A_22 = arith.addi %scan3A_20, %scan3A_21 : i32
    %scan3A_23 = arith.constant 1 : i32
    scf.for %scan3A_40 = %scan3A_20 to %scan3A_22 step %scan3A_23  : i32 {
      %mul3A_41 = arith.constant 2 : i32
      %mul3A_42 = arith.muli %scan3A_40, %mul3A_41 : i32
      %add3A_43 = arith.constant 0 : i32
      %add3A_44 = arith.addi %mul3A_42, %add3A_43 : i32
      %dma_wait3A_45 = arith.constant 0 : i32
      %dma_wait3A_46 = tpu.memref_slice %arg7[%add3A_44, %dma_wait3A_45] : memref<80x128xi32, #tpu.memory_space<vmem>> -> memref<1x128xi32, #tpu.memory_space<vmem>>
      %dma_wait3A_47 = tpu.memref_squeeze %dma_wait3A_46 : memref<1x128xi32, #tpu.memory_space<vmem>> -> memref<128xi32, #tpu.memory_space<vmem>>
      %dma_wait3A_48 = arith.constant 0 : i32
      %dma_wait3A_49 = arith.constant 0 : i32
      %dma_wait3A_50 = tpu.memref_slice %arg11[%dma_wait3A_48, %dma_wait3A_49] : memref<10112x64xf32, #tpu.memory_space<vmem_shared>> -> memref<10112x64xf32, #tpu.memory_space<vmem_shared>>
      tpu.wait_indirect_dma semaphore(%arg13 : memref<!tpu.dma_semaphore, #tpu.memory_space<semaphore_mem>>) src(%dma_wait3A_50 : memref<10112x64xf32, #tpu.memory_space<vmem_shared>>) dst(%arg9 : memref<128x64xf32, #tpu.memory_space<vmem>>)
      "tpu.region"() ({
        %run_scoped3A_77 = tpu.sem_alloc : memref<!tpu.dma_semaphore, #tpu.memory_space<semaphore_mem>>
        %dma_start3A_78 = arith.constant 0 : i32
        %dma_start3A_79 = tpu.memref_slice %arg8[%add3A_44, %dma_start3A_78] : memref<80x128xi32, #tpu.memory_space<vmem>> -> memref<1x128xi32, #tpu.memory_space<vmem>>
        %dma_start3A_80 = tpu.memref_squeeze %dma_start3A_79 : memref<1x128xi32, #tpu.memory_space<vmem>> -> memref<128xi32, #tpu.memory_space<vmem>>
        %dma_start3A_81 = arith.constant 0 : i32
        %dma_start3A_82 = arith.constant 0 : i32
        %dma_start3A_83 = tpu.memref_slice %arg12[%dma_start3A_81, %dma_start3A_82] : memref<10112x64xf32, #tpu.memory_space<vmem_shared>> -> memref<10112x64xf32, #tpu.memory_space<vmem_shared>>
        tpu.enqueue_indirect_dma source(%arg9 : memref<128x64xf32, #tpu.memory_space<vmem>>) target(%dma_start3A_83 : memref<10112x64xf32, #tpu.memory_space<vmem_shared>>) offsets(%dma_start3A_80 : memref<128xi32, #tpu.memory_space<vmem>>) semaphore(%run_scoped3A_77 : memref<!tpu.dma_semaphore, #tpu.memory_space<semaphore_mem>>) {add = true}
        %dma_wait3A_84 = arith.constant 0 : i32
        %dma_wait3A_85 = tpu.memref_slice %arg8[%add3A_44, %dma_wait3A_84] : memref<80x128xi32, #tpu.memory_space<vmem>> -> memref<1x128xi32, #tpu.memory_space<vmem>>
        %dma_wait3A_86 = tpu.memref_squeeze %dma_wait3A_85 : memref<1x128xi32, #tpu.memory_space<vmem>> -> memref<128xi32, #tpu.memory_space<vmem>>
        %dma_wait3A_87 = arith.constant 0 : i32
        %dma_wait3A_88 = arith.constant 0 : i32
        %dma_wait3A_89 = tpu.memref_slice %arg12[%dma_wait3A_87, %dma_wait3A_88] : memref<10112x64xf32, #tpu.memory_space<vmem_shared>> -> memref<10112x64xf32, #tpu.memory_space<vmem_shared>>
        tpu.wait_indirect_dma semaphore(%run_scoped3A_77 : memref<!tpu.dma_semaphore, #tpu.memory_space<semaphore_mem>>) src(%arg9 : memref<128x64xf32, #tpu.memory_space<vmem>>) dst(%dma_wait3A_89 : memref<10112x64xf32, #tpu.memory_space<vmem_shared>>)
        tpu.yield
      }) : () -> ()
      %add3A_51 = arith.constant 2 : i32
      %add3A_52 = arith.addi %add3A_44, %add3A_51 : i32
      %dma_start3A_53 = arith.constant 0 : i32
      %dma_start3A_54 = tpu.memref_slice %arg7[%add3A_52, %dma_start3A_53] : memref<80x128xi32, #tpu.memory_space<vmem>> -> memref<1x128xi32, #tpu.memory_space<vmem>>
      %dma_start3A_55 = tpu.memref_squeeze %dma_start3A_54 : memref<1x128xi32, #tpu.memory_space<vmem>> -> memref<128xi32, #tpu.memory_space<vmem>>
      %dma_start3A_56 = arith.constant 0 : i32
      %dma_start3A_57 = arith.constant 0 : i32
      %dma_start3A_58 = tpu.memref_slice %arg11[%dma_start3A_56, %dma_start3A_57] : memref<10112x64xf32, #tpu.memory_space<vmem_shared>> -> memref<10112x64xf32, #tpu.memory_space<vmem_shared>>
      tpu.enqueue_indirect_dma source(%dma_start3A_58 : memref<10112x64xf32, #tpu.memory_space<vmem_shared>>) target(%arg9 : memref<128x64xf32, #tpu.memory_space<vmem>>) offsets(%dma_start3A_55 : memref<128xi32, #tpu.memory_space<vmem>>) semaphore(%arg13 : memref<!tpu.dma_semaphore, #tpu.memory_space<semaphore_mem>>)
      %mul3A_59 = arith.constant 2 : i32
      %mul3A_60 = arith.muli %scan3A_40, %mul3A_59 : i32
      %add3A_61 = arith.constant 1 : i32
      %add3A_62 = arith.addi %mul3A_60, %add3A_61 : i32
      %dma_wait3A_63 = arith.constant 0 : i32
      %dma_wait3A_64 = tpu.memref_slice %arg7[%add3A_62, %dma_wait3A_63] : memref<80x128xi32, #tpu.memory_space<vmem>> -> memref<1x128xi32, #tpu.memory_space<vmem>>
      %dma_wait3A_65 = tpu.memref_squeeze %dma_wait3A_64 : memref<1x128xi32, #tpu.memory_space<vmem>> -> memref<128xi32, #tpu.memory_space<vmem>>
      %dma_wait3A_66 = arith.constant 0 : i32
      %dma_wait3A_67 = arith.constant 0 : i32
      %dma_wait3A_68 = tpu.memref_slice %arg11[%dma_wait3A_66, %dma_wait3A_67] : memref<10112x64xf32, #tpu.memory_space<vmem_shared>> -> memref<10112x64xf32, #tpu.memory_space<vmem_shared>>
      tpu.wait_indirect_dma semaphore(%arg14 : memref<!tpu.dma_semaphore, #tpu.memory_space<semaphore_mem>>) src(%dma_wait3A_68 : memref<10112x64xf32, #tpu.memory_space<vmem_shared>>) dst(%arg10 : memref<128x64xf32, #tpu.memory_space<vmem>>)
      "tpu.region"() ({
        %run_scoped3A_77 = tpu.sem_alloc : memref<!tpu.dma_semaphore, #tpu.memory_space<semaphore_mem>>
        %dma_start3A_78 = arith.constant 0 : i32
        %dma_start3A_79 = tpu.memref_slice %arg8[%add3A_62, %dma_start3A_78] : memref<80x128xi32, #tpu.memory_space<vmem>> -> memref<1x128xi32, #tpu.memory_space<vmem>>
        %dma_start3A_80 = tpu.memref_squeeze %dma_start3A_79 : memref<1x128xi32, #tpu.memory_space<vmem>> -> memref<128xi32, #tpu.memory_space<vmem>>
        %dma_start3A_81 = arith.constant 0 : i32
        %dma_start3A_82 = arith.constant 0 : i32
        %dma_start3A_83 = tpu.memref_slice %arg12[%dma_start3A_81, %dma_start3A_82] : memref<10112x64xf32, #tpu.memory_space<vmem_shared>> -> memref<10112x64xf32, #tpu.memory_space<vmem_shared>>
        tpu.enqueue_indirect_dma source(%arg10 : memref<128x64xf32, #tpu.memory_space<vmem>>) target(%dma_start3A_83 : memref<10112x64xf32, #tpu.memory_space<vmem_shared>>) offsets(%dma_start3A_80 : memref<128xi32, #tpu.memory_space<vmem>>) semaphore(%run_scoped3A_77 : memref<!tpu.dma_semaphore, #tpu.memory_space<semaphore_mem>>) {add = true}
        %dma_wait3A_84 = arith.constant 0 : i32
        %dma_wait3A_85 = tpu.memref_slice %arg8[%add3A_62, %dma_wait3A_84] : memref<80x128xi32, #tpu.memory_space<vmem>> -> memref<1x128xi32, #tpu.memory_space<vmem>>
        %dma_wait3A_86 = tpu.memref_squeeze %dma_wait3A_85 : memref<1x128xi32, #tpu.memory_space<vmem>> -> memref<128xi32, #tpu.memory_space<vmem>>
        %dma_wait3A_87 = arith.constant 0 : i32
        %dma_wait3A_88 = arith.constant 0 : i32
        %dma_wait3A_89 = tpu.memref_slice %arg12[%dma_wait3A_87, %dma_wait3A_88] : memref<10112x64xf32, #tpu.memory_space<vmem_shared>> -> memref<10112x64xf32, #tpu.memory_space<vmem_shared>>
        tpu.wait_indirect_dma semaphore(%run_scoped3A_77 : memref<!tpu.dma_semaphore, #tpu.memory_space<semaphore_mem>>) src(%arg10 : memref<128x64xf32, #tpu.memory_space<vmem>>) dst(%dma_wait3A_89 : memref<10112x64xf32, #tpu.memory_space<vmem_shared>>)
        tpu.yield
      }) : () -> ()
      %add3A_69 = arith.constant 2 : i32
      %add3A_70 = arith.addi %add3A_62, %add3A_69 : i32
      %dma_start3A_71 = arith.constant 0 : i32
      %dma_start3A_72 = tpu.memref_slice %arg7[%add3A_70, %dma_start3A_71] : memref<80x128xi32, #tpu.memory_space<vmem>> -> memref<1x128xi32, #tpu.memory_space<vmem>>
      %dma_start3A_73 = tpu.memref_squeeze %dma_start3A_72 : memref<1x128xi32, #tpu.memory_space<vmem>> -> memref<128xi32, #tpu.memory_space<vmem>>
      %dma_start3A_74 = arith.constant 0 : i32
      %dma_start3A_75 = arith.constant 0 : i32
      %dma_start3A_76 = tpu.memref_slice %arg11[%dma_start3A_74, %dma_start3A_75] : memref<10112x64xf32, #tpu.memory_space<vmem_shared>> -> memref<10112x64xf32, #tpu.memory_space<vmem_shared>>
      tpu.enqueue_indirect_dma source(%dma_start3A_76 : memref<10112x64xf32, #tpu.memory_space<vmem_shared>>) target(%arg10 : memref<128x64xf32, #tpu.memory_space<vmem>>) offsets(%dma_start3A_73 : memref<128xi32, #tpu.memory_space<vmem>>) semaphore(%arg14 : memref<!tpu.dma_semaphore, #tpu.memory_space<semaphore_mem>>)
    }
    %scan3A_24 = arith.constant 39 : i32
    %dma_wait3A = arith.constant 78 : i32
    %dma_wait3A_25 = arith.constant 0 : i32
    %dma_wait3A_26 = tpu.memref_slice %arg7[%dma_wait3A, %dma_wait3A_25] : memref<80x128xi32, #tpu.memory_space<vmem>> -> memref<1x128xi32, #tpu.memory_space<vmem>>
    %dma_wait3A_27 = tpu.memref_squeeze %dma_wait3A_26 : memref<1x128xi32, #tpu.memory_space<vmem>> -> memref<128xi32, #tpu.memory_space<vmem>>
    %dma_wait3A_28 = arith.constant 0 : i32
    %dma_wait3A_29 = arith.constant 0 : i32
    %dma_wait3A_30 = tpu.memref_slice %arg11[%dma_wait3A_28, %dma_wait3A_29] : memref<10112x64xf32, #tpu.memory_space<vmem_shared>> -> memref<10112x64xf32, #tpu.memory_space<vmem_shared>>
    tpu.wait_indirect_dma semaphore(%arg13 : memref<!tpu.dma_semaphore, #tpu.memory_space<semaphore_mem>>) src(%dma_wait3A_30 : memref<10112x64xf32, #tpu.memory_space<vmem_shared>>) dst(%arg9 : memref<128x64xf32, #tpu.memory_space<vmem>>)
    %run_scoped3A = arith.constant 78 : i32
    "tpu.region"() ({
      %run_scoped3A_40 = tpu.sem_alloc : memref<!tpu.dma_semaphore, #tpu.memory_space<semaphore_mem>>
      %dma_start3A_41 = arith.constant 0 : i32
      %dma_start3A_42 = tpu.memref_slice %arg8[%run_scoped3A, %dma_start3A_41] : memref<80x128xi32, #tpu.memory_space<vmem>> -> memref<1x128xi32, #tpu.memory_space<vmem>>
      %dma_start3A_43 = tpu.memref_squeeze %dma_start3A_42 : memref<1x128xi32, #tpu.memory_space<vmem>> -> memref<128xi32, #tpu.memory_space<vmem>>
      %dma_start3A_44 = arith.constant 0 : i32
      %dma_start3A_45 = arith.constant 0 : i32
      %dma_start3A_46 = tpu.memref_slice %arg12[%dma_start3A_44, %dma_start3A_45] : memref<10112x64xf32, #tpu.memory_space<vmem_shared>> -> memref<10112x64xf32, #tpu.memory_space<vmem_shared>>
      tpu.enqueue_indirect_dma source(%arg9 : memref<128x64xf32, #tpu.memory_space<vmem>>) target(%dma_start3A_46 : memref<10112x64xf32, #tpu.memory_space<vmem_shared>>) offsets(%dma_start3A_43 : memref<128xi32, #tpu.memory_space<vmem>>) semaphore(%run_scoped3A_40 : memref<!tpu.dma_semaphore, #tpu.memory_space<semaphore_mem>>) {add = true}
      %dma_wait3A_47 = arith.constant 0 : i32
      %dma_wait3A_48 = tpu.memref_slice %arg8[%run_scoped3A, %dma_wait3A_47] : memref<80x128xi32, #tpu.memory_space<vmem>> -> memref<1x128xi32, #tpu.memory_space<vmem>>
      %dma_wait3A_49 = tpu.memref_squeeze %dma_wait3A_48 : memref<1x128xi32, #tpu.memory_space<vmem>> -> memref<128xi32, #tpu.memory_space<vmem>>
      %dma_wait3A_50 = arith.constant 0 : i32
      %dma_wait3A_51 = arith.constant 0 : i32
      %dma_wait3A_52 = tpu.memref_slice %arg12[%dma_wait3A_50, %dma_wait3A_51] : memref<10112x64xf32, #tpu.memory_space<vmem_shared>> -> memref<10112x64xf32, #tpu.memory_space<vmem_shared>>
      tpu.wait_indirect_dma semaphore(%run_scoped3A_40 : memref<!tpu.dma_semaphore, #tpu.memory_space<semaphore_mem>>) src(%arg9 : memref<128x64xf32, #tpu.memory_space<vmem>>) dst(%dma_wait3A_52 : memref<10112x64xf32, #tpu.memory_space<vmem_shared>>)
      tpu.yield
    }) : () -> ()
    %dma_wait3A_31 = arith.constant 79 : i32
    %dma_wait3A_32 = arith.constant 0 : i32
    %dma_wait3A_33 = tpu.memref_slice %arg7[%dma_wait3A_31, %dma_wait3A_32] : memref<80x128xi32, #tpu.memory_space<vmem>> -> memref<1x128xi32, #tpu.memory_space<vmem>>
    %dma_wait3A_34 = tpu.memref_squeeze %dma_wait3A_33 : memref<1x128xi32, #tpu.memory_space<vmem>> -> memref<128xi32, #tpu.memory_space<vmem>>
    %dma_wait3A_35 = arith.constant 0 : i32
    %dma_wait3A_36 = arith.constant 0 : i32
    %dma_wait3A_37 = tpu.memref_slice %arg11[%dma_wait3A_35, %dma_wait3A_36] : memref<10112x64xf32, #tpu.memory_space<vmem_shared>> -> memref<10112x64xf32, #tpu.memory_space<vmem_shared>>
    tpu.wait_indirect_dma semaphore(%arg14 : memref<!tpu.dma_semaphore, #tpu.memory_space<semaphore_mem>>) src(%dma_wait3A_37 : memref<10112x64xf32, #tpu.memory_space<vmem_shared>>) dst(%arg10 : memref<128x64xf32, #tpu.memory_space<vmem>>)
    %run_scoped3A_38 = arith.constant 79 : i32
    "tpu.region"() ({
      %run_scoped3A_40 = tpu.sem_alloc : memref<!tpu.dma_semaphore, #tpu.memory_space<semaphore_mem>>
      %dma_start3A_41 = arith.constant 0 : i32
      %dma_start3A_42 = tpu.memref_slice %arg8[%run_scoped3A_38, %dma_start3A_41] : memref<80x128xi32, #tpu.memory_space<vmem>> -> memref<1x128xi32, #tpu.memory_space<vmem>>
      %dma_start3A_43 = tpu.memref_squeeze %dma_start3A_42 : memref<1x128xi32, #tpu.memory_space<vmem>> -> memref<128xi32, #tpu.memory_space<vmem>>
      %dma_start3A_44 = arith.constant 0 : i32
      %dma_start3A_45 = arith.constant 0 : i32
      %dma_start3A_46 = tpu.memref_slice %arg12[%dma_start3A_44, %dma_start3A_45] : memref<10112x64xf32, #tpu.memory_space<vmem_shared>> -> memref<10112x64xf32, #tpu.memory_space<vmem_shared>>
      tpu.enqueue_indirect_dma source(%arg10 : memref<128x64xf32, #tpu.memory_space<vmem>>) target(%dma_start3A_46 : memref<10112x64xf32, #tpu.memory_space<vmem_shared>>) offsets(%dma_start3A_43 : memref<128xi32, #tpu.memory_space<vmem>>) semaphore(%run_scoped3A_40 : memref<!tpu.dma_semaphore, #tpu.memory_space<semaphore_mem>>) {add = true}
      %dma_wait3A_47 = arith.constant 0 : i32
      %dma_wait3A_48 = tpu.memref_slice %arg8[%run_scoped3A_38, %dma_wait3A_47] : memref<80x128xi32, #tpu.memory_space<vmem>> -> memref<1x128xi32, #tpu.memory_space<vmem>>
      %dma_wait3A_49 = tpu.memref_squeeze %dma_wait3A_48 : memref<1x128xi32, #tpu.memory_space<vmem>> -> memref<128xi32, #tpu.memory_space<vmem>>
      %dma_wait3A_50 = arith.constant 0 : i32
      %dma_wait3A_51 = arith.constant 0 : i32
      %dma_wait3A_52 = tpu.memref_slice %arg12[%dma_wait3A_50, %dma_wait3A_51] : memref<10112x64xf32, #tpu.memory_space<vmem_shared>> -> memref<10112x64xf32, #tpu.memory_space<vmem_shared>>
      tpu.wait_indirect_dma semaphore(%run_scoped3A_40 : memref<!tpu.dma_semaphore, #tpu.memory_space<semaphore_mem>>) src(%arg10 : memref<128x64xf32, #tpu.memory_space<vmem>>) dst(%dma_wait3A_52 : memref<10112x64xf32, #tpu.memory_space<vmem_shared>>)
      tpu.yield
    }) : () -> ()
    %barrier3A_39 = arith.constant 0 : index
    tpu.barrier barrier_id(%barrier3A_39)
    "tpu.region"() ({
      %run_scoped3A_40 = tpu.sem_alloc : memref<!tpu.dma_semaphore, #tpu.memory_space<semaphore_mem>>
      %dma_start3A_41 = arith.constant 0 : i32
      %dma_start3A_42 = tpu.memref_slice %arg6[%arg0, %mul3A_2, %dma_start3A_41] : memref<2x10112x64xf32, #tpu.memory_space<hbm>> -> memref<1x632x64xf32, #tpu.memory_space<hbm>>
      %dma_start3A_43 = tpu.memref_squeeze %dma_start3A_42 : memref<1x632x64xf32, #tpu.memory_space<hbm>> -> memref<632x64xf32, #tpu.memory_space<hbm>>
      %dma_start3A_44 = arith.constant 0 : i32
      %dma_start3A_45 = tpu.memref_slice %arg12[%mul3A_2, %dma_start3A_44] : memref<10112x64xf32, #tpu.memory_space<vmem_shared>> -> memref<632x64xf32, #tpu.memory_space<vmem_shared>>
      tpu.enqueue_dma source(%dma_start3A_45 : memref<632x64xf32, #tpu.memory_space<vmem_shared>>) target(%dma_start3A_43 : memref<632x64xf32, #tpu.memory_space<hbm>>) target_semaphore(%run_scoped3A_40 : memref<!tpu.dma_semaphore, #tpu.memory_space<semaphore_mem>>)
      %dma_wait3A_46 = arith.constant 0 : i32
      %dma_wait3A_47 = tpu.memref_slice %arg6[%arg0, %mul3A_2, %dma_wait3A_46] : memref<2x10112x64xf32, #tpu.memory_space<hbm>> -> memref<1x632x64xf32, #tpu.memory_space<hbm>>
      %dma_wait3A_48 = tpu.memref_squeeze %dma_wait3A_47 : memref<1x632x64xf32, #tpu.memory_space<hbm>> -> memref<632x64xf32, #tpu.memory_space<hbm>>
      %dma_wait3A_49 = arith.constant 0 : i32
      %dma_wait3A_50 = tpu.memref_slice %arg12[%mul3A_2, %dma_wait3A_49] : memref<10112x64xf32, #tpu.memory_space<vmem_shared>> -> memref<632x64xf32, #tpu.memory_space<vmem_shared>>
      tpu.wait_dma2 semaphore(%run_scoped3A_40 : memref<!tpu.dma_semaphore, #tpu.memory_space<semaphore_mem>>) src(%dma_wait3A_50 : memref<632x64xf32, #tpu.memory_space<vmem_shared>>) dst(%dma_wait3A_48 : memref<632x64xf32, #tpu.memory_space<hbm>>)
      tpu.yield
    }) : () -> ()
    return
  }
}

module attributes {stable_mosaic.version = 14 : i64} {
  func.func @body(%arg0: i32, %arg1: memref<632x128xf32, #tpu.memory_space<vmem>>, %arg2: memref<2x632x64xf32, #tpu.memory_space<vmem>>, %arg3: memref<2x632x64xf32, #tpu.memory_space<vmem>>, %arg4: memref<2x632x16xf32, #tpu.memory_space<vmem>>, %arg5: memref<1x128xf32, #tpu.memory_space<vmem>>, %arg6: memref<256x64xf32, #tpu.memory_space<vmem>>, %arg7: memref<256x64xf32, #tpu.memory_space<vmem>>, %arg8: memref<1x64xf32, #tpu.memory_space<vmem>>, %arg9: memref<632x64xf32, #tpu.memory_space<vmem>>) attributes {dimension_semantics = [#tpu.dimension_semantics<arbitrary>], iteration_bounds = array<i64: 16>, scalar_prefetch = 0 : i64, scratch_operands = 0 : i64, tpu.core_type = #tpu.core_type<tc>, window_params = [{transform_indices = @transform_0, window_bounds = array<i64: 632, 128>}, {transform_indices = @transform_1, window_bounds = array<i64: 2, 632, 64>}, {transform_indices = @transform_2, window_bounds = array<i64: 2, 632, 64>}, {transform_indices = @transform_3, window_bounds = array<i64: 2, 632, 16>}, {pipeline_mode = #tpu.pipeline_mode<synchronous>, transform_indices = @transform_4, window_bounds = array<i64: 1, 128>}, {pipeline_mode = #tpu.pipeline_mode<synchronous>, transform_indices = @transform_5, window_bounds = array<i64: 256, 64>}, {pipeline_mode = #tpu.pipeline_mode<synchronous>, transform_indices = @transform_6, window_bounds = array<i64: 256, 64>}, {pipeline_mode = #tpu.pipeline_mode<synchronous>, transform_indices = @transform_7, window_bounds = array<i64: 1, 64>}, {transform_indices = @transform_8, window_bounds = array<i64: 632, 64>}]} {
    %get3A = arith.constant 0 : index
    %get3A_0 = arith.constant 0 : index
    %get3A_1 = arith.constant 0 : index
    %get3A_2 = vector.load %arg4[%get3A, %get3A_0, %get3A_1] : memref<2x632x16xf32, #tpu.memory_space<vmem>>, vector<1x632x1xf32>
    %get3A_3 = vector.shape_cast %get3A_2 : vector<1x632x1xf32> to vector<632x1xf32>
    %get3A_4 = arith.constant 1 : index
    %get3A_5 = arith.constant 0 : index
    %get3A_6 = arith.constant 0 : index
    %get3A_7 = vector.load %arg4[%get3A_4, %get3A_5, %get3A_6] : memref<2x632x16xf32, #tpu.memory_space<vmem>>, vector<1x632x1xf32>
    %get3A_8 = vector.shape_cast %get3A_7 : vector<1x632x1xf32> to vector<632x1xf32>
    %add3A = arith.addf %get3A_3, %get3A_8 : vector<632x1xf32>
    %max3A = arith.constant 1.000000e+00 : f32
    %max3A_9 = vector.broadcast %max3A : f32 to vector<632x1xf32>
    %max3A_10 = arith.maximumf %add3A, %max3A_9 : vector<632x1xf32>
    %get3A_11 = arith.constant 0 : index
    %get3A_12 = arith.constant 0 : index
    %get3A_13 = vector.load %arg1[%get3A_11, %get3A_12] : memref<632x128xf32, #tpu.memory_space<vmem>>, vector<632x128xf32>
    %get3A_14 = arith.constant 0 : index
    %get3A_15 = arith.constant 0 : index
    %get3A_16 = vector.load %arg5[%get3A_14, %get3A_15] : memref<1x128xf32, #tpu.memory_space<vmem>>, vector<1x128xf32>
    %get3A_17 = arith.constant 0 : index
    %get3A_18 = arith.constant 0 : index
    %get3A_19 = arith.constant 0 : index
    %get3A_20 = vector.load %arg2[%get3A_17, %get3A_18, %get3A_19] : memref<2x632x64xf32, #tpu.memory_space<vmem>>, vector<1x632x64xf32>
    %get3A_21 = vector.shape_cast %get3A_20 : vector<1x632x64xf32> to vector<632x64xf32>
    %get3A_22 = arith.constant 1 : index
    %get3A_23 = arith.constant 0 : index
    %get3A_24 = arith.constant 0 : index
    %get3A_25 = vector.load %arg2[%get3A_22, %get3A_23, %get3A_24] : memref<2x632x64xf32, #tpu.memory_space<vmem>>, vector<1x632x64xf32>
    %get3A_26 = vector.shape_cast %get3A_25 : vector<1x632x64xf32> to vector<632x64xf32>
    %add3A_27 = arith.addf %get3A_21, %get3A_26 : vector<632x64xf32>
    %div3A = vector.broadcast %max3A_10 : vector<632x1xf32> to vector<632x64xf32>
    %div3A_28 = arith.divf %add3A_27, %div3A : vector<632x64xf32>
    %get3A_29 = arith.constant 0 : index
    %get3A_30 = arith.constant 0 : index
    %get3A_31 = arith.constant 0 : index
    %get3A_32 = vector.load %arg3[%get3A_29, %get3A_30, %get3A_31] : memref<2x632x64xf32, #tpu.memory_space<vmem>>, vector<1x632x64xf32>
    %get3A_33 = vector.shape_cast %get3A_32 : vector<1x632x64xf32> to vector<632x64xf32>
    %get3A_34 = arith.constant 1 : index
    %get3A_35 = arith.constant 0 : index
    %get3A_36 = arith.constant 0 : index
    %get3A_37 = vector.load %arg3[%get3A_34, %get3A_35, %get3A_36] : memref<2x632x64xf32, #tpu.memory_space<vmem>>, vector<1x632x64xf32>
    %get3A_38 = vector.shape_cast %get3A_37 : vector<1x632x64xf32> to vector<632x64xf32>
    %add3A_39 = arith.addf %get3A_33, %get3A_38 : vector<632x64xf32>
    %div3A_40 = vector.broadcast %max3A_10 : vector<632x1xf32> to vector<632x64xf32>
    %div3A_41 = arith.divf %add3A_39, %div3A_40 : vector<632x64xf32>
    %get3A_42 = arith.constant 0 : index
    %get3A_43 = arith.constant 0 : index
    %get3A_44 = vector.load %arg7[%get3A_42, %get3A_43] : memref<256x64xf32, #tpu.memory_space<vmem>>, vector<128x64xf32>
    %convert_element_type3A = arith.truncf %get3A_13 : vector<632x128xf32> to vector<632x128xbf16>
    %convert_element_type3A_45 = arith.truncf %get3A_44 : vector<128x64xf32> to vector<128x64xbf16>
    %dot_general3A = arith.constant dense<0.000000e+00> : vector<632x64xf32>
    %dot_general3A_46 = tpu.matmul %convert_element_type3A, %convert_element_type3A_45, %dot_general3A {dimension_numbers = #tpu.dot_dimension_numbers<[1], [0], [0], [1], [0, 0, 1, 1], [], []>, transpose_lhs_hint = false} : vector<632x128xbf16>, vector<128x64xbf16>, vector<632x64xf32> -> vector<632x64xf32>
    %get3A_47 = arith.constant 128 : index
    %get3A_48 = arith.constant 0 : index
    %get3A_49 = vector.load %arg7[%get3A_47, %get3A_48] : memref<256x64xf32, #tpu.memory_space<vmem>>, vector<128x64xf32>
    %convert_element_type3A_50 = arith.truncf %get3A_16 : vector<1x128xf32> to vector<1x128xbf16>
    %convert_element_type3A_51 = arith.truncf %get3A_49 : vector<128x64xf32> to vector<128x64xbf16>
    %dot_general3A_52 = arith.constant dense<0.000000e+00> : vector<1x64xf32>
    %dot_general3A_53 = tpu.matmul %convert_element_type3A_50, %convert_element_type3A_51, %dot_general3A_52 {dimension_numbers = #tpu.dot_dimension_numbers<[1], [0], [0], [1], [0, 0, 1, 1], [], []>, transpose_lhs_hint = false} : vector<1x128xbf16>, vector<128x64xbf16>, vector<1x64xf32> -> vector<1x64xf32>
    %add3A_54 = vector.broadcast %dot_general3A_53 : vector<1x64xf32> to vector<632x64xf32>
    %add3A_55 = arith.addf %dot_general3A_46, %add3A_54 : vector<632x64xf32>
    %get3A_56 = arith.constant 128 : index
    %get3A_57 = arith.constant 0 : index
    %get3A_58 = vector.load %arg6[%get3A_56, %get3A_57] : memref<256x64xf32, #tpu.memory_space<vmem>>, vector<128x64xf32>
    %convert_element_type3A_59 = arith.truncf %get3A_16 : vector<1x128xf32> to vector<1x128xbf16>
    %convert_element_type3A_60 = arith.truncf %get3A_58 : vector<128x64xf32> to vector<128x64xbf16>
    %dot_general3A_61 = arith.constant dense<0.000000e+00> : vector<1x64xf32>
    %dot_general3A_62 = tpu.matmul %convert_element_type3A_59, %convert_element_type3A_60, %dot_general3A_61 {dimension_numbers = #tpu.dot_dimension_numbers<[1], [0], [0], [1], [0, 0, 1, 1], [], []>, transpose_lhs_hint = false} : vector<1x128xbf16>, vector<128x64xbf16>, vector<1x64xf32> -> vector<1x64xf32>
    %get3A_63 = arith.constant 0 : index
    %get3A_64 = arith.constant 0 : index
    %get3A_65 = vector.load %arg6[%get3A_63, %get3A_64] : memref<256x64xf32, #tpu.memory_space<vmem>>, vector<64x64xf32>
    %convert_element_type3A_66 = arith.truncf %div3A_28 : vector<632x64xf32> to vector<632x64xbf16>
    %convert_element_type3A_67 = arith.truncf %get3A_65 : vector<64x64xf32> to vector<64x64xbf16>
    %dot_general3A_68 = arith.constant dense<0.000000e+00> : vector<632x64xf32>
    %dot_general3A_69 = tpu.matmul %convert_element_type3A_66, %convert_element_type3A_67, %dot_general3A_68 {dimension_numbers = #tpu.dot_dimension_numbers<[1], [0], [0], [1], [0, 0, 1, 1], [], []>, transpose_lhs_hint = false} : vector<632x64xbf16>, vector<64x64xbf16>, vector<632x64xf32> -> vector<632x64xf32>
    %get3A_70 = arith.constant 64 : index
    %get3A_71 = arith.constant 0 : index
    %get3A_72 = vector.load %arg6[%get3A_70, %get3A_71] : memref<256x64xf32, #tpu.memory_space<vmem>>, vector<64x64xf32>
    %convert_element_type3A_73 = arith.truncf %div3A_41 : vector<632x64xf32> to vector<632x64xbf16>
    %convert_element_type3A_74 = arith.truncf %get3A_72 : vector<64x64xf32> to vector<64x64xbf16>
    %dot_general3A_75 = arith.constant dense<0.000000e+00> : vector<632x64xf32>
    %dot_general3A_76 = tpu.matmul %convert_element_type3A_73, %convert_element_type3A_74, %dot_general3A_75 {dimension_numbers = #tpu.dot_dimension_numbers<[1], [0], [0], [1], [0, 0, 1, 1], [], []>, transpose_lhs_hint = false} : vector<632x64xbf16>, vector<64x64xbf16>, vector<632x64xf32> -> vector<632x64xf32>
    %add3A_77 = arith.addf %dot_general3A_69, %dot_general3A_76 : vector<632x64xf32>
    %gt3A = arith.constant 0.000000e+00 : f32
    %gt3A_78 = vector.broadcast %gt3A : f32 to vector<632x1xf32>
    %gt3A_79 = arith.cmpf ogt, %add3A, %gt3A_78 : vector<632x1xf32>
    %jit3A = arith.constant 0.000000e+00 : f32
    %broadcast_in_dim3A = vector.shape_cast %gt3A_79 : vector<632x1xi1> to vector<632x1xi1>
    %broadcast_in_dim3A_80 = vector.broadcast %broadcast_in_dim3A : vector<632x1xi1> to vector<632x64xi1>
    %broadcast_in_dim3A_81 = vector.shape_cast %dot_general3A_62 : vector<1x64xf32> to vector<1x64xf32>
    %broadcast_in_dim3A_82 = vector.broadcast %broadcast_in_dim3A_81 : vector<1x64xf32> to vector<632x64xf32>
    %broadcast_in_dim3A_83 = vector.broadcast %jit3A : f32 to vector<632x64xf32>
    %select_n3A = arith.select %broadcast_in_dim3A_80, %broadcast_in_dim3A_82, %broadcast_in_dim3A_83 : vector<632x64xi1>, vector<632x64xf32>
    %add3A_84 = arith.addf %add3A_77, %select_n3A : vector<632x64xf32>
    %add3A_85 = arith.addf %add3A_55, %add3A_84 : vector<632x64xf32>
    %get3A_86 = arith.constant 0 : index
    %get3A_87 = arith.constant 0 : index
    %get3A_88 = vector.load %arg8[%get3A_86, %get3A_87] : memref<1x64xf32, #tpu.memory_space<vmem>>, vector<1x64xf32>
    %add3A_89 = vector.broadcast %get3A_88 : vector<1x64xf32> to vector<632x64xf32>
    %add3A_90 = arith.addf %add3A_85, %add3A_89 : vector<632x64xf32>
    %max3A_91 = arith.constant 0.000000e+00 : f32
    %max3A_92 = vector.broadcast %max3A_91 : f32 to vector<632x64xf32>
    %max3A_93 = arith.maximumf %add3A_90, %max3A_92 : vector<632x64xf32>
    %swap3A = arith.constant 0 : index
    %swap3A_94 = arith.constant 0 : index
    %swap3A_95 = vector.load %arg9[%swap3A, %swap3A_94] : memref<632x64xf32, #tpu.memory_space<vmem>>, vector<632x64xf32>
    tpu.vector_store %arg9[%swap3A, %swap3A_94], %max3A_93 {strides = array<i32>} : memref<632x64xf32, #tpu.memory_space<vmem>>, vector<632x64xf32>,
    return
  }
  func.func @transform_0(%arg0: i32) -> (i32, i32) {
    %c0_i32 = arith.constant 0 : i32
    %c0_i32_0 = arith.constant 0 : i32
    return %arg0, %c0_i32 : i32, i32
  }
  func.func @transform_1(%arg0: i32) -> (i32, i32, i32) {
    %c0_i32 = arith.constant 0 : i32
    %c0_i32_0 = arith.constant 0 : i32
    %c0_i32_1 = arith.constant 0 : i32
    return %c0_i32, %arg0, %c0_i32_0 : i32, i32, i32
  }
  func.func @transform_2(%arg0: i32) -> (i32, i32, i32) {
    %c0_i32 = arith.constant 0 : i32
    %c0_i32_0 = arith.constant 0 : i32
    %c0_i32_1 = arith.constant 0 : i32
    return %c0_i32, %arg0, %c0_i32_0 : i32, i32, i32
  }
  func.func @transform_3(%arg0: i32) -> (i32, i32, i32) {
    %c0_i32 = arith.constant 0 : i32
    %c0_i32_0 = arith.constant 0 : i32
    %c0_i32_1 = arith.constant 0 : i32
    return %c0_i32, %arg0, %c0_i32_0 : i32, i32, i32
  }
  func.func @transform_4(%arg0: i32) -> (i32, i32) {
    %c0_i32 = arith.constant 0 : i32
    %c0_i32_0 = arith.constant 0 : i32
    %c0_i32_1 = arith.constant 0 : i32
    return %c0_i32, %c0_i32_0 : i32, i32
  }
  func.func @transform_5(%arg0: i32) -> (i32, i32) {
    %c0_i32 = arith.constant 0 : i32
    %c0_i32_0 = arith.constant 0 : i32
    %c0_i32_1 = arith.constant 0 : i32
    return %c0_i32, %c0_i32_0 : i32, i32
  }
  func.func @transform_6(%arg0: i32) -> (i32, i32) {
    %c0_i32 = arith.constant 0 : i32
    %c0_i32_0 = arith.constant 0 : i32
    %c0_i32_1 = arith.constant 0 : i32
    return %c0_i32, %c0_i32_0 : i32, i32
  }
  func.func @transform_7(%arg0: i32) -> (i32, i32) {
    %c0_i32 = arith.constant 0 : i32
    %c0_i32_0 = arith.constant 0 : i32
    %c0_i32_1 = arith.constant 0 : i32
    return %c0_i32, %c0_i32_0 : i32, i32
  }
  func.func @transform_8(%arg0: i32) -> (i32, i32) {
    %c0_i32 = arith.constant 0 : i32
    %c0_i32_0 = arith.constant 0 : i32
    return %arg0, %c0_i32 : i32, i32
  }
}

module attributes {stable_mosaic.version = 14 : i64} {
  func.func @body(%arg0: i32, %arg1: memref<632x64xf32, #tpu.memory_space<vmem>>, %arg2: memref<2x632x64xf32, #tpu.memory_space<vmem>>, %arg3: memref<2x632x16xf32, #tpu.memory_space<vmem>>, %arg4: memref<64x64xf32, #tpu.memory_space<vmem>>, %arg5: memref<64x64xf32, #tpu.memory_space<vmem>>, %arg6: memref<1x64xf32, #tpu.memory_space<vmem>>, %arg7: memref<632x64xf32, #tpu.memory_space<vmem>>) attributes {dimension_semantics = [#tpu.dimension_semantics<arbitrary>], iteration_bounds = array<i64: 16>, scalar_prefetch = 0 : i64, scratch_operands = 0 : i64, tpu.core_type = #tpu.core_type<tc>, window_params = [{transform_indices = @transform_0, window_bounds = array<i64: 632, 64>}, {transform_indices = @transform_1, window_bounds = array<i64: 2, 632, 64>}, {transform_indices = @transform_2, window_bounds = array<i64: 2, 632, 16>}, {pipeline_mode = #tpu.pipeline_mode<synchronous>, transform_indices = @transform_3, window_bounds = array<i64: 64, 64>}, {pipeline_mode = #tpu.pipeline_mode<synchronous>, transform_indices = @transform_4, window_bounds = array<i64: 64, 64>}, {pipeline_mode = #tpu.pipeline_mode<synchronous>, transform_indices = @transform_5, window_bounds = array<i64: 1, 64>}, {transform_indices = @transform_6, window_bounds = array<i64: 632, 64>}]} {
    %get3A = arith.constant 0 : index
    %get3A_0 = arith.constant 0 : index
    %get3A_1 = arith.constant 0 : index
    %get3A_2 = vector.load %arg3[%get3A, %get3A_0, %get3A_1] : memref<2x632x16xf32, #tpu.memory_space<vmem>>, vector<1x632x1xf32>
    %get3A_3 = vector.shape_cast %get3A_2 : vector<1x632x1xf32> to vector<632x1xf32>
    %get3A_4 = arith.constant 1 : index
    %get3A_5 = arith.constant 0 : index
    %get3A_6 = arith.constant 0 : index
    %get3A_7 = vector.load %arg3[%get3A_4, %get3A_5, %get3A_6] : memref<2x632x16xf32, #tpu.memory_space<vmem>>, vector<1x632x1xf32>
    %get3A_8 = vector.shape_cast %get3A_7 : vector<1x632x1xf32> to vector<632x1xf32>
    %add3A = arith.addf %get3A_3, %get3A_8 : vector<632x1xf32>
    %get3A_9 = arith.constant 0 : index
    %get3A_10 = arith.constant 0 : index
    %get3A_11 = arith.constant 0 : index
    %get3A_12 = vector.load %arg2[%get3A_9, %get3A_10, %get3A_11] : memref<2x632x64xf32, #tpu.memory_space<vmem>>, vector<1x632x64xf32>
    %get3A_13 = vector.shape_cast %get3A_12 : vector<1x632x64xf32> to vector<632x64xf32>
    %get3A_14 = arith.constant 1 : index
    %get3A_15 = arith.constant 0 : index
    %get3A_16 = arith.constant 0 : index
    %get3A_17 = vector.load %arg2[%get3A_14, %get3A_15, %get3A_16] : memref<2x632x64xf32, #tpu.memory_space<vmem>>, vector<1x632x64xf32>
    %get3A_18 = vector.shape_cast %get3A_17 : vector<1x632x64xf32> to vector<632x64xf32>
    %add3A_19 = arith.addf %get3A_13, %get3A_18 : vector<632x64xf32>
    %max3A = arith.constant 1.000000e+00 : f32
    %max3A_20 = vector.broadcast %max3A : f32 to vector<632x1xf32>
    %max3A_21 = arith.maximumf %add3A, %max3A_20 : vector<632x1xf32>
    %div3A = vector.broadcast %max3A_21 : vector<632x1xf32> to vector<632x64xf32>
    %div3A_22 = arith.divf %add3A_19, %div3A : vector<632x64xf32>
    %get3A_23 = arith.constant 0 : index
    %get3A_24 = arith.constant 0 : index
    %get3A_25 = vector.load %arg1[%get3A_23, %get3A_24] : memref<632x64xf32, #tpu.memory_space<vmem>>, vector<632x64xf32>
    %get3A_26 = arith.constant 0 : index
    %get3A_27 = arith.constant 0 : index
    %get3A_28 = vector.load %arg5[%get3A_26, %get3A_27] : memref<64x64xf32, #tpu.memory_space<vmem>>, vector<64x64xf32>
    %convert_element_type3A = arith.truncf %get3A_25 : vector<632x64xf32> to vector<632x64xbf16>
    %convert_element_type3A_29 = arith.truncf %get3A_28 : vector<64x64xf32> to vector<64x64xbf16>
    %dot_general3A = arith.constant dense<0.000000e+00> : vector<632x64xf32>
    %dot_general3A_30 = tpu.matmul %convert_element_type3A, %convert_element_type3A_29, %dot_general3A {dimension_numbers = #tpu.dot_dimension_numbers<[1], [0], [0], [1], [0, 0, 1, 1], [], []>, transpose_lhs_hint = false} : vector<632x64xbf16>, vector<64x64xbf16>, vector<632x64xf32> -> vector<632x64xf32>
    %get3A_31 = arith.constant 0 : index
    %get3A_32 = arith.constant 0 : index
    %get3A_33 = vector.load %arg4[%get3A_31, %get3A_32] : memref<64x64xf32, #tpu.memory_space<vmem>>, vector<64x64xf32>
    %convert_element_type3A_34 = arith.truncf %div3A_22 : vector<632x64xf32> to vector<632x64xbf16>
    %convert_element_type3A_35 = arith.truncf %get3A_33 : vector<64x64xf32> to vector<64x64xbf16>
    %dot_general3A_36 = arith.constant dense<0.000000e+00> : vector<632x64xf32>
    %dot_general3A_37 = tpu.matmul %convert_element_type3A_34, %convert_element_type3A_35, %dot_general3A_36 {dimension_numbers = #tpu.dot_dimension_numbers<[1], [0], [0], [1], [0, 0, 1, 1], [], []>, transpose_lhs_hint = false} : vector<632x64xbf16>, vector<64x64xbf16>, vector<632x64xf32> -> vector<632x64xf32>
    %add3A_38 = arith.addf %dot_general3A_30, %dot_general3A_37 : vector<632x64xf32>
    %get3A_39 = arith.constant 0 : index
    %get3A_40 = arith.constant 0 : index
    %get3A_41 = vector.load %arg6[%get3A_39, %get3A_40] : memref<1x64xf32, #tpu.memory_space<vmem>>, vector<1x64xf32>
    %add3A_42 = vector.broadcast %get3A_41 : vector<1x64xf32> to vector<632x64xf32>
    %add3A_43 = arith.addf %add3A_38, %add3A_42 : vector<632x64xf32>
    %max3A_44 = arith.constant 0.000000e+00 : f32
    %max3A_45 = vector.broadcast %max3A_44 : f32 to vector<632x64xf32>
    %max3A_46 = arith.maximumf %add3A_43, %max3A_45 : vector<632x64xf32>
    %swap3A = arith.constant 0 : index
    %swap3A_47 = arith.constant 0 : index
    %swap3A_48 = vector.load %arg7[%swap3A, %swap3A_47] : memref<632x64xf32, #tpu.memory_space<vmem>>, vector<632x64xf32>
    tpu.vector_store %arg7[%swap3A, %swap3A_47], %max3A_46 {strides = array<i32>} : memref<632x64xf32, #tpu.memory_space<vmem>>, vector<632x64xf32>,
    return
  }
  func.func @transform_0(%arg0: i32) -> (i32, i32) {
    %c0_i32 = arith.constant 0 : i32
    %c0_i32_0 = arith.constant 0 : i32
    return %arg0, %c0_i32 : i32, i32
  }
  func.func @transform_1(%arg0: i32) -> (i32, i32, i32) {
    %c0_i32 = arith.constant 0 : i32
    %c0_i32_0 = arith.constant 0 : i32
    %c0_i32_1 = arith.constant 0 : i32
    return %c0_i32, %arg0, %c0_i32_0 : i32, i32, i32
  }
  func.func @transform_2(%arg0: i32) -> (i32, i32, i32) {
    %c0_i32 = arith.constant 0 : i32
    %c0_i32_0 = arith.constant 0 : i32
    %c0_i32_1 = arith.constant 0 : i32
    return %c0_i32, %arg0, %c0_i32_0 : i32, i32, i32
  }
  func.func @transform_3(%arg0: i32) -> (i32, i32) {
    %c0_i32 = arith.constant 0 : i32
    %c0_i32_0 = arith.constant 0 : i32
    %c0_i32_1 = arith.constant 0 : i32
    return %c0_i32, %c0_i32_0 : i32, i32
  }
  func.func @transform_4(%arg0: i32) -> (i32, i32) {
    %c0_i32 = arith.constant 0 : i32
    %c0_i32_0 = arith.constant 0 : i32
    %c0_i32_1 = arith.constant 0 : i32
    return %c0_i32, %c0_i32_0 : i32, i32
  }
  func.func @transform_5(%arg0: i32) -> (i32, i32) {
    %c0_i32 = arith.constant 0 : i32
    %c0_i32_0 = arith.constant 0 : i32
    %c0_i32_1 = arith.constant 0 : i32
    return %c0_i32, %c0_i32_0 : i32, i32
  }
  func.func @transform_6(%arg0: i32) -> (i32, i32) {
    %c0_i32 = arith.constant 0 : i32
    %c0_i32_0 = arith.constant 0 : i32
    return %arg0, %c0_i32 : i32, i32
  }
}

module attributes {stable_mosaic.version = 14 : i64} {
  func.func @body(%arg0: memref<10112x64xf32, #tpu.memory_space<vmem>>, %arg1: memref<2x10112x64xf32, #tpu.memory_space<vmem>>, %arg2: memref<2x10112x16xf32, #tpu.memory_space<vmem>>, %arg3: memref<10112x2xf32, #tpu.memory_space<vmem>>, %arg4: memref<64x64xf32, #tpu.memory_space<vmem>>, %arg5: memref<64x64xf32, #tpu.memory_space<vmem>>, %arg6: memref<1x64xf32, #tpu.memory_space<vmem>>, %arg7: memref<64x64xf32, #tpu.memory_space<vmem>>, %arg8: memref<1x64xf32, #tpu.memory_space<vmem>>, %arg9: memref<64x1xf32, #tpu.memory_space<vmem>>, %arg10: memref<1x1xf32, #tpu.memory_space<vmem>>, %arg11: memref<1x2xf32, #tpu.memory_space<vmem>>, %arg12: memref<10112x1xf32, #tpu.memory_space<vmem>>) attributes {dimension_semantics = [], scalar_prefetch = 0 : i64, scratch_operands = 0 : i64, tpu.core_type = #tpu.core_type<tc>} {
    %get3A = arith.constant 0 : index
    %get3A_0 = arith.constant 0 : index
    %get3A_1 = arith.constant 0 : index
    %get3A_2 = vector.load %arg2[%get3A, %get3A_0, %get3A_1] : memref<2x10112x16xf32, #tpu.memory_space<vmem>>, vector<1x10112x1xf32>
    %get3A_3 = vector.shape_cast %get3A_2 : vector<1x10112x1xf32> to vector<10112x1xf32>
    %get3A_4 = arith.constant 1 : index
    %get3A_5 = arith.constant 0 : index
    %get3A_6 = arith.constant 0 : index
    %get3A_7 = vector.load %arg2[%get3A_4, %get3A_5, %get3A_6] : memref<2x10112x16xf32, #tpu.memory_space<vmem>>, vector<1x10112x1xf32>
    %get3A_8 = vector.shape_cast %get3A_7 : vector<1x10112x1xf32> to vector<10112x1xf32>
    %add3A = arith.addf %get3A_3, %get3A_8 : vector<10112x1xf32>
    %get3A_9 = arith.constant 0 : index
    %get3A_10 = arith.constant 0 : index
    %get3A_11 = arith.constant 0 : index
    %get3A_12 = vector.load %arg1[%get3A_9, %get3A_10, %get3A_11] : memref<2x10112x64xf32, #tpu.memory_space<vmem>>, vector<1x10112x64xf32>
    %get3A_13 = vector.shape_cast %get3A_12 : vector<1x10112x64xf32> to vector<10112x64xf32>
    %get3A_14 = arith.constant 1 : index
    %get3A_15 = arith.constant 0 : index
    %get3A_16 = arith.constant 0 : index
    %get3A_17 = vector.load %arg1[%get3A_14, %get3A_15, %get3A_16] : memref<2x10112x64xf32, #tpu.memory_space<vmem>>, vector<1x10112x64xf32>
    %get3A_18 = vector.shape_cast %get3A_17 : vector<1x10112x64xf32> to vector<10112x64xf32>
    %add3A_19 = arith.addf %get3A_13, %get3A_18 : vector<10112x64xf32>
    %max3A = arith.constant 1.000000e+00 : f32
    %max3A_20 = vector.broadcast %max3A : f32 to vector<10112x1xf32>
    %max3A_21 = arith.maximumf %add3A, %max3A_20 : vector<10112x1xf32>
    %div3A = vector.broadcast %max3A_21 : vector<10112x1xf32> to vector<10112x64xf32>
    %div3A_22 = arith.divf %add3A_19, %div3A : vector<10112x64xf32>
    %get3A_23 = arith.constant 0 : index
    %get3A_24 = arith.constant 0 : index
    %get3A_25 = vector.load %arg0[%get3A_23, %get3A_24] : memref<10112x64xf32, #tpu.memory_space<vmem>>, vector<10112x64xf32>
    %get3A_26 = arith.constant 0 : index
    %get3A_27 = arith.constant 0 : index
    %get3A_28 = vector.load %arg5[%get3A_26, %get3A_27] : memref<64x64xf32, #tpu.memory_space<vmem>>, vector<64x64xf32>
    %convert_element_type3A = arith.truncf %get3A_25 : vector<10112x64xf32> to vector<10112x64xbf16>
    %convert_element_type3A_29 = arith.truncf %get3A_28 : vector<64x64xf32> to vector<64x64xbf16>
    %dot_general3A = arith.constant dense<0.000000e+00> : vector<10112x64xf32>
    %dot_general3A_30 = tpu.matmul %convert_element_type3A, %convert_element_type3A_29, %dot_general3A {dimension_numbers = #tpu.dot_dimension_numbers<[1], [0], [0], [1], [0, 0, 1, 1], [], []>, transpose_lhs_hint = false} : vector<10112x64xbf16>, vector<64x64xbf16>, vector<10112x64xf32> -> vector<10112x64xf32>
    %get3A_31 = arith.constant 0 : index
    %get3A_32 = arith.constant 0 : index
    %get3A_33 = vector.load %arg4[%get3A_31, %get3A_32] : memref<64x64xf32, #tpu.memory_space<vmem>>, vector<64x64xf32>
    %convert_element_type3A_34 = arith.truncf %div3A_22 : vector<10112x64xf32> to vector<10112x64xbf16>
    %convert_element_type3A_35 = arith.truncf %get3A_33 : vector<64x64xf32> to vector<64x64xbf16>
    %dot_general3A_36 = arith.constant dense<0.000000e+00> : vector<10112x64xf32>
    %dot_general3A_37 = tpu.matmul %convert_element_type3A_34, %convert_element_type3A_35, %dot_general3A_36 {dimension_numbers = #tpu.dot_dimension_numbers<[1], [0], [0], [1], [0, 0, 1, 1], [], []>, transpose_lhs_hint = false} : vector<10112x64xbf16>, vector<64x64xbf16>, vector<10112x64xf32> -> vector<10112x64xf32>
    %add3A_38 = arith.addf %dot_general3A_30, %dot_general3A_37 : vector<10112x64xf32>
    %get3A_39 = arith.constant 0 : index
    %get3A_40 = arith.constant 0 : index
    %get3A_41 = vector.load %arg6[%get3A_39, %get3A_40] : memref<1x64xf32, #tpu.memory_space<vmem>>, vector<1x64xf32>
    %add3A_42 = vector.broadcast %get3A_41 : vector<1x64xf32> to vector<10112x64xf32>
    %add3A_43 = arith.addf %add3A_38, %add3A_42 : vector<10112x64xf32>
    %get3A_44 = arith.constant 0 : index
    %get3A_45 = arith.constant 0 : index
    %get3A_46 = vector.load %arg7[%get3A_44, %get3A_45] : memref<64x64xf32, #tpu.memory_space<vmem>>, vector<64x64xf32>
    %convert_element_type3A_47 = arith.truncf %add3A_43 : vector<10112x64xf32> to vector<10112x64xbf16>
    %convert_element_type3A_48 = arith.truncf %get3A_46 : vector<64x64xf32> to vector<64x64xbf16>
    %dot_general3A_49 = arith.constant dense<0.000000e+00> : vector<10112x64xf32>
    %dot_general3A_50 = tpu.matmul %convert_element_type3A_47, %convert_element_type3A_48, %dot_general3A_49 {dimension_numbers = #tpu.dot_dimension_numbers<[1], [0], [0], [1], [0, 0, 1, 1], [], []>, transpose_lhs_hint = false} : vector<10112x64xbf16>, vector<64x64xbf16>, vector<10112x64xf32> -> vector<10112x64xf32>
    %get3A_51 = arith.constant 0 : index
    %get3A_52 = arith.constant 0 : index
    %get3A_53 = vector.load %arg8[%get3A_51, %get3A_52] : memref<1x64xf32, #tpu.memory_space<vmem>>, vector<1x64xf32>
    %add3A_54 = vector.broadcast %get3A_53 : vector<1x64xf32> to vector<10112x64xf32>
    %add3A_55 = arith.addf %dot_general3A_50, %add3A_54 : vector<10112x64xf32>
    %max3A_56 = arith.constant 0.000000e+00 : f32
    %max3A_57 = vector.broadcast %max3A_56 : f32 to vector<10112x64xf32>
    %max3A_58 = arith.maximumf %add3A_55, %max3A_57 : vector<10112x64xf32>
    %get3A_59 = arith.constant 0 : index
    %get3A_60 = arith.constant 0 : index
    %get3A_61 = vector.load %arg9[%get3A_59, %get3A_60] : memref<64x1xf32, #tpu.memory_space<vmem>>, vector<64x1xf32>
    %convert_element_type3A_62 = arith.truncf %max3A_58 : vector<10112x64xf32> to vector<10112x64xbf16>
    %convert_element_type3A_63 = arith.truncf %get3A_61 : vector<64x1xf32> to vector<64x1xbf16>
    %dot_general3A_64 = arith.constant dense<0.000000e+00> : vector<10112x1xf32>
    %dot_general3A_65 = tpu.matmul %convert_element_type3A_62, %convert_element_type3A_63, %dot_general3A_64 {dimension_numbers = #tpu.dot_dimension_numbers<[1], [0], [0], [1], [0, 0, 1, 1], [], []>, transpose_lhs_hint = false} : vector<10112x64xbf16>, vector<64x1xbf16>, vector<10112x1xf32> -> vector<10112x1xf32>
    %get3A_66 = arith.constant 0 : index
    %get3A_67 = arith.constant 0 : index
    %get3A_68 = vector.load %arg10[%get3A_66, %get3A_67] : memref<1x1xf32, #tpu.memory_space<vmem>>, vector<1x1xf32>
    %get3A_69 = vector.extract %get3A_68[0, 0] : f32 from vector<1x1xf32>
    %add3A_70 = vector.broadcast %get3A_69 : f32 to vector<10112x1xf32>
    %add3A_71 = arith.addf %dot_general3A_65, %add3A_70 : vector<10112x1xf32>
    %iota3A = tpu.iota {dimensions = array<i32: 0>} : vector<10112x1xi32>
    %lt3A = arith.constant 10000 : i32
    %lt3A_72 = vector.broadcast %lt3A : i32 to vector<10112x1xi32>
    %lt3A_73 = arith.cmpi slt, %iota3A, %lt3A_72 : vector<10112x1xi32>
    %jit3A = arith.constant 0xFF800000 : f32
    %broadcast_in_dim3A = vector.broadcast %jit3A : f32 to vector<10112x1xf32>
    %select_n3A = arith.select %lt3A_73, %add3A_71, %broadcast_in_dim3A : vector<10112x1xi1>, vector<10112x1xf32>
    %reduce_max3A = vector.shape_cast %select_n3A : vector<10112x1xf32> to vector<1x10112x1xf32>
    %reduce_max3A_74 = arith.constant dense<0xFF800000> : vector<1xf32>
    %reduce_max3A_75 = vector.multi_reduction <maximumf>, %reduce_max3A, %reduce_max3A_74 [1, 2] : vector<1x10112x1xf32> to vector<1xf32>
    %reduce_max3A_76 = vector.shape_cast %reduce_max3A_75 : vector<1xf32> to vector<1x1x1xf32>
    %reduce_max3A_77 = vector.extract %reduce_max3A_76[0, 0, 0] : f32 from vector<1x1x1xf32>
    %sub3A = vector.broadcast %reduce_max3A_77 : f32 to vector<10112x1xf32>
    %sub3A_78 = arith.subf %select_n3A, %sub3A : vector<10112x1xf32>
    %exp3A = math.exp %sub3A_78 : vector<10112x1xf32>
    %reduce_sum3A = vector.shape_cast %exp3A : vector<10112x1xf32> to vector<1x10112x1xf32>
    %reduce_sum3A_79 = arith.constant dense<0.000000e+00> : vector<1xf32>
    %reduce_sum3A_80 = vector.multi_reduction <add>, %reduce_sum3A, %reduce_sum3A_79 [1, 2] : vector<1x10112x1xf32> to vector<1xf32>
    %reduce_sum3A_81 = vector.shape_cast %reduce_sum3A_80 : vector<1xf32> to vector<1x1x1xf32>
    %reduce_sum3A_82 = vector.extract %reduce_sum3A_81[0, 0, 0] : f32 from vector<1x1x1xf32>
    %div3A_83 = vector.broadcast %reduce_sum3A_82 : f32 to vector<10112x1xf32>
    %div3A_84 = arith.divf %exp3A, %div3A_83 : vector<10112x1xf32>
    %swap3A = arith.constant 0 : index
    %swap3A_85 = arith.constant 0 : index
    %swap3A_86 = vector.load %arg12[%swap3A, %swap3A_85] : memref<10112x1xf32, #tpu.memory_space<vmem>>, vector<10112x1xf32>
    tpu.vector_store %arg12[%swap3A, %swap3A_85], %div3A_84 {strides = array<i32>} : memref<10112x1xf32, #tpu.memory_space<vmem>>, vector<10112x1xf32>,
    %get3A_87 = arith.constant 0 : index
    %get3A_88 = arith.constant 0 : index
    %get3A_89 = vector.load %arg3[%get3A_87, %get3A_88] : memref<10112x2xf32, #tpu.memory_space<vmem>>, vector<10112x2xf32>
    %mul3A = vector.broadcast %div3A_84 : vector<10112x1xf32> to vector<10112x2xf32>
    %mul3A_90 = arith.mulf %mul3A, %get3A_89 : vector<10112x2xf32>
    %reduce_sum3A_91 = arith.constant dense<0.000000e+00> : vector<2xf32>
    %reduce_sum3A_92 = vector.multi_reduction <add>, %mul3A_90, %reduce_sum3A_91 [0] : vector<10112x2xf32> to vector<2xf32>
    %broadcast_in_dim3A_93 = vector.shape_cast %reduce_sum3A_92 : vector<2xf32> to vector<1x2xf32>
    %swap3A_94 = arith.constant 0 : index
    %swap3A_95 = arith.constant 0 : index
    %swap3A_96 = vector.load %arg11[%swap3A_94, %swap3A_95] : memref<1x2xf32, #tpu.memory_space<vmem>>, vector<1x2xf32>
    tpu.vector_store %arg11[%swap3A_94, %swap3A_95], %broadcast_in_dim3A_93 {strides = array<i32>} : memref<1x2xf32, #tpu.memory_space<vmem>>, vector<1x2xf32>,
    return
  }
}

</mosaic_0001>

<sc_bundles>
// kernel: kernel.10.cloned.1.call-start
scs
__scs_entry_jumppad:
0x0: {  	(pc) =	sbr.rel $0x88, $3  }
0x1: {  	(tag) =	ssettag $0x0;
	lr =	simm.s32 $0x1  }
0x2: {  	[smem:$0x3F90] =	sst lr;
	_ =	strace $0xD0000000  }
0x3: {  	_ = 	snop  }
0x4: {  	_ = 	snop  }
0x5: {  	_ = 	snop  }
0x6: {  	_ = 	snop  }
0x7: {  	_ = 	snop  }
__scs_overlays_trampoline_lowered:
0x8: {  	[smem:$0x3F9F] =	sst s0  }
0x9: {  	[smem:$0x3FA0] =	sst s1  }
0xa: {  	[smem:$0x3FA1] =	sst s2  }
0xb: {  	[smem:$0x3FA2] =	sst s3  }
0xc: {  	[smem:$0x3FA3] =	sst s4  }
0xd: {  	[smem:$0x3FA4] =	sst s5  }
0xe: {  	[smem:$0x3FA5] =	sst s6  }
0xf: {  	[smem:$0x3FA6] =	sst s7  }
0x10: {  	[smem:$0x3FA7] =	sst s8  }
0x11: {  	[smem:$0x3FA8] =	sst s9;
	s0 =	simm.s32 @!p0 $0x0  }
0x12: {  	s1 =	sld [smem:$0x3F8E];
	s0 =	simm.s32 @p0 $0x1  }
0x13: {  	[smem:$0x3FA9] =	sst s0;
	s0 =	simm.s32 @!p1 $0x0  }
0x14: {  	s2 =	sld [smem:$0x3F8D];
	s0 =	simm.s32 @p1 $0x1  }
0x15: {  	[smem:$0x3FAA] =	sst s0;
	s0 =	simm.s32 @!p2 $0x0  }
0x16: {  	s3 =	sld [smem:$0x3FDB];
	s0 =	simm.s32 @p2 $0x1  }
0x17: {  	s4 =	simm.s32 $0x1BF5;
	[smem:$0x3FAC] =	sst s0  }
0x18: {  	s0 =	sld [smem:$0x3F8F];
	_ =	swait.ge [sflag:s4], $0x0  }
0x19: {  	s7 =	sld [smem:$0x3F90]  }
0x1a: {  	s8 =	sadd.s32 $0xFFFFE003, lr  }
0x1b: {  	s9 =	sadd.s32 $0xFFFFFEF7, lr;
	s5 =	simm.s32 $0xFFFFFFFF;
	p2 =	slt.u32 s8, $0xFFFFF086  }
0x1c: {  	p1 =	slt.u32 s9, $0xF7A;
	s5 =	simm.s32 @!p2 $0x0  }
0x1d: {  	s5 =	simm.s32 @p1 $0x1;
	p0 =	seq.s32 s7, s2  }
0x1e: {  	s7 =	smul.u32 @!p0 $0xF7A, s2;
	p2 =	seq.s32 @!p0 s5, $0x0  }
0x1f: {  	s9 =	smul.u32 $0xF7A, s1;
	s8 =	simm.s32 @!p0 $0x1BF5;
	p2 =	por !p2, p0  }
0x20: {  	[sflag:s8] =	ssyncset.s32 @!p0 $0xFFFFF086;
	s6 =	sadd.s32 @!p0 s3, s7;
	s7 =	simm.s32 @!p0 $0x108  }
0x21: {  	s3 =	sadd.s32 s3, s9;
	s6 =	sadd.s32 @!p0 $0x88, s6;
	s7 =	simm.s32 @p2 $0x1082  }
0x22: {  	[simem:s7], [sflag:s8] =	dma.local @!p0 [hbm:s6], $0xF7A  }
0x23: {  	s9 =	sor.u32 $0xD0000000, s2;
	s6 =	simm.s32 $0x108;
	_ =	swait.ge @!p0 [sflag:s8], $0x0  }
0x24: {  	s3 =	sadd.s32 $0x88, s3;
	s6 =	simm.s32 @!p1 $0x1082;
	[sflag:s4] =	ssyncset.s32 $0xFFFFF086  }
0x25: {  	[simem:s6], [sflag:s4] =	dma.local [hbm:s3], $0xF7A  }
0x26: {  	[smem:$0x3F90] =	sst s1;
	(tag) =	ssettag s2;
	_ =	strace s9  }
0x27: {  	s1 =	sld [smem:$0x3FA0]  }
0x28: {  	s2 =	sld [smem:$0x3FA1]  }
0x29: {  	s4 =	sld [smem:$0x3FA3]  }
0x2a: {  	p0 =	seq.s32 s5, $0x0;
	s5 =	sld [smem:$0x3FA4]  }
0x2b: {  	s6 =	sld [smem:$0x3FA5]  }
0x2c: {  	s7 =	sld [smem:$0x3FA6]  }
0x2d: {  	s3 =	simm.s32 $0x108;
	s8 =	sld [smem:$0x3FA7]  }
0x2e: {  	s3 =	simm.s32 @!p0 $0x1082;
	s9 =	sld [smem:$0x3FA8]  }
0x2f: {  	lr =	sadd.s32 s0, s3;
	s0 =	sld [smem:$0x3F9F]  }
0x30: {  	s3 =	sld [smem:$0x3FA2]  }
0x31: {  	[smem:$0x3FAB] =	sst s10  }
0x32: {  	s10 =	sld [smem:$0x3FA9];
	_ =	sdelay $0x3  }
0x33: {  	p0 =	seq.s32 s10, $0x1;
	s10 =	sld [smem:$0x3FAB];
	_ =	sdelay $0x3  }
0x34: {  	[smem:$0x3FAB] =	sst s10  }
0x35: {  	s10 =	sld [smem:$0x3FAA];
	_ =	sdelay $0x3  }
0x36: {  	p1 =	seq.s32 s10, $0x1;
	s10 =	sld [smem:$0x3FAB];
	_ =	sdelay $0x3  }
0x37: {  	[smem:$0x3FAB] =	sst s10  }
0x38: {  	s10 =	sld [smem:$0x3FAC]  }
0x39: {  	_ = 	snop;
	(pc) =	sbr.ind lr, $3  }
0x3a: {  	_ = 	snop  }
0x3b: {  	_ = 	snop  }
0x3c: {  	p2 =	seq.s32 s10, $0x1;
	s10 =	sld [smem:$0x3FAB]  }
0x3d: {  	_ =	shalt  }
0x3e: {  	_ =	shalt  }
0x3f: {  	_ =	shalt  }
0x40: {  	_ =	shalt  }
0x41: {  	_ =	shalt  }
0x42: {  	_ =	shalt  }
0x43: {  	_ =	shalt  }
0x44: {  	_ =	shalt  }
0x45: {  	_ =	shalt  }
0x46: {  	_ =	shalt  }
0x47: {  	_ =	shalt  }
0x48: {  	_ =	shalt  }
0x49: {  	_ =	shalt  }
0x4a: {  	_ =	shalt  }
0x4b: {  	_ =	shalt  }
0x4c: {  	_ =	shalt  }
0x4d: {  	_ =	shalt  }
0x4e: {  	_ =	shalt  }
0x4f: {  	_ =	shalt  }
0x50: {  	_ =	shalt  }
0x51: {  	_ =	shalt  }
0x52: {  	_ =	shalt  }
0x53: {  	_ =	shalt  }
0x54: {  	_ =	shalt  }
0x55: {  	_ =	shalt  }
0x56: {  	_ =	shalt  }
0x57: {  	_ =	shalt  }
0x58: {  	_ =	shalt  }
0x59: {  	_ =	shalt  }
0x5a: {  	_ =	shalt  }
0x5b: {  	_ =	shalt  }
0x5c: {  	_ =	shalt  }
0x5d: {  	_ =	shalt  }
0x5e: {  	_ =	shalt  }
0x5f: {  	_ =	shalt  }
0x60: {  	_ =	shalt  }
0x61: {  	_ =	shalt  }
0x62: {  	_ =	shalt  }
0x63: {  	_ =	shalt  }
0x64: {  	_ =	shalt  }
0x65: {  	_ =	shalt  }
0x66: {  	_ =	shalt  }
0x67: {  	_ =	shalt  }
0x68: {  	_ =	shalt  }
0x69: {  	_ =	shalt  }
0x6a: {  	_ =	shalt  }
0x6b: {  	_ =	shalt  }
0x6c: {  	_ =	shalt  }
0x6d: {  	_ =	shalt  }
0x6e: {  	_ =	shalt  }
0x6f: {  	_ =	shalt  }
0x70: {  	_ =	shalt  }
0x71: {  	_ =	shalt  }
0x72: {  	_ =	shalt  }
0x73: {  	_ =	shalt  }
0x74: {  	_ =	shalt  }
0x75: {  	_ =	shalt  }
0x76: {  	_ =	shalt  }
0x77: {  	_ =	shalt  }
0x78: {  	_ =	shalt  }
0x79: {  	_ =	shalt  }
0x7a: {  	_ =	shalt  }
0x7b: {  	_ =	shalt  }
0x7c: {  	_ =	shalt  }
0x7d: {  	_ =	shalt  }
0x7e: {  	_ =	shalt  }
0x7f: {  	_ =	shalt  }
0x80: {  	_ =	shalt  }
0x81: {  	_ =	shalt  }
0x82: {  	_ =	shalt  }
0x83: {  	_ =	shalt  }
0x84: {  	_ =	shalt  }
0x85: {  	_ =	shalt  }
0x86: {  	_ =	shalt  }
0x87: {  	_ =	shalt  }
.Lfunc_end0:
.L_simem_size_0:
called_computation_lowered:
.L_overlay_start_0:
0x88: {  	s2 =	sld [smem:$0x3FD9]  }
0x89: {  	s3 =	sld [smem:$0x3FFE];
	_ =	sdelay $0x1  }
0x8a: {  	s1 =	srdreg.scid  }
0x8b: {  	s0 =	sand.u32 $0x1, s1  }
0x8c: {  	s15 =	sshll.u32 s0, $0xA;
	s2 =	sadd.s32 s3, s2  }
0x8d: {  	s2 =	sadd.s32 s2, s15  }
0x8e: {  	[smem:$0x3FB7] =	sst s2  }
0x8f: {  	_ = 	snop  }
0x90: {  	s2 =	sld [smem:$0x3FD0];
	_ =	sdelay $0x2  }
0x91: {  	s16 =	simm.s32 $0xC;
	s4 =	simm.s32 $0x10  }
0x92: {  	[smem:s4], [sflag:s16] =	dma.local [hbm:s2], $0x1  }
0x93: {  	_ =	swait.eq [sflag:s16], $0x1  }
0x94: {  	[sflag:s16] =	ssyncset.done $0x0  }
0x95: {  	[sflag:s16] =	ssyncadd.s32 $0xFFFFFFFF  }
0x96: {  	s17 =	sld [smem:$0x11];
	(tm) =	ssettm $0x1  }
0x97: {  	s18 =	sld [smem:$0x3FFB];
	_ =	sdelay $0x3  }
0x98: {  	_ =	strace s18  }
0x99: {  	s2 =	sld [smem:$0x3FFC];
	_ =	sdelay $0x3  }
0x9a: {  	_ =	strace s2  }
0x9b: {  	s2 =	sld [smem:$0x3FFD];
	_ =	sdelay $0x3  }
0x9c: {  	_ =	strace s2  }
0x9d: {  	_ =	strace $0x8FFFFFFF  }
0x9e: {  	s19 =	sld [smem:$0x3FDB];
	_ =	sdelay $0x1  }
0x9f: {  	s20 =	simm.s32 $_scs_section_size  }
0xa0: {  	s5 =	simm.s32 $_size__tile_overlayer_lowered;
	s6 =	simm.s32 $_tile_overlayer_lowered  }
0xa1: {  	s7 =	simm.s32 $0x1BFF;
	s21 =	sshll.u32 s6, $0x1;
	s4 =	sadd.s32 s20, s19  }
0xa2: {  	s22 =	simm.s32 $0x0;
	s5 =	sshll.u32 s5, $0x1;
	s6 =	sadd.s32 s21, s4  }
0xa3: {  	[timem:s22], [sflag:s7] =	dma.local [hbm:s6], s5  }
0xa4: {  	_ =	swait.ge [sflag:s7], s5  }
0xa5: {  	s5 =	ssub.s32 $0x0, s5;
	[sflag:s7] =	ssyncset.done $0x0  }
0xa6: {  	[sflag:s7] =	ssyncadd.s32 s5;
	_ =	sdelay $0x1  }
0xa7: {  	s23 =	simm.s32 $0x1B8B  }
0xa8: {  	_ =	swait.ge [sflag:s23], $0x1  }
0xa9: {  	[sflag:s23] =	ssyncset.done $0x0  }
0xaa: {  	[sflag:s23] =	ssyncadd.s32 $0xFFFFFFFF  }
0xab: {  	s5 =	sld [smem:$0x0]  }
0xac: {  	s6 =	sand.u32 $0xFFFFFFFE, s1  }
0xad: {  	p0 =	sne.s32 s1, s6  }
0xae: {  	s6 =	sshll.u32 @p0 s6, $0xE  }
0xaf: {  	s6 =	sadd.s32 @p0 $0x11B8D, s6;
	s7 =	sshll.u32 @p0 s5, $0x11  }
0xb0: {  	s6 =	sor.u32 @p0 s7, s6  }
0xb1: {  	[sflag:s6] =	ssyncadd.remote.s32 @p0 $0x1;
	_ =	sdelay $0x1  }
0xb2: {  	s6 =	simm.s32 @p0 $0x1B8D  }
0xb3: {  	_ =	swait.eq @p0 [sflag:s6], $0x1  }
0xb4: {  	[sflag:s6] =	ssyncadd.s32 @p0 $0xFFFFFFFF  }
0xb5: {  	s7 =	sshll.u32 @!p0 s1, $0xE  }
0xb6: {  	s7 =	sor.u32 @!p0 $0x4000, s7;
	s6 =	simm.s32 @!p0 $0x1B8D  }
0xb7: {  	s5 =	sshll.u32 @!p0 s5, $0x11;
	s7 =	sadd.s32 @!p0 $0x11B8D, s7;
	_ =	swait.eq @!p0 [sflag:s6], $0x1  }
0xb8: {  	s5 =	sor.u32 @!p0 s5, s7;
	[sflag:s6] =	ssyncadd.s32 @!p0 $0xFFFFFFFF  }
0xb9: {  	s25 =	simm.s32 $0x1B8E;
	s24 =	sld [smem:$0x3FFE];
	[sflag:s5] =	ssyncadd.remote.s32 @!p0 $0x1  }
0xba: {  	s26 =	simm.s32 $execute0_lowered;
	[smem:$0x3FD2] =	sst s25  }
0xbb: {  	s6 =	sshll.u32 s26, $0x1;
	_ =	strace $0x8000004C;
	[dreg:$0x1] =	wrdreg $0xFFFFFFFF  }
0xbc: {  	s28 =	simm.s32 $_size_execute0_lowered;
	s4 =	sadd.s32 s4, s6;
	[dreg:$0x0] =	wrdreg $0x0  }
0xbd: {  	s6 =	sshll.u32 s28, $0x1;
	[dreg:$0x2] =	wrdreg s4  }
0xbe: {  	[dreg:$0x3] =	wrdreg s6  }
0xbf: {  	[dreg:$0x4] =	wrdreg $0xC0  }
0xc0: {  	_ =	task [dreg:s22], $0x5FFFF  }
0xc1: {  	[dreg:$0x1] =	wrdreg $0xFFFFFFFF  }
0xc2: {  	[dreg:$0x0] =	wrdreg $0x60  }
0xc3: {  	[dreg:$0x2] =	wrdreg s24  }
0xc4: {  	[dreg:$0x3] =	wrdreg s17  }
0xc5: {  	[dreg:$0x4] =	wrdreg $0x30000  }
0xc6: {  	[dreg:$0x5] =	wrdreg $0x9  }
0xc7: {  	_ =	task.clear_ibuf [dreg:s22], $0x6FFFF;
	_ =	strace $0x9000004C  }
0xc8: {  	s29 =	simm.s32 $0x9;
	_ =	strace $0x8000004E  }
0xc9: {  	_ =	swait.ge [sflag:s29], $0x1  }
0xca: {  	[sflag:s29] =	ssyncadd.s32 $0xFFFFFFFF  }
0xcb: {  	_ =	strace $0x9000004E  }
0xcc: {  	_ =	sfence  }
0xcd: {  	s30 =	sld [smem:$0x0];
	_ =	sdelay $0x2  }
0xce: {  	s31 =	sshll.u32 s1, $0xD;
	s1 =	sshrl.u32 s1, $0x2  }
0xcf: {  	s4 =	sand.u32 $0x4000, s31;
	s1 =	sadd.s32 s1, s30  }
0xd0: {  	s0 =	sor.u32 s4, s0;
	s1 =	sshll.u32 s1, $0x11  }
0xd1: {  	s0 =	sor.u32 s1, s0  }
0xd2: {  	s0 =	sadd.s32 $0x8F2B, s0  }
0xd3: {  	[sflag:s0] =	ssyncadd.remote.s32 $0x1  }
0xd4: {  	_ =	sfence.sel $0xFFFF  }
0xd5: {  	[dreg:$0x0] =	wrdreg $0xFFFFFFFF;
	(pc) =	sbr.abs _section_cstart, $3  }
0xd6: {  	[dreg:$0x1] =	wrdreg $0xFFFFFFFF  }
0xd7: {  	_ =	task.clear_ibuf [dreg:s22], $0x2FFFF;
	_ =	strace $0x9FFFFFFF  }
0xd8: {  	(tm) =	ssettm $0x7FFFFFFF  }
0xd9: {  	_ =	shalt  }
tec
execute0_lowered:
.L_overlay_start_1:
0x0: {  	(tag) =	ssettag $0x1  }
0x1: {  	s6 =	rddreg [dreg:$0x0]  }
0x2: {  	s0 =	srdreg.scid;
	s2 =	rddreg [dreg:$0x1]  }
0x3: {  	s3 =	rddreg [dreg:$0x2];
	s4 =	simm.s32 $0x0;
	s13 =	simm.s32 $0x80  }
0x4: {  	s14 =	simm.s32 $0x0;
	s5 =	sand.u32 $0x1, s0;
	s0 =	stileid.u32  }
0x5: {  	[smem:$0x7FF] =	sst s4;
	s1 =	sshll.u32 s5, $0x4;
	s8 =	smul.u32 $0x2780, s0  }
0x6: {  	s9 =	smul.u32 $0x27800, s5;
	s5 =	ssub.s32 $0x2, s5;
	s1 =	sor.u32 s0, s1  }
0x7: {  	s31 =	sshll.u32 s0, $0x6;
	s11 =	sshrl.u32 s5, $0x1;
	s7 =	smul.u32 $0x500, s1  }
0x8: {  	s1 =	rddreg [dreg:$0x3];
	_ =	strace $0x8000004D;
	s9 =	sadd.s32 s8, s9  }
0x9: {  	s10 =	sshrl.u32 s8, $0x3;
	s11 =	ssub.s32 s5, s11;
	s12 =	sadd.s32 s8, s3  }
0xa: {  	s9 =	sshrl.u32 s9, $0x3;
	s10 =	sadd.s32 s10, s6;
	s7 =	sadd.s32 s7, s6  }
0xb: {  	s9 =	sadd.s32 s9, s6;
	s5 =	sadd.s32 $0xA0C00, s10;
	s6 =	sor.u32 $0x1C01, s31  }
0xc: {  	s10 =	sshrl.u32 s12, $0x3;
	s12 =	simm.s32 $0x2800;
	s7 =	sadd.s32 $0x16400, s7  }
0xd: {  	s8 =	sadd.s32 $0xA5C00, s9;
	s9 =	smax.u32 s11, $0x1;
	s11 =	simm.s32 $0x1  }
.LBB2_1:
0xe: {  	[spmem:s10], [sflag:s6] =	dma.local [hbm:s5], $0x4F0  }
0xf: {  	_ =	swait.ge [sflag:s11], $0x4F0  }
0x10: {  	[sflag:s11] =	ssyncset.done $0x0  }
0x11: {  	[sflag:s11] =	ssyncadd.s32 $0xFFFFFB10  }
0x12: {  	[tilespmem:s4], [sflag:$0x1] =	stream.linear.gather [hbm4b:s7+s4], $0x2800, $0x38;
	[tilespmem:$0x5780] =	vst v63  }
0x13: {  	_ =	swait.ge [sflag:s11], $0x2800  }
0x14: {  	[sflag:s11] =	ssyncset.done $0x0  }
0x15: {  	[sflag:s11] =	ssyncadd.s32 $0xFFFFD800  }
0x16: {  	[tilespmem:s12], [sflag:$0x1] =	stream.linear.gather [hbm4b:s2+s4], $0x800, $0x38;
	[tilespmem:$0x5780] =	vst v63  }
0x17: {  	_ =	swait.ge [sflag:s11], $0x800  }
0x18: {  	[sflag:s11] =	ssyncset.done $0x0  }
0x19: {  	[sflag:s11] =	ssyncadd.s32 $0xFFFFF800  }
0x1a: {  	s15 =	simm.s32 $0x0;
	[bflag:$0x0] =	sbarrier.arrive $0xFFFF  }
0x1b: {  	[spmem:s3] =	stream.indirect.scatter.add.f32 [tilespmem:s12], [sflag:$0x1], $0x10, s15, s13, $0xb8;
	[tilespmem:$0x5780] =	vst v63  }
0x1c: {  	_ =	swait.ge [sflag:s11], $0x800  }
0x1d: {  	s15 =	simm.s32 $0x200;
	[sflag:s11] =	ssyncset.done $0x0  }
.LBB2_2:
0x1e: {  	s16 =	sshra.s32 s15, $0x2;
	[sflag:s11] =	ssyncadd.s32 $0xFFFFF800;
	p0 =	sne.s32 s15, $0x9E00  }
0x1f: {  	[spmem:s3] =	stream.indirect.scatter.add.f32 [tilespmem:s12], [sflag:$0x1], $0x10, s16, s13, $0xb8;
	[tilespmem:$0x5780] =	vst v63  }
.Ltmp0:
0x20: {  	_ = 	snop;
	(pc) =	sbr.rel @p0 .LBB2_2-.Ltmp0, $4  }
0x21: {  	_ = 	snop  }
0x22: {  	s15 =	sadd.s32 $0x200, s15  }
0x23: {  	_ =	swait.ge [sflag:s11], $0x800  }
0x24: {  	[sflag:s11] =	ssyncset.done $0x0  }
0x25: {  	s14 =	sadd.s32 $0x1, s14  }
0x26: {  	[sflag:s11] =	ssyncadd.s32 $0xFFFFF800;
	p0 =	sne.s32 s14, s9  }
.Ltmp1:
0x27: {  	[bflag:$0x0] =	sbarrier.arrive $0xFFFF;
	(pc) =	sbr.rel @p0 .LBB2_1-.Ltmp1, $4  }
0x28: {  	[hbm:s8], [sflag:s6] =	dma.local [spmem:s10], $0x4F0  }
0x29: {  	_ =	swait.ge [sflag:s11], $0x4F0  }
0x2a: {  	[sflag:s11] =	ssyncset.done $0x0  }
0x2b: {  	[sflag:s11] =	ssyncadd.s32 $0xFFFFFB10  }
0x2c: {  	_ =	sfence.sel $0x180000  }
0x2d: {  	[bflag:$0x0] =	sbarrier.arrive $0xFFFF  }
0x2e: {  	p0 =	sne.s32 s0, $0x0;
	_ =	strace $0x9000004D  }
0x2f: {  	s0 =	sadd.s32 @!p0 $0x100000, s1;
	[bflag:$0x2] =	sbarrier.arrive $0xFFFF  }
0x30: {  	[sflag:s0] =	ssyncadd.tile.s32 @!p0 $0x1;
	_ =	shalt  }
.Lfunc_end2:
_tile_overlayer_lowered:
.L_overlay_start_2:
0x31: {  	(tag) =	ssettag $0x2  }
0x32: {  	s0 =	rddreg [dreg:$0x0];
	s2 =	stileid.u32  }
0x33: {  	s1 =	rddreg [dreg:$0x1];
	p0 =	sne.s32 s2, $0x0  }
0x34: {  	s3 =	rddreg [dreg:$0x2];
	[bflag:$0x3] =	sbarrier.arrive $0xFFFF;
	s2 =	simm.s32 @!p0 $0x1C01  }
0x35: {  	[timem:s3], [sflag:s2] =	dma.local @!p0 [hbm:s0], s1  }
0x36: {  	s0 =	simm.s32 @!p0 $0x1  }
0x37: {  	_ =	swait.ge @!p0 [sflag:s0], s1  }
0x38: {  	s1 =	ssub.s32 @!p0 $0x0, s1;
	[sflag:s0] =	ssyncset.done @!p0 $0x0  }
0x39: {  	[sflag:s0] =	ssyncadd.s32 @!p0 s1  }
0x3a: {  	[bflag:$0x3] =	sbarrier.arrive $0xFFFF  }
0x3b: {  	_ =	shalt  }

// kernel: kernel.13.cloned.1.call-start
scs
__scs_entry_jumppad:
0x0: {  	(pc) =	sbr.rel $0x88, $3  }
0x1: {  	(tag) =	ssettag $0x0;
	lr =	simm.s32 $0x1  }
0x2: {  	[smem:$0x3F90] =	sst lr;
	_ =	strace $0xD0000000  }
0x3: {  	_ = 	snop  }
0x4: {  	_ = 	snop  }
0x5: {  	_ = 	snop  }
0x6: {  	_ = 	snop  }
0x7: {  	_ = 	snop  }
__scs_overlays_trampoline_lowered:
0x8: {  	[smem:$0x3F9F] =	sst s0  }
0x9: {  	[smem:$0x3FA0] =	sst s1  }
0xa: {  	[smem:$0x3FA1] =	sst s2  }
0xb: {  	[smem:$0x3FA2] =	sst s3  }
0xc: {  	[smem:$0x3FA3] =	sst s4  }
0xd: {  	[smem:$0x3FA4] =	sst s5  }
0xe: {  	[smem:$0x3FA5] =	sst s6  }
0xf: {  	[smem:$0x3FA6] =	sst s7  }
0x10: {  	[smem:$0x3FA7] =	sst s8  }
0x11: {  	[smem:$0x3FA8] =	sst s9;
	s0 =	simm.s32 @!p0 $0x0  }
0x12: {  	s1 =	sld [smem:$0x3F8E];
	s0 =	simm.s32 @p0 $0x1  }
0x13: {  	[smem:$0x3FA9] =	sst s0;
	s0 =	simm.s32 @!p1 $0x0  }
0x14: {  	s2 =	sld [smem:$0x3F8D];
	s0 =	simm.s32 @p1 $0x1  }
0x15: {  	[smem:$0x3FAA] =	sst s0;
	s0 =	simm.s32 @!p2 $0x0  }
0x16: {  	s3 =	sld [smem:$0x3FDB];
	s0 =	simm.s32 @p2 $0x1  }
0x17: {  	s4 =	simm.s32 $0x1BF5;
	[smem:$0x3FAC] =	sst s0  }
0x18: {  	s0 =	sld [smem:$0x3F8F];
	_ =	swait.ge [sflag:s4], $0x0  }
0x19: {  	s7 =	sld [smem:$0x3F90]  }
0x1a: {  	s8 =	sadd.s32 $0xFFFFE003, lr  }
0x1b: {  	s9 =	sadd.s32 $0xFFFFFEF7, lr;
	s5 =	simm.s32 $0xFFFFFFFF;
	p2 =	slt.u32 s8, $0xFFFFF086  }
0x1c: {  	p1 =	slt.u32 s9, $0xF7A;
	s5 =	simm.s32 @!p2 $0x0  }
0x1d: {  	s5 =	simm.s32 @p1 $0x1;
	p0 =	seq.s32 s7, s2  }
0x1e: {  	s7 =	smul.u32 @!p0 $0xF7A, s2;
	p2 =	seq.s32 @!p0 s5, $0x0  }
0x1f: {  	s9 =	smul.u32 $0xF7A, s1;
	s8 =	simm.s32 @!p0 $0x1BF5;
	p2 =	por !p2, p0  }
0x20: {  	[sflag:s8] =	ssyncset.s32 @!p0 $0xFFFFF086;
	s6 =	sadd.s32 @!p0 s3, s7;
	s7 =	simm.s32 @!p0 $0x108  }
0x21: {  	s3 =	sadd.s32 s3, s9;
	s6 =	sadd.s32 @!p0 $0x88, s6;
	s7 =	simm.s32 @p2 $0x1082  }
0x22: {  	[simem:s7], [sflag:s8] =	dma.local @!p0 [hbm:s6], $0xF7A  }
0x23: {  	s9 =	sor.u32 $0xD0000000, s2;
	s6 =	simm.s32 $0x108;
	_ =	swait.ge @!p0 [sflag:s8], $0x0  }
0x24: {  	s3 =	sadd.s32 $0x88, s3;
	s6 =	simm.s32 @!p1 $0x1082;
	[sflag:s4] =	ssyncset.s32 $0xFFFFF086  }
0x25: {  	[simem:s6], [sflag:s4] =	dma.local [hbm:s3], $0xF7A  }
0x26: {  	[smem:$0x3F90] =	sst s1;
	(tag) =	ssettag s2;
	_ =	strace s9  }
0x27: {  	s1 =	sld [smem:$0x3FA0]  }
0x28: {  	s2 =	sld [smem:$0x3FA1]  }
0x29: {  	s4 =	sld [smem:$0x3FA3]  }
0x2a: {  	p0 =	seq.s32 s5, $0x0;
	s5 =	sld [smem:$0x3FA4]  }
0x2b: {  	s6 =	sld [smem:$0x3FA5]  }
0x2c: {  	s7 =	sld [smem:$0x3FA6]  }
0x2d: {  	s3 =	simm.s32 $0x108;
	s8 =	sld [smem:$0x3FA7]  }
0x2e: {  	s3 =	simm.s32 @!p0 $0x1082;
	s9 =	sld [smem:$0x3FA8]  }
0x2f: {  	lr =	sadd.s32 s0, s3;
	s0 =	sld [smem:$0x3F9F]  }
0x30: {  	s3 =	sld [smem:$0x3FA2]  }
0x31: {  	[smem:$0x3FAB] =	sst s10  }
0x32: {  	s10 =	sld [smem:$0x3FA9];
	_ =	sdelay $0x3  }
0x33: {  	p0 =	seq.s32 s10, $0x1;
	s10 =	sld [smem:$0x3FAB];
	_ =	sdelay $0x3  }
0x34: {  	[smem:$0x3FAB] =	sst s10  }
0x35: {  	s10 =	sld [smem:$0x3FAA];
	_ =	sdelay $0x3  }
0x36: {  	p1 =	seq.s32 s10, $0x1;
	s10 =	sld [smem:$0x3FAB];
	_ =	sdelay $0x3  }
0x37: {  	[smem:$0x3FAB] =	sst s10  }
0x38: {  	s10 =	sld [smem:$0x3FAC]  }
0x39: {  	_ = 	snop;
	(pc) =	sbr.ind lr, $3  }
0x3a: {  	_ = 	snop  }
0x3b: {  	_ = 	snop  }
0x3c: {  	p2 =	seq.s32 s10, $0x1;
	s10 =	sld [smem:$0x3FAB]  }
0x3d: {  	_ =	shalt  }
0x3e: {  	_ =	shalt  }
0x3f: {  	_ =	shalt  }
0x40: {  	_ =	shalt  }
0x41: {  	_ =	shalt  }
0x42: {  	_ =	shalt  }
0x43: {  	_ =	shalt  }
0x44: {  	_ =	shalt  }
0x45: {  	_ =	shalt  }
0x46: {  	_ =	shalt  }
0x47: {  	_ =	shalt  }
0x48: {  	_ =	shalt  }
0x49: {  	_ =	shalt  }
0x4a: {  	_ =	shalt  }
0x4b: {  	_ =	shalt  }
0x4c: {  	_ =	shalt  }
0x4d: {  	_ =	shalt  }
0x4e: {  	_ =	shalt  }
0x4f: {  	_ =	shalt  }
0x50: {  	_ =	shalt  }
0x51: {  	_ =	shalt  }
0x52: {  	_ =	shalt  }
0x53: {  	_ =	shalt  }
0x54: {  	_ =	shalt  }
0x55: {  	_ =	shalt  }
0x56: {  	_ =	shalt  }
0x57: {  	_ =	shalt  }
0x58: {  	_ =	shalt  }
0x59: {  	_ =	shalt  }
0x5a: {  	_ =	shalt  }
0x5b: {  	_ =	shalt  }
0x5c: {  	_ =	shalt  }
0x5d: {  	_ =	shalt  }
0x5e: {  	_ =	shalt  }
0x5f: {  	_ =	shalt  }
0x60: {  	_ =	shalt  }
0x61: {  	_ =	shalt  }
0x62: {  	_ =	shalt  }
0x63: {  	_ =	shalt  }
0x64: {  	_ =	shalt  }
0x65: {  	_ =	shalt  }
0x66: {  	_ =	shalt  }
0x67: {  	_ =	shalt  }
0x68: {  	_ =	shalt  }
0x69: {  	_ =	shalt  }
0x6a: {  	_ =	shalt  }
0x6b: {  	_ =	shalt  }
0x6c: {  	_ =	shalt  }
0x6d: {  	_ =	shalt  }
0x6e: {  	_ =	shalt  }
0x6f: {  	_ =	shalt  }
0x70: {  	_ =	shalt  }
0x71: {  	_ =	shalt  }
0x72: {  	_ =	shalt  }
0x73: {  	_ =	shalt  }
0x74: {  	_ =	shalt  }
0x75: {  	_ =	shalt  }
0x76: {  	_ =	shalt  }
0x77: {  	_ =	shalt  }
0x78: {  	_ =	shalt  }
0x79: {  	_ =	shalt  }
0x7a: {  	_ =	shalt  }
0x7b: {  	_ =	shalt  }
0x7c: {  	_ =	shalt  }
0x7d: {  	_ =	shalt  }
0x7e: {  	_ =	shalt  }
0x7f: {  	_ =	shalt  }
0x80: {  	_ =	shalt  }
0x81: {  	_ =	shalt  }
0x82: {  	_ =	shalt  }
0x83: {  	_ =	shalt  }
0x84: {  	_ =	shalt  }
0x85: {  	_ =	shalt  }
0x86: {  	_ =	shalt  }
0x87: {  	_ =	shalt  }
.Lfunc_end0:
.L_simem_size_0:
called_computation.1_lowered:
.L_overlay_start_0:
0x88: {  	s2 =	sld [smem:$0x3FD9]  }
0x89: {  	s3 =	sld [smem:$0x3FFE];
	_ =	sdelay $0x1  }
0x8a: {  	s1 =	srdreg.scid  }
0x8b: {  	s0 =	sand.u32 $0x1, s1  }
0x8c: {  	s17 =	sshll.u32 s0, $0xA;
	s2 =	sadd.s32 s3, s2  }
0x8d: {  	s2 =	sadd.s32 s2, s17  }
0x8e: {  	[smem:$0x3FB7] =	sst s2  }
0x8f: {  	_ = 	snop  }
0x90: {  	(tm) =	ssettm $0x1  }
0x91: {  	s18 =	sld [smem:$0x3FFB];
	_ =	sdelay $0x3  }
0x92: {  	_ =	strace s18  }
0x93: {  	s2 =	sld [smem:$0x3FFC];
	_ =	sdelay $0x3  }
0x94: {  	_ =	strace s2  }
0x95: {  	s2 =	sld [smem:$0x3FFD];
	_ =	sdelay $0x3  }
0x96: {  	_ =	strace s2  }
0x97: {  	_ =	strace $0x8FFFFFFF  }
0x98: {  	s19 =	sld [smem:$0x3FDB];
	_ =	sdelay $0x1  }
0x99: {  	s20 =	simm.s32 $_scs_section_size  }
0x9a: {  	s4 =	simm.s32 $_size__tile_overlayer_lowered;
	s5 =	simm.s32 $_tile_overlayer_lowered  }
0x9b: {  	s6 =	simm.s32 $0x1BFF;
	s21 =	sshll.u32 s5, $0x1;
	s3 =	sadd.s32 s20, s19  }
0x9c: {  	s22 =	simm.s32 $0x0;
	s4 =	sshll.u32 s4, $0x1;
	s5 =	sadd.s32 s21, s3  }
0x9d: {  	[timem:s22], [sflag:s6] =	dma.local [hbm:s5], s4  }
0x9e: {  	_ =	swait.ge [sflag:s6], s4  }
0x9f: {  	s4 =	ssub.s32 $0x0, s4;
	[sflag:s6] =	ssyncset.done $0x0  }
0xa0: {  	[sflag:s6] =	ssyncadd.s32 s4;
	_ =	sdelay $0x1  }
0xa1: {  	s23 =	simm.s32 $0x1B8B  }
0xa2: {  	_ =	swait.ge [sflag:s23], $0x1  }
0xa3: {  	[sflag:s23] =	ssyncset.done $0x0  }
0xa4: {  	[sflag:s23] =	ssyncadd.s32 $0xFFFFFFFF  }
0xa5: {  	s4 =	sld [smem:$0x0]  }
0xa6: {  	s5 =	sand.u32 $0xFFFFFFFE, s1  }
0xa7: {  	p0 =	sne.s32 s1, s5  }
0xa8: {  	s5 =	sshll.u32 @p0 s5, $0xE  }
0xa9: {  	s5 =	sadd.s32 @p0 $0x11B8D, s5;
	s6 =	sshll.u32 @p0 s4, $0x11  }
0xaa: {  	s5 =	sor.u32 @p0 s6, s5  }
0xab: {  	[sflag:s5] =	ssyncadd.remote.s32 @p0 $0x1;
	_ =	sdelay $0x1  }
0xac: {  	s5 =	simm.s32 @p0 $0x1B8D  }
0xad: {  	_ =	swait.eq @p0 [sflag:s5], $0x1  }
0xae: {  	[sflag:s5] =	ssyncadd.s32 @p0 $0xFFFFFFFF  }
0xaf: {  	s6 =	sshll.u32 @!p0 s1, $0xE  }
0xb0: {  	s6 =	sor.u32 @!p0 $0x4000, s6;
	s5 =	simm.s32 @!p0 $0x1B8D  }
0xb1: {  	s4 =	sshll.u32 @!p0 s4, $0x11;
	s6 =	sadd.s32 @!p0 $0x11B8D, s6;
	_ =	swait.eq @!p0 [sflag:s5], $0x1  }
0xb2: {  	s4 =	sor.u32 @!p0 s4, s6;
	[sflag:s5] =	ssyncadd.s32 @!p0 $0xFFFFFFFF  }
0xb3: {  	s25 =	simm.s32 $0x1B8E;
	s24 =	sld [smem:$0x3FFE];
	[sflag:s4] =	ssyncadd.remote.s32 @!p0 $0x1  }
0xb4: {  	s26 =	simm.s32 $execute0_lowered;
	[smem:$0x3FD2] =	sst s25  }
0xb5: {  	s5 =	sshll.u32 s26, $0x1;
	_ =	strace $0x80000049;
	[dreg:$0x1] =	wrdreg $0xFFFFFFFF  }
0xb6: {  	s28 =	simm.s32 $_size_execute0_lowered;
	s3 =	sadd.s32 s3, s5;
	[dreg:$0x0] =	wrdreg $0x0  }
0xb7: {  	s5 =	sshll.u32 s28, $0x1;
	[dreg:$0x2] =	wrdreg s3  }
0xb8: {  	[dreg:$0x3] =	wrdreg s5  }
0xb9: {  	[dreg:$0x4] =	wrdreg $0xC0  }
0xba: {  	_ =	task [dreg:s22], $0x5FFFF  }
0xbb: {  	[dreg:$0x1] =	wrdreg $0xFFFFFFFF  }
0xbc: {  	[dreg:$0x0] =	wrdreg $0x60  }
0xbd: {  	[dreg:$0x2] =	wrdreg s24  }
0xbe: {  	[dreg:$0x3] =	wrdreg $0x90000  }
0xbf: {  	[dreg:$0x4] =	wrdreg $0x12E000  }
0xc0: {  	[dreg:$0x5] =	wrdreg $0xA  }
0xc1: {  	_ =	task.clear_ibuf [dreg:s22], $0x6FFFF;
	_ =	strace $0x90000049  }
0xc2: {  	s29 =	simm.s32 $0xA;
	_ =	strace $0x8000004B  }
0xc3: {  	_ =	swait.ge [sflag:s29], $0x1  }
0xc4: {  	[sflag:s29] =	ssyncadd.s32 $0xFFFFFFFF  }
0xc5: {  	_ =	strace $0x9000004B  }
0xc6: {  	_ =	sfence  }
0xc7: {  	s30 =	sld [smem:$0x0];
	_ =	sdelay $0x2  }
0xc8: {  	s31 =	sshll.u32 s1, $0xD;
	s1 =	sshrl.u32 s1, $0x2  }
0xc9: {  	s4 =	sand.u32 $0x4000, s31;
	s1 =	sadd.s32 s1, s30  }
0xca: {  	s0 =	sor.u32 s4, s0;
	s1 =	sshll.u32 s1, $0x11  }
0xcb: {  	s0 =	sor.u32 s1, s0  }
0xcc: {  	s0 =	sadd.s32 $0x8F2B, s0  }
0xcd: {  	[sflag:s0] =	ssyncadd.remote.s32 $0x1  }
0xce: {  	_ =	sfence.sel $0xFFFF  }
0xcf: {  	[dreg:$0x0] =	wrdreg $0xFFFFFFFF;
	(pc) =	sbr.abs _section_cstart, $3  }
0xd0: {  	[dreg:$0x1] =	wrdreg $0xFFFFFFFF  }
0xd1: {  	_ =	task.clear_ibuf [dreg:s22], $0x2FFFF;
	_ =	strace $0x9FFFFFFF  }
0xd2: {  	(tm) =	ssettm $0x7FFFFFFF  }
0xd3: {  	_ =	shalt  }
tec
execute0_lowered:
.L_overlay_start_1:
0x0: {  	(tag) =	ssettag $0x1  }
0x1: {  	s6 =	rddreg [dreg:$0x0]  }
0x2: {  	s2 =	rddreg [dreg:$0x1]  }
0x3: {  	s0 =	srdreg.scid;
	s3 =	rddreg [dreg:$0x2]  }
0x4: {  	s4 =	simm.s32 $0x0;
	s15 =	simm.s32 $0x2800;
	s16 =	simm.s32 $0x80  }
0x5: {  	s17 =	simm.s32 $0x5000;
	s18 =	simm.s32 $0x7000;
	s19 =	simm.s32 $0x1  }
0x6: {  	s20 =	simm.s32 $0x2;
	s21 =	simm.s32 $0x4F00;
	s22 =	simm.s32 $0x4F80  }
0x7: {  	s23 =	simm.s32 $0x0;
	s5 =	sand.u32 $0x1, s0;
	s0 =	stileid.u32  }
0x8: {  	[smem:$0x7FF] =	sst s4;
	s1 =	sshll.u32 s5, $0x4;
	s8 =	smul.u32 $0x9E00, s0  }
0x9: {  	s9 =	smul.u32 $0x9E000, s5;
	s5 =	ssub.s32 $0x2, s5;
	s1 =	sor.u32 s0, s1  }
0xa: {  	s31 =	sshll.u32 s0, $0x6;
	s11 =	sshrl.u32 s5, $0x1;
	s7 =	smul.u32 $0x500, s1  }
0xb: {  	s1 =	rddreg [dreg:$0x3];
	_ =	strace $0x8000004A;
	s30 =	sshrl.u32 s8, $0x3  }
0xc: {  	s9 =	sadd.s32 s8, s9;
	s11 =	ssub.s32 s5, s11;
	s13 =	sadd.s32 s8, s2  }
0xd: {  	s14 =	sadd.s32 s8, s3;
	s9 =	sshrl.u32 s9, $0x3;
	s11 =	smax.u32 s11, $0x1  }
0xe: {  	s14 =	sshrl.u32 s14, $0x3;
	s10 =	sadd.s32 s7, s6;
	s7 =	sadd.s32 s30, s6  }
0xf: {  	s12 =	sadd.s32 s9, s6;
	s6 =	sor.u32 $0x1C03, s31;
	s5 =	sadd.s32 $0x65800, s7  }
0x10: {  	s7 =	sadd.s32 $0x2A400, s7;
	s8 =	sadd.s32 $0x20400, s10;
	s9 =	sadd.s32 $0x16400, s10  }
0x11: {  	s10 =	sadd.s32 $0x79400, s12;
	s12 =	sshrl.u32 s13, $0x3;
	s13 =	simm.s32 $0x3  }
.LBB2_1:
0x12: {  	[spmem:s12], [sflag:s6] =	dma.local [hbm:s5], $0x13C0  }
0x13: {  	_ =	swait.ge [sflag:s13], $0x13C0  }
0x14: {  	[sflag:s13] =	ssyncset.done $0x0  }
0x15: {  	[sflag:s13] =	ssyncadd.s32 $0xFFFFEC40  }
0x16: {  	[spmem:s14], [sflag:s6] =	dma.local [hbm:s7], $0x13C0  }
0x17: {  	_ =	swait.ge [sflag:s13], $0x13C0  }
0x18: {  	[sflag:s13] =	ssyncset.done $0x0  }
0x19: {  	[sflag:s13] =	ssyncadd.s32 $0xFFFFEC40  }
0x1a: {  	[tilespmem:s4], [sflag:$0x3] =	stream.linear.gather [hbm4b:s8+s4], $0x2800, $0x38;
	[tilespmem:$0x1CC00] =	vst v63  }
0x1b: {  	_ =	swait.ge [sflag:s13], $0x2800  }
0x1c: {  	[sflag:s13] =	ssyncset.done $0x0  }
0x1d: {  	[sflag:s13] =	ssyncadd.s32 $0xFFFFD800  }
0x1e: {  	[tilespmem:s15], [sflag:$0x3] =	stream.linear.gather [hbm4b:s9+s4], $0x2800, $0x38;
	[tilespmem:$0x1CC00] =	vst v63  }
0x1f: {  	_ =	swait.ge [sflag:s13], $0x2800  }
0x20: {  	[sflag:s13] =	ssyncset.done $0x0  }
0x21: {  	[sflag:s13] =	ssyncadd.s32 $0xFFFFD800  }
0x22: {  	[bflag:$0x0] =	sbarrier.arrive $0xFFFF  }
0x23: {  	[tilespmem:s17], [sflag:$0x1] =	stream.indirect.gather [spmem:s2], $0x40, s4, s16, $0xb8;
	[tilespmem:$0x1CC00] =	vst v63  }
0x24: {  	_ = 	snop  }
0x25: {  	[tilespmem:s18], [sflag:$0x2] =	stream.indirect.gather [spmem:s2], $0x40, s16, s16, $0xb8;
	[tilespmem:$0x1CC00] =	vst v63  }
0x26: {  	_ =	swait.ge [sflag:s19], $0x2000  }
0x27: {  	[sflag:s19] =	ssyncset.done $0x0  }
0x28: {  	s24 =	simm.s32 $0x2800;
	[sflag:s19] =	ssyncadd.s32 $0xFFFFE000  }
0x29: {  	[spmem:s3] =	stream.indirect.scatter.add.f32 [tilespmem:s17], [sflag:$0x3], $0x40, s24, s16, $0xb8;
	[tilespmem:$0x1CC00] =	vst v63  }
0x2a: {  	_ =	swait.ge [sflag:s13], $0x2000  }
0x2b: {  	[sflag:s13] =	ssyncset.done $0x0  }
0x2c: {  	s30 =	simm.s32 $0x100;
	[sflag:s13] =	ssyncadd.s32 $0xFFFFE000  }
0x2d: {  	[tilespmem:s17], [sflag:$0x1] =	stream.indirect.gather [spmem:s2], $0x40, s30, s16, $0xb8;
	[tilespmem:$0x1CC00] =	vst v63  }
0x2e: {  	_ =	swait.ge [sflag:s20], $0x2000  }
0x2f: {  	[sflag:s20] =	ssyncset.done $0x0  }
0x30: {  	s31 =	simm.s32 $0x2880;
	[sflag:s20] =	ssyncadd.s32 $0xFFFFE000  }
0x31: {  	[spmem:s3] =	stream.indirect.scatter.add.f32 [tilespmem:s18], [sflag:$0x3], $0x40, s31, s16, $0xb8;
	[tilespmem:$0x1CC00] =	vst v63  }
0x32: {  	_ =	swait.ge [sflag:s13], $0x2000  }
0x33: {  	[sflag:s13] =	ssyncset.done $0x0  }
0x34: {  	s25 =	simm.s32 $0x180;
	s24 =	simm.s32 $0x400;
	[sflag:s13] =	ssyncadd.s32 $0xFFFFE000  }
.LBB2_2:
0x35: {  	[tilespmem:s18], [sflag:$0x2] =	stream.indirect.gather [spmem:s2], $0x40, s25, s16, $0xb8;
	[tilespmem:$0x1CC00] =	vst v63  }
0x36: {  	s25 =	smov.u32 s24  }
0x37: {  	p0 =	sne.s32 s24, $0x9800;
	s24 =	sadd.s32 $0x400, s24;
	_ =	swait.ge [sflag:s19], $0x2000  }
0x38: {  	s25 =	sshra.s32 s25, $0x2;
	[sflag:s19] =	ssyncset.done $0x0  }
0x39: {  	s26 =	sadd.s32 $0x2800, s25;
	[sflag:s19] =	ssyncadd.s32 $0xFFFFE000  }
0x3a: {  	[spmem:s3] =	stream.indirect.scatter.add.f32 [tilespmem:s17], [sflag:$0x3], $0x40, s26, s16, $0xb8;
	[tilespmem:$0x1CC00] =	vst v63  }
0x3b: {  	_ =	swait.ge [sflag:s13], $0x2000  }
0x3c: {  	[sflag:s13] =	ssyncset.done $0x0  }
0x3d: {  	s26 =	sadd.s32 $0x100, s25;
	[sflag:s13] =	ssyncadd.s32 $0xFFFFE000  }
0x3e: {  	[tilespmem:s17], [sflag:$0x1] =	stream.indirect.gather [spmem:s2], $0x40, s26, s16, $0xb8;
	[tilespmem:$0x1CC00] =	vst v63  }
0x3f: {  	_ =	swait.ge [sflag:s20], $0x2000  }
0x40: {  	[sflag:s20] =	ssyncset.done $0x0  }
.Ltmp0:
0x41: {  	s26 =	sadd.s32 $0x2880, s25;
	[sflag:s20] =	ssyncadd.s32 $0xFFFFE000;
	(pc) =	sbr.rel @p0 .LBB2_2-.Ltmp0, $4  }
0x42: {  	[spmem:s3] =	stream.indirect.scatter.add.f32 [tilespmem:s18], [sflag:$0x3], $0x40, s26, s16, $0xb8;
	[tilespmem:$0x1CC00] =	vst v63  }
0x43: {  	_ =	swait.ge [sflag:s13], $0x2000  }
0x44: {  	[sflag:s13] =	ssyncset.done $0x0  }
0x45: {  	s25 =	sadd.s32 $0x180, s25;
	[sflag:s13] =	ssyncadd.s32 $0xFFFFE000  }
0x46: {  	[tilespmem:s18], [sflag:$0x2] =	stream.indirect.gather [spmem:s2], $0x40, s25, s16, $0xb8;
	[tilespmem:$0x1CC00] =	vst v63  }
0x47: {  	_ =	swait.ge [sflag:s19], $0x2000  }
0x48: {  	[sflag:s19] =	ssyncset.done $0x0  }
0x49: {  	[sflag:s19] =	ssyncadd.s32 $0xFFFFE000  }
0x4a: {  	[spmem:s3] =	stream.indirect.scatter.add.f32 [tilespmem:s17], [sflag:$0x3], $0x40, s21, s16, $0xb8;
	[tilespmem:$0x1CC00] =	vst v63  }
0x4b: {  	_ =	swait.ge [sflag:s13], $0x2000  }
0x4c: {  	[sflag:s13] =	ssyncset.done $0x0  }
0x4d: {  	[sflag:s13] =	ssyncadd.s32 $0xFFFFE000  }
0x4e: {  	_ =	swait.ge [sflag:s20], $0x2000  }
0x4f: {  	[sflag:s20] =	ssyncset.done $0x0  }
0x50: {  	[sflag:s20] =	ssyncadd.s32 $0xFFFFE000  }
0x51: {  	[spmem:s3] =	stream.indirect.scatter.add.f32 [tilespmem:s18], [sflag:$0x3], $0x40, s22, s16, $0xb8;
	[tilespmem:$0x1CC00] =	vst v63  }
0x52: {  	_ =	swait.ge [sflag:s13], $0x2000  }
0x53: {  	s23 =	sadd.s32 $0x1, s23;
	[sflag:s13] =	ssyncset.done $0x0  }
0x54: {  	p0 =	sne.s32 s23, s11;
	[sflag:s13] =	ssyncadd.s32 $0xFFFFE000  }
.Ltmp1:
0x55: {  	[bflag:$0x0] =	sbarrier.arrive $0xFFFF;
	(pc) =	sbr.rel @p0 .LBB2_1-.Ltmp1, $4  }
0x56: {  	[hbm:s10], [sflag:s6] =	dma.local [spmem:s14], $0x13C0  }
0x57: {  	_ =	swait.ge [sflag:s13], $0x13C0  }
0x58: {  	[sflag:s13] =	ssyncset.done $0x0  }
0x59: {  	[sflag:s13] =	ssyncadd.s32 $0xFFFFEC40  }
0x5a: {  	_ =	sfence.sel $0x180000  }
0x5b: {  	[bflag:$0x0] =	sbarrier.arrive $0xFFFF  }
0x5c: {  	p0 =	sne.s32 s0, $0x0;
	_ =	strace $0x9000004A  }
0x5d: {  	s0 =	sadd.s32 @!p0 $0x100000, s1;
	[bflag:$0x2] =	sbarrier.arrive $0xFFFF  }
0x5e: {  	[sflag:s0] =	ssyncadd.tile.s32 @!p0 $0x1;
	_ =	shalt  }
.Lfunc_end2:
_tile_overlayer_lowered:
.L_overlay_start_2:
0x5f: {  	(tag) =	ssettag $0x2  }
0x60: {  	s0 =	rddreg [dreg:$0x0];
	s2 =	stileid.u32  }
0x61: {  	s1 =	rddreg [dreg:$0x1];
	p0 =	sne.s32 s2, $0x0  }
0x62: {  	s3 =	rddreg [dreg:$0x2];
	[bflag:$0x3] =	sbarrier.arrive $0xFFFF;
	s2 =	simm.s32 @!p0 $0x1C03  }
0x63: {  	[timem:s3], [sflag:s2] =	dma.local @!p0 [hbm:s0], s1  }
0x64: {  	s0 =	simm.s32 @!p0 $0x3  }
0x65: {  	_ =	swait.ge @!p0 [sflag:s0], s1  }
0x66: {  	s1 =	ssub.s32 @!p0 $0x0, s1;
	[sflag:s0] =	ssyncset.done @!p0 $0x0  }
0x67: {  	[sflag:s0] =	ssyncadd.s32 @!p0 s1  }
0x68: {  	[bflag:$0x3] =	sbarrier.arrive $0xFFFF  }
0x69: {  	_ =	shalt  }

// kernel: kernel.16.cloned.1.call-start
scs
__scs_entry_jumppad:
0x0: {  	(pc) =	sbr.rel $0x88, $3  }
0x1: {  	(tag) =	ssettag $0x0;
	lr =	simm.s32 $0x1  }
0x2: {  	[smem:$0x3F90] =	sst lr;
	_ =	strace $0xD0000000  }
0x3: {  	_ = 	snop  }
0x4: {  	_ = 	snop  }
0x5: {  	_ = 	snop  }
0x6: {  	_ = 	snop  }
0x7: {  	_ = 	snop  }
__scs_overlays_trampoline_lowered:
0x8: {  	[smem:$0x3F9F] =	sst s0  }
0x9: {  	[smem:$0x3FA0] =	sst s1  }
0xa: {  	[smem:$0x3FA1] =	sst s2  }
0xb: {  	[smem:$0x3FA2] =	sst s3  }
0xc: {  	[smem:$0x3FA3] =	sst s4  }
0xd: {  	[smem:$0x3FA4] =	sst s5  }
0xe: {  	[smem:$0x3FA5] =	sst s6  }
0xf: {  	[smem:$0x3FA6] =	sst s7  }
0x10: {  	[smem:$0x3FA7] =	sst s8  }
0x11: {  	[smem:$0x3FA8] =	sst s9;
	s0 =	simm.s32 @!p0 $0x0  }
0x12: {  	s1 =	sld [smem:$0x3F8E];
	s0 =	simm.s32 @p0 $0x1  }
0x13: {  	[smem:$0x3FA9] =	sst s0;
	s0 =	simm.s32 @!p1 $0x0  }
0x14: {  	s2 =	sld [smem:$0x3F8D];
	s0 =	simm.s32 @p1 $0x1  }
0x15: {  	[smem:$0x3FAA] =	sst s0;
	s0 =	simm.s32 @!p2 $0x0  }
0x16: {  	s3 =	sld [smem:$0x3FDB];
	s0 =	simm.s32 @p2 $0x1  }
0x17: {  	s4 =	simm.s32 $0x1BF5;
	[smem:$0x3FAC] =	sst s0  }
0x18: {  	s0 =	sld [smem:$0x3F8F];
	_ =	swait.ge [sflag:s4], $0x0  }
0x19: {  	s7 =	sld [smem:$0x3F90]  }
0x1a: {  	s8 =	sadd.s32 $0xFFFFE003, lr  }
0x1b: {  	s9 =	sadd.s32 $0xFFFFFEF7, lr;
	s5 =	simm.s32 $0xFFFFFFFF;
	p2 =	slt.u32 s8, $0xFFFFF086  }
0x1c: {  	p1 =	slt.u32 s9, $0xF7A;
	s5 =	simm.s32 @!p2 $0x0  }
0x1d: {  	s5 =	simm.s32 @p1 $0x1;
	p0 =	seq.s32 s7, s2  }
0x1e: {  	s7 =	smul.u32 @!p0 $0xF7A, s2;
	p2 =	seq.s32 @!p0 s5, $0x0  }
0x1f: {  	s9 =	smul.u32 $0xF7A, s1;
	s8 =	simm.s32 @!p0 $0x1BF5;
	p2 =	por !p2, p0  }
0x20: {  	[sflag:s8] =	ssyncset.s32 @!p0 $0xFFFFF086;
	s6 =	sadd.s32 @!p0 s3, s7;
	s7 =	simm.s32 @!p0 $0x108  }
0x21: {  	s3 =	sadd.s32 s3, s9;
	s6 =	sadd.s32 @!p0 $0x88, s6;
	s7 =	simm.s32 @p2 $0x1082  }
0x22: {  	[simem:s7], [sflag:s8] =	dma.local @!p0 [hbm:s6], $0xF7A  }
0x23: {  	s9 =	sor.u32 $0xD0000000, s2;
	s6 =	simm.s32 $0x108;
	_ =	swait.ge @!p0 [sflag:s8], $0x0  }
0x24: {  	s3 =	sadd.s32 $0x88, s3;
	s6 =	simm.s32 @!p1 $0x1082;
	[sflag:s4] =	ssyncset.s32 $0xFFFFF086  }
0x25: {  	[simem:s6], [sflag:s4] =	dma.local [hbm:s3], $0xF7A  }
0x26: {  	[smem:$0x3F90] =	sst s1;
	(tag) =	ssettag s2;
	_ =	strace s9  }
0x27: {  	s1 =	sld [smem:$0x3FA0]  }
0x28: {  	s2 =	sld [smem:$0x3FA1]  }
0x29: {  	s4 =	sld [smem:$0x3FA3]  }
0x2a: {  	p0 =	seq.s32 s5, $0x0;
	s5 =	sld [smem:$0x3FA4]  }
0x2b: {  	s6 =	sld [smem:$0x3FA5]  }
0x2c: {  	s7 =	sld [smem:$0x3FA6]  }
0x2d: {  	s3 =	simm.s32 $0x108;
	s8 =	sld [smem:$0x3FA7]  }
0x2e: {  	s3 =	simm.s32 @!p0 $0x1082;
	s9 =	sld [smem:$0x3FA8]  }
0x2f: {  	lr =	sadd.s32 s0, s3;
	s0 =	sld [smem:$0x3F9F]  }
0x30: {  	s3 =	sld [smem:$0x3FA2]  }
0x31: {  	[smem:$0x3FAB] =	sst s10  }
0x32: {  	s10 =	sld [smem:$0x3FA9];
	_ =	sdelay $0x3  }
0x33: {  	p0 =	seq.s32 s10, $0x1;
	s10 =	sld [smem:$0x3FAB];
	_ =	sdelay $0x3  }
0x34: {  	[smem:$0x3FAB] =	sst s10  }
0x35: {  	s10 =	sld [smem:$0x3FAA];
	_ =	sdelay $0x3  }
0x36: {  	p1 =	seq.s32 s10, $0x1;
	s10 =	sld [smem:$0x3FAB];
	_ =	sdelay $0x3  }
0x37: {  	[smem:$0x3FAB] =	sst s10  }
0x38: {  	s10 =	sld [smem:$0x3FAC]  }
0x39: {  	_ = 	snop;
	(pc) =	sbr.ind lr, $3  }
0x3a: {  	_ = 	snop  }
0x3b: {  	_ = 	snop  }
0x3c: {  	p2 =	seq.s32 s10, $0x1;
	s10 =	sld [smem:$0x3FAB]  }
0x3d: {  	_ =	shalt  }
0x3e: {  	_ =	shalt  }
0x3f: {  	_ =	shalt  }
0x40: {  	_ =	shalt  }
0x41: {  	_ =	shalt  }
0x42: {  	_ =	shalt  }
0x43: {  	_ =	shalt  }
0x44: {  	_ =	shalt  }
0x45: {  	_ =	shalt  }
0x46: {  	_ =	shalt  }
0x47: {  	_ =	shalt  }
0x48: {  	_ =	shalt  }
0x49: {  	_ =	shalt  }
0x4a: {  	_ =	shalt  }
0x4b: {  	_ =	shalt  }
0x4c: {  	_ =	shalt  }
0x4d: {  	_ =	shalt  }
0x4e: {  	_ =	shalt  }
0x4f: {  	_ =	shalt  }
0x50: {  	_ =	shalt  }
0x51: {  	_ =	shalt  }
0x52: {  	_ =	shalt  }
0x53: {  	_ =	shalt  }
0x54: {  	_ =	shalt  }
0x55: {  	_ =	shalt  }
0x56: {  	_ =	shalt  }
0x57: {  	_ =	shalt  }
0x58: {  	_ =	shalt  }
0x59: {  	_ =	shalt  }
0x5a: {  	_ =	shalt  }
0x5b: {  	_ =	shalt  }
0x5c: {  	_ =	shalt  }
0x5d: {  	_ =	shalt  }
0x5e: {  	_ =	shalt  }
0x5f: {  	_ =	shalt  }
0x60: {  	_ =	shalt  }
0x61: {  	_ =	shalt  }
0x62: {  	_ =	shalt  }
0x63: {  	_ =	shalt  }
0x64: {  	_ =	shalt  }
0x65: {  	_ =	shalt  }
0x66: {  	_ =	shalt  }
0x67: {  	_ =	shalt  }
0x68: {  	_ =	shalt  }
0x69: {  	_ =	shalt  }
0x6a: {  	_ =	shalt  }
0x6b: {  	_ =	shalt  }
0x6c: {  	_ =	shalt  }
0x6d: {  	_ =	shalt  }
0x6e: {  	_ =	shalt  }
0x6f: {  	_ =	shalt  }
0x70: {  	_ =	shalt  }
0x71: {  	_ =	shalt  }
0x72: {  	_ =	shalt  }
0x73: {  	_ =	shalt  }
0x74: {  	_ =	shalt  }
0x75: {  	_ =	shalt  }
0x76: {  	_ =	shalt  }
0x77: {  	_ =	shalt  }
0x78: {  	_ =	shalt  }
0x79: {  	_ =	shalt  }
0x7a: {  	_ =	shalt  }
0x7b: {  	_ =	shalt  }
0x7c: {  	_ =	shalt  }
0x7d: {  	_ =	shalt  }
0x7e: {  	_ =	shalt  }
0x7f: {  	_ =	shalt  }
0x80: {  	_ =	shalt  }
0x81: {  	_ =	shalt  }
0x82: {  	_ =	shalt  }
0x83: {  	_ =	shalt  }
0x84: {  	_ =	shalt  }
0x85: {  	_ =	shalt  }
0x86: {  	_ =	shalt  }
0x87: {  	_ =	shalt  }
.Lfunc_end0:
.L_simem_size_0:
called_computation.2_lowered:
.L_overlay_start_0:
0x88: {  	s2 =	sld [smem:$0x3FD9]  }
0x89: {  	s3 =	sld [smem:$0x3FFE];
	_ =	sdelay $0x1  }
0x8a: {  	s1 =	srdreg.scid  }
0x8b: {  	s0 =	sand.u32 $0x1, s1  }
0x8c: {  	s16 =	sshll.u32 s0, $0xA;
	s2 =	sadd.s32 s3, s2  }
0x8d: {  	s2 =	sadd.s32 s2, s16  }
0x8e: {  	[smem:$0x3FB7] =	sst s2  }
0x8f: {  	_ = 	snop  }
0x90: {  	(tm) =	ssettm $0x1  }
0x91: {  	s17 =	sld [smem:$0x3FFB];
	_ =	sdelay $0x3  }
0x92: {  	_ =	strace s17  }
0x93: {  	s2 =	sld [smem:$0x3FFC];
	_ =	sdelay $0x3  }
0x94: {  	_ =	strace s2  }
0x95: {  	s2 =	sld [smem:$0x3FFD];
	_ =	sdelay $0x3  }
0x96: {  	_ =	strace s2  }
0x97: {  	_ =	strace $0x8FFFFFFF  }
0x98: {  	s18 =	sld [smem:$0x3FDB];
	_ =	sdelay $0x1  }
0x99: {  	s19 =	simm.s32 $_scs_section_size  }
0x9a: {  	s4 =	simm.s32 $_size__tile_overlayer_lowered;
	s5 =	simm.s32 $_tile_overlayer_lowered  }
0x9b: {  	s22 =	simm.s32 $0x1BFF;
	s21 =	sshll.u32 s5, $0x1;
	s2 =	sadd.s32 s19, s18  }
0x9c: {  	s6 =	simm.s32 $0x0;
	s20 =	sshll.u32 s4, $0x1;
	s4 =	sadd.s32 s21, s2  }
0x9d: {  	[timem:s6], [sflag:s22] =	dma.local [hbm:s4], s20  }
0x9e: {  	_ =	swait.ge [sflag:s22], s20  }
0x9f: {  	s3 =	ssub.s32 $0x0, s20;
	[sflag:s22] =	ssyncset.done $0x0  }
0xa0: {  	[sflag:s22] =	ssyncadd.s32 s3;
	_ =	sdelay $0x1  }
0xa1: {  	s23 =	simm.s32 $0x1B8B  }
0xa2: {  	_ =	swait.ge [sflag:s23], $0x1  }
0xa3: {  	[sflag:s23] =	ssyncset.done $0x0  }
0xa4: {  	s25 =	simm.s32 $0x1B8E;
	s24 =	sld [smem:$0x3FFE];
	[sflag:s23] =	ssyncadd.s32 $0xFFFFFFFF  }
0xa5: {  	s26 =	simm.s32 $execute0_lowered;
	[smem:$0x3FD2] =	sst s25  }
0xa6: {  	s4 =	sshll.u32 s26, $0x1;
	_ =	strace $0x80000046;
	[dreg:$0x1] =	wrdreg $0xFFFFFFFF  }
0xa7: {  	s28 =	simm.s32 $_size_execute0_lowered;
	s2 =	sadd.s32 s2, s4;
	[dreg:$0x0] =	wrdreg $0x0  }
0xa8: {  	s4 =	sshll.u32 s28, $0x1;
	[dreg:$0x2] =	wrdreg s2  }
0xa9: {  	[dreg:$0x3] =	wrdreg s4  }
0xaa: {  	[dreg:$0x4] =	wrdreg $0xC0  }
0xab: {  	_ =	task [dreg:s6], $0x5FFFF  }
0xac: {  	[dreg:$0x1] =	wrdreg $0xFFFFFFFF  }
0xad: {  	[dreg:$0x0] =	wrdreg $0x60  }
0xae: {  	[dreg:$0x2] =	wrdreg s24  }
0xaf: {  	[dreg:$0x3] =	wrdreg $0x90000  }
0xb0: {  	[dreg:$0x4] =	wrdreg $0x12E000  }
0xb1: {  	[dreg:$0x5] =	wrdreg $0xB  }
0xb2: {  	_ =	task.clear_ibuf [dreg:s6], $0x6FFFF;
	_ =	strace $0x90000046  }
0xb3: {  	s29 =	simm.s32 $0xB;
	_ =	strace $0x80000048  }
0xb4: {  	_ =	swait.ge [sflag:s29], $0x1  }
0xb5: {  	[sflag:s29] =	ssyncadd.s32 $0xFFFFFFFF  }
0xb6: {  	_ =	strace $0x90000048  }
0xb7: {  	_ =	sfence  }
0xb8: {  	s30 =	sld [smem:$0x0];
	_ =	sdelay $0x2  }
0xb9: {  	s31 =	sshll.u32 s1, $0xD;
	s1 =	sshrl.u32 s1, $0x2  }
0xba: {  	s3 =	sand.u32 $0x4000, s31;
	s1 =	sadd.s32 s1, s30  }
0xbb: {  	s0 =	sor.u32 s3, s0;
	s1 =	sshll.u32 s1, $0x11  }
0xbc: {  	s0 =	sor.u32 s1, s0  }
0xbd: {  	s0 =	sadd.s32 $0x8F2B, s0  }
0xbe: {  	[sflag:s0] =	ssyncadd.remote.s32 $0x1  }
0xbf: {  	_ =	sfence.sel $0xFFFF  }
0xc0: {  	[dreg:$0x0] =	wrdreg $0xFFFFFFFF;
	(pc) =	sbr.abs _section_cstart, $3  }
0xc1: {  	[dreg:$0x1] =	wrdreg $0xFFFFFFFF  }
0xc2: {  	_ =	task.clear_ibuf [dreg:s6], $0x2FFFF;
	_ =	strace $0x9FFFFFFF  }
0xc3: {  	(tm) =	ssettm $0x7FFFFFFF  }
tec
execute0_lowered:
.L_overlay_start_1:
0x0: {  	(tag) =	ssettag $0x1  }
0x1: {  	s6 =	rddreg [dreg:$0x0]  }
0x2: {  	s2 =	rddreg [dreg:$0x1]  }
0x3: {  	s0 =	srdreg.scid;
	s3 =	rddreg [dreg:$0x2]  }
0x4: {  	s4 =	simm.s32 $0x0;
	s15 =	simm.s32 $0x2800;
	s16 =	simm.s32 $0x80  }
0x5: {  	s17 =	simm.s32 $0x5000;
	s18 =	simm.s32 $0x7000;
	s19 =	simm.s32 $0x1  }
0x6: {  	s20 =	simm.s32 $0x2;
	s21 =	simm.s32 $0x4F00;
	s22 =	simm.s32 $0x4F80  }
0x7: {  	s23 =	simm.s32 $0x0;
	s5 =	sand.u32 $0x1, s0;
	s0 =	stileid.u32  }
0x8: {  	[smem:$0x7FF] =	sst s4;
	s1 =	sshll.u32 s5, $0x4;
	s8 =	smul.u32 $0x9E00, s0  }
0x9: {  	s9 =	smul.u32 $0x9E000, s5;
	s5 =	ssub.s32 $0x2, s5;
	s1 =	sor.u32 s0, s1  }
0xa: {  	s31 =	sshll.u32 s0, $0x6;
	s11 =	sshrl.u32 s5, $0x1;
	s7 =	smul.u32 $0x500, s1  }
0xb: {  	s1 =	rddreg [dreg:$0x3];
	_ =	strace $0x80000047;
	s30 =	sshrl.u32 s8, $0x3  }
0xc: {  	s9 =	sadd.s32 s8, s9;
	s11 =	ssub.s32 s5, s11;
	s13 =	sadd.s32 s8, s2  }
0xd: {  	s14 =	sadd.s32 s8, s3;
	s9 =	sshrl.u32 s9, $0x3;
	s11 =	smax.u32 s11, $0x1  }
0xe: {  	s14 =	sshrl.u32 s14, $0x3;
	s10 =	sadd.s32 s7, s6;
	s7 =	sadd.s32 s30, s6  }
0xf: {  	s12 =	sadd.s32 s9, s6;
	s6 =	sor.u32 $0x1C03, s31;
	s5 =	sadd.s32 $0x2800, s7  }
0x10: {  	s7 =	sadd.s32 $0x2A400, s7;
	s8 =	sadd.s32 $0x20400, s10;
	s9 =	sadd.s32 $0x16400, s10  }
0x11: {  	s10 =	sadd.s32 $0x3E000, s12;
	s12 =	sshrl.u32 s13, $0x3;
	s13 =	simm.s32 $0x3  }
.LBB2_1:
0x12: {  	[spmem:s12], [sflag:s6] =	dma.local [hbm:s5], $0x13C0  }
0x13: {  	_ =	swait.ge [sflag:s13], $0x13C0  }
0x14: {  	[sflag:s13] =	ssyncset.done $0x0  }
0x15: {  	[sflag:s13] =	ssyncadd.s32 $0xFFFFEC40  }
0x16: {  	[spmem:s14], [sflag:s6] =	dma.local [hbm:s7], $0x13C0  }
0x17: {  	_ =	swait.ge [sflag:s13], $0x13C0  }
0x18: {  	[sflag:s13] =	ssyncset.done $0x0  }
0x19: {  	[sflag:s13] =	ssyncadd.s32 $0xFFFFEC40  }
0x1a: {  	[tilespmem:s4], [sflag:$0x3] =	stream.linear.gather [hbm4b:s8+s4], $0x2800, $0x38;
	[tilespmem:$0x1CC00] =	vst v63  }
0x1b: {  	_ =	swait.ge [sflag:s13], $0x2800  }
0x1c: {  	[sflag:s13] =	ssyncset.done $0x0  }
0x1d: {  	[sflag:s13] =	ssyncadd.s32 $0xFFFFD800  }
0x1e: {  	[tilespmem:s15], [sflag:$0x3] =	stream.linear.gather [hbm4b:s9+s4], $0x2800, $0x38;
	[tilespmem:$0x1CC00] =	vst v63  }
0x1f: {  	_ =	swait.ge [sflag:s13], $0x2800  }
0x20: {  	[sflag:s13] =	ssyncset.done $0x0  }
0x21: {  	[sflag:s13] =	ssyncadd.s32 $0xFFFFD800  }
0x22: {  	[bflag:$0x0] =	sbarrier.arrive $0xFFFF  }
0x23: {  	[tilespmem:s17], [sflag:$0x1] =	stream.indirect.gather [spmem:s2], $0x40, s4, s16, $0xb8;
	[tilespmem:$0x1CC00] =	vst v63  }
0x24: {  	_ = 	snop  }
0x25: {  	[tilespmem:s18], [sflag:$0x2] =	stream.indirect.gather [spmem:s2], $0x40, s16, s16, $0xb8;
	[tilespmem:$0x1CC00] =	vst v63  }
0x26: {  	_ =	swait.ge [sflag:s19], $0x2000  }
0x27: {  	[sflag:s19] =	ssyncset.done $0x0  }
0x28: {  	s24 =	simm.s32 $0x2800;
	[sflag:s19] =	ssyncadd.s32 $0xFFFFE000  }
0x29: {  	[spmem:s3] =	stream.indirect.scatter.add.f32 [tilespmem:s17], [sflag:$0x3], $0x40, s24, s16, $0xb8;
	[tilespmem:$0x1CC00] =	vst v63  }
0x2a: {  	_ =	swait.ge [sflag:s13], $0x2000  }
0x2b: {  	[sflag:s13] =	ssyncset.done $0x0  }
0x2c: {  	s30 =	simm.s32 $0x100;
	[sflag:s13] =	ssyncadd.s32 $0xFFFFE000  }
0x2d: {  	[tilespmem:s17], [sflag:$0x1] =	stream.indirect.gather [spmem:s2], $0x40, s30, s16, $0xb8;
	[tilespmem:$0x1CC00] =	vst v63  }
0x2e: {  	_ =	swait.ge [sflag:s20], $0x2000  }
0x2f: {  	[sflag:s20] =	ssyncset.done $0x0  }
0x30: {  	s31 =	simm.s32 $0x2880;
	[sflag:s20] =	ssyncadd.s32 $0xFFFFE000  }
0x31: {  	[spmem:s3] =	stream.indirect.scatter.add.f32 [tilespmem:s18], [sflag:$0x3], $0x40, s31, s16, $0xb8;
	[tilespmem:$0x1CC00] =	vst v63  }
0x32: {  	_ =	swait.ge [sflag:s13], $0x2000  }
0x33: {  	[sflag:s13] =	ssyncset.done $0x0  }
0x34: {  	s25 =	simm.s32 $0x180;
	s24 =	simm.s32 $0x400;
	[sflag:s13] =	ssyncadd.s32 $0xFFFFE000  }
.LBB2_2:
0x35: {  	[tilespmem:s18], [sflag:$0x2] =	stream.indirect.gather [spmem:s2], $0x40, s25, s16, $0xb8;
	[tilespmem:$0x1CC00] =	vst v63  }
0x36: {  	s25 =	smov.u32 s24  }
0x37: {  	p0 =	sne.s32 s24, $0x9800;
	s24 =	sadd.s32 $0x400, s24;
	_ =	swait.ge [sflag:s19], $0x2000  }
0x38: {  	s25 =	sshra.s32 s25, $0x2;
	[sflag:s19] =	ssyncset.done $0x0  }
0x39: {  	s26 =	sadd.s32 $0x2800, s25;
	[sflag:s19] =	ssyncadd.s32 $0xFFFFE000  }
0x3a: {  	[spmem:s3] =	stream.indirect.scatter.add.f32 [tilespmem:s17], [sflag:$0x3], $0x40, s26, s16, $0xb8;
	[tilespmem:$0x1CC00] =	vst v63  }
0x3b: {  	_ =	swait.ge [sflag:s13], $0x2000  }
0x3c: {  	[sflag:s13] =	ssyncset.done $0x0  }
0x3d: {  	s26 =	sadd.s32 $0x100, s25;
	[sflag:s13] =	ssyncadd.s32 $0xFFFFE000  }
0x3e: {  	[tilespmem:s17], [sflag:$0x1] =	stream.indirect.gather [spmem:s2], $0x40, s26, s16, $0xb8;
	[tilespmem:$0x1CC00] =	vst v63  }
0x3f: {  	_ =	swait.ge [sflag:s20], $0x2000  }
0x40: {  	[sflag:s20] =	ssyncset.done $0x0  }
.Ltmp0:
0x41: {  	s26 =	sadd.s32 $0x2880, s25;
	[sflag:s20] =	ssyncadd.s32 $0xFFFFE000;
	(pc) =	sbr.rel @p0 .LBB2_2-.Ltmp0, $4  }
0x42: {  	[spmem:s3] =	stream.indirect.scatter.add.f32 [tilespmem:s18], [sflag:$0x3], $0x40, s26, s16, $0xb8;
	[tilespmem:$0x1CC00] =	vst v63  }
0x43: {  	_ =	swait.ge [sflag:s13], $0x2000  }
0x44: {  	[sflag:s13] =	ssyncset.done $0x0  }
0x45: {  	s25 =	sadd.s32 $0x180, s25;
	[sflag:s13] =	ssyncadd.s32 $0xFFFFE000  }
0x46: {  	[tilespmem:s18], [sflag:$0x2] =	stream.indirect.gather [spmem:s2], $0x40, s25, s16, $0xb8;
	[tilespmem:$0x1CC00] =	vst v63  }
0x47: {  	_ =	swait.ge [sflag:s19], $0x2000  }
0x48: {  	[sflag:s19] =	ssyncset.done $0x0  }
0x49: {  	[sflag:s19] =	ssyncadd.s32 $0xFFFFE000  }
0x4a: {  	[spmem:s3] =	stream.indirect.scatter.add.f32 [tilespmem:s17], [sflag:$0x3], $0x40, s21, s16, $0xb8;
	[tilespmem:$0x1CC00] =	vst v63  }
0x4b: {  	_ =	swait.ge [sflag:s13], $0x2000  }
0x4c: {  	[sflag:s13] =	ssyncset.done $0x0  }
0x4d: {  	[sflag:s13] =	ssyncadd.s32 $0xFFFFE000  }
0x4e: {  	_ =	swait.ge [sflag:s20], $0x2000  }
0x4f: {  	[sflag:s20] =	ssyncset.done $0x0  }
0x50: {  	[sflag:s20] =	ssyncadd.s32 $0xFFFFE000  }
0x51: {  	[spmem:s3] =	stream.indirect.scatter.add.f32 [tilespmem:s18], [sflag:$0x3], $0x40, s22, s16, $0xb8;
	[tilespmem:$0x1CC00] =	vst v63  }
0x52: {  	_ =	swait.ge [sflag:s13], $0x2000  }
0x53: {  	s23 =	sadd.s32 $0x1, s23;
	[sflag:s13] =	ssyncset.done $0x0  }
0x54: {  	p0 =	sne.s32 s23, s11;
	[sflag:s13] =	ssyncadd.s32 $0xFFFFE000  }
.Ltmp1:
0x55: {  	[bflag:$0x0] =	sbarrier.arrive $0xFFFF;
	(pc) =	sbr.rel @p0 .LBB2_1-.Ltmp1, $4  }
0x56: {  	[hbm:s10], [sflag:s6] =	dma.local [spmem:s14], $0x13C0  }
0x57: {  	_ =	swait.ge [sflag:s13], $0x13C0  }
0x58: {  	[sflag:s13] =	ssyncset.done $0x0  }
0x59: {  	[sflag:s13] =	ssyncadd.s32 $0xFFFFEC40  }
0x5a: {  	_ =	sfence.sel $0x180000  }
0x5b: {  	[bflag:$0x0] =	sbarrier.arrive $0xFFFF  }
0x5c: {  	p0 =	sne.s32 s0, $0x0;
	_ =	strace $0x90000047  }
0x5d: {  	s0 =	sadd.s32 @!p0 $0x100000, s1;
	[bflag:$0x2] =	sbarrier.arrive $0xFFFF  }
0x5e: {  	[sflag:s0] =	ssyncadd.tile.s32 @!p0 $0x1;
	_ =	shalt  }
.Lfunc_end2:
_tile_overlayer_lowered:
.L_overlay_start_2:
0x5f: {  	(tag) =	ssettag $0x2  }
0x60: {  	s0 =	rddreg [dreg:$0x0];
	s2 =	stileid.u32  }
0x61: {  	s1 =	rddreg [dreg:$0x1];
	p0 =	sne.s32 s2, $0x0  }
0x62: {  	s3 =	rddreg [dreg:$0x2];
	[bflag:$0x3] =	sbarrier.arrive $0xFFFF;
	s2 =	simm.s32 @!p0 $0x1C03  }
0x63: {  	[timem:s3], [sflag:s2] =	dma.local @!p0 [hbm:s0], s1  }
0x64: {  	s0 =	simm.s32 @!p0 $0x3  }
0x65: {  	_ =	swait.ge @!p0 [sflag:s0], s1  }
0x66: {  	s1 =	ssub.s32 @!p0 $0x0, s1;
	[sflag:s0] =	ssyncset.done @!p0 $0x0  }
0x67: {  	[sflag:s0] =	ssyncadd.s32 @!p0 s1  }
0x68: {  	[bflag:$0x3] =	sbarrier.arrive $0xFFFF  }
0x69: {  	_ =	shalt  }

// kernel: kernel.19.cloned.1.call-start
scs
__scs_entry_jumppad:
0x0: {  	(pc) =	sbr.rel $0x88, $3  }
0x1: {  	(tag) =	ssettag $0x0;
	lr =	simm.s32 $0x1  }
0x2: {  	[smem:$0x3F90] =	sst lr;
	_ =	strace $0xD0000000  }
0x3: {  	_ = 	snop  }
0x4: {  	_ = 	snop  }
0x5: {  	_ = 	snop  }
0x6: {  	_ = 	snop  }
0x7: {  	_ = 	snop  }
__scs_overlays_trampoline_lowered:
0x8: {  	[smem:$0x3F9F] =	sst s0  }
0x9: {  	[smem:$0x3FA0] =	sst s1  }
0xa: {  	[smem:$0x3FA1] =	sst s2  }
0xb: {  	[smem:$0x3FA2] =	sst s3  }
0xc: {  	[smem:$0x3FA3] =	sst s4  }
0xd: {  	[smem:$0x3FA4] =	sst s5  }
0xe: {  	[smem:$0x3FA5] =	sst s6  }
0xf: {  	[smem:$0x3FA6] =	sst s7  }
0x10: {  	[smem:$0x3FA7] =	sst s8  }
0x11: {  	[smem:$0x3FA8] =	sst s9;
	s0 =	simm.s32 @!p0 $0x0  }
0x12: {  	s1 =	sld [smem:$0x3F8E];
	s0 =	simm.s32 @p0 $0x1  }
0x13: {  	[smem:$0x3FA9] =	sst s0;
	s0 =	simm.s32 @!p1 $0x0  }
0x14: {  	s2 =	sld [smem:$0x3F8D];
	s0 =	simm.s32 @p1 $0x1  }
0x15: {  	[smem:$0x3FAA] =	sst s0;
	s0 =	simm.s32 @!p2 $0x0  }
0x16: {  	s3 =	sld [smem:$0x3FDB];
	s0 =	simm.s32 @p2 $0x1  }
0x17: {  	s4 =	simm.s32 $0x1BF5;
	[smem:$0x3FAC] =	sst s0  }
0x18: {  	s0 =	sld [smem:$0x3F8F];
	_ =	swait.ge [sflag:s4], $0x0  }
0x19: {  	s7 =	sld [smem:$0x3F90]  }
0x1a: {  	s8 =	sadd.s32 $0xFFFFE003, lr  }
0x1b: {  	s9 =	sadd.s32 $0xFFFFFEF7, lr;
	s5 =	simm.s32 $0xFFFFFFFF;
	p2 =	slt.u32 s8, $0xFFFFF086  }
0x1c: {  	p1 =	slt.u32 s9, $0xF7A;
	s5 =	simm.s32 @!p2 $0x0  }
0x1d: {  	s5 =	simm.s32 @p1 $0x1;
	p0 =	seq.s32 s7, s2  }
0x1e: {  	s7 =	smul.u32 @!p0 $0xF7A, s2;
	p2 =	seq.s32 @!p0 s5, $0x0  }
0x1f: {  	s9 =	smul.u32 $0xF7A, s1;
	s8 =	simm.s32 @!p0 $0x1BF5;
	p2 =	por !p2, p0  }
0x20: {  	[sflag:s8] =	ssyncset.s32 @!p0 $0xFFFFF086;
	s6 =	sadd.s32 @!p0 s3, s7;
	s7 =	simm.s32 @!p0 $0x108  }
0x21: {  	s3 =	sadd.s32 s3, s9;
	s6 =	sadd.s32 @!p0 $0x88, s6;
	s7 =	simm.s32 @p2 $0x1082  }
0x22: {  	[simem:s7], [sflag:s8] =	dma.local @!p0 [hbm:s6], $0xF7A  }
0x23: {  	s9 =	sor.u32 $0xD0000000, s2;
	s6 =	simm.s32 $0x108;
	_ =	swait.ge @!p0 [sflag:s8], $0x0  }
0x24: {  	s3 =	sadd.s32 $0x88, s3;
	s6 =	simm.s32 @!p1 $0x1082;
	[sflag:s4] =	ssyncset.s32 $0xFFFFF086  }
0x25: {  	[simem:s6], [sflag:s4] =	dma.local [hbm:s3], $0xF7A  }
0x26: {  	[smem:$0x3F90] =	sst s1;
	(tag) =	ssettag s2;
	_ =	strace s9  }
0x27: {  	s1 =	sld [smem:$0x3FA0]  }
0x28: {  	s2 =	sld [smem:$0x3FA1]  }
0x29: {  	s4 =	sld [smem:$0x3FA3]  }
0x2a: {  	p0 =	seq.s32 s5, $0x0;
	s5 =	sld [smem:$0x3FA4]  }
0x2b: {  	s6 =	sld [smem:$0x3FA5]  }
0x2c: {  	s7 =	sld [smem:$0x3FA6]  }
0x2d: {  	s3 =	simm.s32 $0x108;
	s8 =	sld [smem:$0x3FA7]  }
0x2e: {  	s3 =	simm.s32 @!p0 $0x1082;
	s9 =	sld [smem:$0x3FA8]  }
0x2f: {  	lr =	sadd.s32 s0, s3;
	s0 =	sld [smem:$0x3F9F]  }
0x30: {  	s3 =	sld [smem:$0x3FA2]  }
0x31: {  	[smem:$0x3FAB] =	sst s10  }
0x32: {  	s10 =	sld [smem:$0x3FA9];
	_ =	sdelay $0x3  }
0x33: {  	p0 =	seq.s32 s10, $0x1;
	s10 =	sld [smem:$0x3FAB];
	_ =	sdelay $0x3  }
0x34: {  	[smem:$0x3FAB] =	sst s10  }
0x35: {  	s10 =	sld [smem:$0x3FAA];
	_ =	sdelay $0x3  }
0x36: {  	p1 =	seq.s32 s10, $0x1;
	s10 =	sld [smem:$0x3FAB];
	_ =	sdelay $0x3  }
0x37: {  	[smem:$0x3FAB] =	sst s10  }
0x38: {  	s10 =	sld [smem:$0x3FAC]  }
0x39: {  	_ = 	snop;
	(pc) =	sbr.ind lr, $3  }
0x3a: {  	_ = 	snop  }
0x3b: {  	_ = 	snop  }
0x3c: {  	p2 =	seq.s32 s10, $0x1;
	s10 =	sld [smem:$0x3FAB]  }
0x3d: {  	_ =	shalt  }
0x3e: {  	_ =	shalt  }
0x3f: {  	_ =	shalt  }
0x40: {  	_ =	shalt  }
0x41: {  	_ =	shalt  }
0x42: {  	_ =	shalt  }
0x43: {  	_ =	shalt  }
0x44: {  	_ =	shalt  }
0x45: {  	_ =	shalt  }
0x46: {  	_ =	shalt  }
0x47: {  	_ =	shalt  }
0x48: {  	_ =	shalt  }
0x49: {  	_ =	shalt  }
0x4a: {  	_ =	shalt  }
0x4b: {  	_ =	shalt  }
0x4c: {  	_ =	shalt  }
0x4d: {  	_ =	shalt  }
0x4e: {  	_ =	shalt  }
0x4f: {  	_ =	shalt  }
0x50: {  	_ =	shalt  }
0x51: {  	_ =	shalt  }
0x52: {  	_ =	shalt  }
0x53: {  	_ =	shalt  }
0x54: {  	_ =	shalt  }
0x55: {  	_ =	shalt  }
0x56: {  	_ =	shalt  }
0x57: {  	_ =	shalt  }
0x58: {  	_ =	shalt  }
0x59: {  	_ =	shalt  }
0x5a: {  	_ =	shalt  }
0x5b: {  	_ =	shalt  }
0x5c: {  	_ =	shalt  }
0x5d: {  	_ =	shalt  }
0x5e: {  	_ =	shalt  }
0x5f: {  	_ =	shalt  }
0x60: {  	_ =	shalt  }
0x61: {  	_ =	shalt  }
0x62: {  	_ =	shalt  }
0x63: {  	_ =	shalt  }
0x64: {  	_ =	shalt  }
0x65: {  	_ =	shalt  }
0x66: {  	_ =	shalt  }
0x67: {  	_ =	shalt  }
0x68: {  	_ =	shalt  }
0x69: {  	_ =	shalt  }
0x6a: {  	_ =	shalt  }
0x6b: {  	_ =	shalt  }
0x6c: {  	_ =	shalt  }
0x6d: {  	_ =	shalt  }
0x6e: {  	_ =	shalt  }
0x6f: {  	_ =	shalt  }
0x70: {  	_ =	shalt  }
0x71: {  	_ =	shalt  }
0x72: {  	_ =	shalt  }
0x73: {  	_ =	shalt  }
0x74: {  	_ =	shalt  }
0x75: {  	_ =	shalt  }
0x76: {  	_ =	shalt  }
0x77: {  	_ =	shalt  }
0x78: {  	_ =	shalt  }
0x79: {  	_ =	shalt  }
0x7a: {  	_ =	shalt  }
0x7b: {  	_ =	shalt  }
0x7c: {  	_ =	shalt  }
0x7d: {  	_ =	shalt  }
0x7e: {  	_ =	shalt  }
0x7f: {  	_ =	shalt  }
0x80: {  	_ =	shalt  }
0x81: {  	_ =	shalt  }
0x82: {  	_ =	shalt  }
0x83: {  	_ =	shalt  }
0x84: {  	_ =	shalt  }
0x85: {  	_ =	shalt  }
0x86: {  	_ =	shalt  }
0x87: {  	_ =	shalt  }
.Lfunc_end0:
.L_simem_size_0:
called_computation.3_lowered:
.L_overlay_start_0:
0x88: {  	s2 =	sld [smem:$0x3FD9]  }
0x89: {  	s3 =	sld [smem:$0x3FFE];
	_ =	sdelay $0x1  }
0x8a: {  	s1 =	srdreg.scid  }
0x8b: {  	s0 =	sand.u32 $0x1, s1  }
0x8c: {  	s16 =	sshll.u32 s0, $0xA;
	s2 =	sadd.s32 s3, s2  }
0x8d: {  	s2 =	sadd.s32 s2, s16  }
0x8e: {  	[smem:$0x3FB7] =	sst s2  }
0x8f: {  	_ = 	snop  }
0x90: {  	(tm) =	ssettm $0x1  }
0x91: {  	s17 =	sld [smem:$0x3FFB];
	_ =	sdelay $0x3  }
0x92: {  	_ =	strace s17  }
0x93: {  	s2 =	sld [smem:$0x3FFC];
	_ =	sdelay $0x3  }
0x94: {  	_ =	strace s2  }
0x95: {  	s2 =	sld [smem:$0x3FFD];
	_ =	sdelay $0x3  }
0x96: {  	_ =	strace s2  }
0x97: {  	_ =	strace $0x8FFFFFFF  }
0x98: {  	s18 =	sld [smem:$0x3FDB];
	_ =	sdelay $0x1  }
0x99: {  	s19 =	simm.s32 $_scs_section_size  }
0x9a: {  	s4 =	simm.s32 $_size__tile_overlayer_lowered;
	s5 =	simm.s32 $_tile_overlayer_lowered  }
0x9b: {  	s22 =	simm.s32 $0x1BFF;
	s21 =	sshll.u32 s5, $0x1;
	s2 =	sadd.s32 s19, s18  }
0x9c: {  	s6 =	simm.s32 $0x0;
	s20 =	sshll.u32 s4, $0x1;
	s4 =	sadd.s32 s21, s2  }
0x9d: {  	[timem:s6], [sflag:s22] =	dma.local [hbm:s4], s20  }
0x9e: {  	_ =	swait.ge [sflag:s22], s20  }
0x9f: {  	s3 =	ssub.s32 $0x0, s20;
	[sflag:s22] =	ssyncset.done $0x0  }
0xa0: {  	[sflag:s22] =	ssyncadd.s32 s3;
	_ =	sdelay $0x1  }
0xa1: {  	s23 =	simm.s32 $0x1B8B  }
0xa2: {  	_ =	swait.ge [sflag:s23], $0x1  }
0xa3: {  	[sflag:s23] =	ssyncset.done $0x0  }
0xa4: {  	s25 =	simm.s32 $0x1B8E;
	s24 =	sld [smem:$0x3FFE];
	[sflag:s23] =	ssyncadd.s32 $0xFFFFFFFF  }
0xa5: {  	s26 =	simm.s32 $execute0_lowered;
	[smem:$0x3FD2] =	sst s25  }
0xa6: {  	s4 =	sshll.u32 s26, $0x1;
	_ =	strace $0x8000004F;
	[dreg:$0x1] =	wrdreg $0xFFFFFFFF  }
0xa7: {  	s28 =	simm.s32 $_size_execute0_lowered;
	s2 =	sadd.s32 s2, s4;
	[dreg:$0x0] =	wrdreg $0x0  }
0xa8: {  	s4 =	sshll.u32 s28, $0x1;
	[dreg:$0x2] =	wrdreg s2  }
0xa9: {  	[dreg:$0x3] =	wrdreg s4  }
0xaa: {  	[dreg:$0x4] =	wrdreg $0xC0  }
0xab: {  	_ =	task [dreg:s6], $0x5FFFF  }
0xac: {  	[dreg:$0x1] =	wrdreg $0xFFFFFFFF  }
0xad: {  	[dreg:$0x0] =	wrdreg $0x60  }
0xae: {  	[dreg:$0x2] =	wrdreg s24  }
0xaf: {  	[dreg:$0x3] =	wrdreg $0x90000  }
0xb0: {  	[dreg:$0x4] =	wrdreg $0x12E000  }
0xb1: {  	[dreg:$0x5] =	wrdreg $0x9  }
0xb2: {  	_ =	task.clear_ibuf [dreg:s6], $0x6FFFF;
	_ =	strace $0x9000004F  }
0xb3: {  	s29 =	simm.s32 $0x9;
	_ =	strace $0x80000051  }
0xb4: {  	_ =	swait.ge [sflag:s29], $0x1  }
0xb5: {  	[sflag:s29] =	ssyncadd.s32 $0xFFFFFFFF  }
0xb6: {  	_ =	strace $0x90000051  }
0xb7: {  	_ =	sfence  }
0xb8: {  	s30 =	sld [smem:$0x0];
	_ =	sdelay $0x2  }
0xb9: {  	s31 =	sshll.u32 s1, $0xD;
	s1 =	sshrl.u32 s1, $0x2  }
0xba: {  	s3 =	sand.u32 $0x4000, s31;
	s1 =	sadd.s32 s1, s30  }
0xbb: {  	s0 =	sor.u32 s3, s0;
	s1 =	sshll.u32 s1, $0x11  }
0xbc: {  	s0 =	sor.u32 s1, s0  }
0xbd: {  	s0 =	sadd.s32 $0x8F2B, s0  }
0xbe: {  	[sflag:s0] =	ssyncadd.remote.s32 $0x1  }
0xbf: {  	_ =	sfence.sel $0xFFFF  }
0xc0: {  	[dreg:$0x0] =	wrdreg $0xFFFFFFFF;
	(pc) =	sbr.abs _section_cstart, $3  }
0xc1: {  	[dreg:$0x1] =	wrdreg $0xFFFFFFFF  }
0xc2: {  	_ =	task.clear_ibuf [dreg:s6], $0x2FFFF;
	_ =	strace $0x9FFFFFFF  }
0xc3: {  	(tm) =	ssettm $0x7FFFFFFF  }
tec
execute0_lowered:
.L_overlay_start_1:
0x0: {  	(tag) =	ssettag $0x1  }
0x1: {  	s6 =	rddreg [dreg:$0x0]  }
0x2: {  	s2 =	rddreg [dreg:$0x1]  }
0x3: {  	s0 =	srdreg.scid;
	s3 =	rddreg [dreg:$0x2]  }
0x4: {  	s4 =	simm.s32 $0x0;
	s15 =	simm.s32 $0x2800;
	s16 =	simm.s32 $0x80  }
0x5: {  	s17 =	simm.s32 $0x5000;
	s18 =	simm.s32 $0x7000;
	s19 =	simm.s32 $0x1  }
0x6: {  	s20 =	simm.s32 $0x2;
	s21 =	simm.s32 $0x4F00;
	s22 =	simm.s32 $0x4F80  }
0x7: {  	s23 =	simm.s32 $0x0;
	s5 =	sand.u32 $0x1, s0;
	s0 =	stileid.u32  }
0x8: {  	[smem:$0x7FF] =	sst s4;
	s1 =	sshll.u32 s5, $0x4;
	s8 =	smul.u32 $0x9E00, s0  }
0x9: {  	s9 =	smul.u32 $0x9E000, s5;
	s5 =	ssub.s32 $0x2, s5;
	s1 =	sor.u32 s0, s1  }
0xa: {  	s31 =	sshll.u32 s0, $0x6;
	s11 =	sshrl.u32 s5, $0x1;
	s7 =	smul.u32 $0x500, s1  }
0xb: {  	s1 =	rddreg [dreg:$0x3];
	_ =	strace $0x80000050;
	s30 =	sshrl.u32 s8, $0x3  }
0xc: {  	s9 =	sadd.s32 s8, s9;
	s11 =	ssub.s32 s5, s11;
	s13 =	sadd.s32 s8, s2  }
0xd: {  	s14 =	sadd.s32 s8, s3;
	s9 =	sshrl.u32 s9, $0x3;
	s11 =	smax.u32 s11, $0x1  }
0xe: {  	s14 =	sshrl.u32 s14, $0x3;
	s10 =	sadd.s32 s7, s6;
	s7 =	sadd.s32 s30, s6  }
0xf: {  	s12 =	sadd.s32 s9, s6;
	s6 =	sor.u32 $0x1C03, s31;
	s5 =	sadd.s32 $0x2800, s7  }
0x10: {  	s7 =	sadd.s32 $0x2A400, s7;
	s8 =	sadd.s32 $0x20400, s10;
	s9 =	sadd.s32 $0x16400, s10  }
0x11: {  	s10 =	sadd.s32 $0x8D000, s12;
	s12 =	sshrl.u32 s13, $0x3;
	s13 =	simm.s32 $0x3  }
.LBB2_1:
0x12: {  	[spmem:s12], [sflag:s6] =	dma.local [hbm:s5], $0x13C0  }
0x13: {  	_ =	swait.ge [sflag:s13], $0x13C0  }
0x14: {  	[sflag:s13] =	ssyncset.done $0x0  }
0x15: {  	[sflag:s13] =	ssyncadd.s32 $0xFFFFEC40  }
0x16: {  	[spmem:s14], [sflag:s6] =	dma.local [hbm:s7], $0x13C0  }
0x17: {  	_ =	swait.ge [sflag:s13], $0x13C0  }
0x18: {  	[sflag:s13] =	ssyncset.done $0x0  }
0x19: {  	[sflag:s13] =	ssyncadd.s32 $0xFFFFEC40  }
0x1a: {  	[tilespmem:s4], [sflag:$0x3] =	stream.linear.gather [hbm4b:s8+s4], $0x2800, $0x38;
	[tilespmem:$0x1CC00] =	vst v63  }
0x1b: {  	_ =	swait.ge [sflag:s13], $0x2800  }
0x1c: {  	[sflag:s13] =	ssyncset.done $0x0  }
0x1d: {  	[sflag:s13] =	ssyncadd.s32 $0xFFFFD800  }
0x1e: {  	[tilespmem:s15], [sflag:$0x3] =	stream.linear.gather [hbm4b:s9+s4], $0x2800, $0x38;
	[tilespmem:$0x1CC00] =	vst v63  }
0x1f: {  	_ =	swait.ge [sflag:s13], $0x2800  }
0x20: {  	[sflag:s13] =	ssyncset.done $0x0  }
0x21: {  	[sflag:s13] =	ssyncadd.s32 $0xFFFFD800  }
0x22: {  	[bflag:$0x0] =	sbarrier.arrive $0xFFFF  }
0x23: {  	[tilespmem:s17], [sflag:$0x1] =	stream.indirect.gather [spmem:s2], $0x40, s4, s16, $0xb8;
	[tilespmem:$0x1CC00] =	vst v63  }
0x24: {  	_ = 	snop  }
0x25: {  	[tilespmem:s18], [sflag:$0x2] =	stream.indirect.gather [spmem:s2], $0x40, s16, s16, $0xb8;
	[tilespmem:$0x1CC00] =	vst v63  }
0x26: {  	_ =	swait.ge [sflag:s19], $0x2000  }
0x27: {  	[sflag:s19] =	ssyncset.done $0x0  }
0x28: {  	s24 =	simm.s32 $0x2800;
	[sflag:s19] =	ssyncadd.s32 $0xFFFFE000  }
0x29: {  	[spmem:s3] =	stream.indirect.scatter.add.f32 [tilespmem:s17], [sflag:$0x3], $0x40, s24, s16, $0xb8;
	[tilespmem:$0x1CC00] =	vst v63  }
0x2a: {  	_ =	swait.ge [sflag:s13], $0x2000  }
0x2b: {  	[sflag:s13] =	ssyncset.done $0x0  }
0x2c: {  	s30 =	simm.s32 $0x100;
	[sflag:s13] =	ssyncadd.s32 $0xFFFFE000  }
0x2d: {  	[tilespmem:s17], [sflag:$0x1] =	stream.indirect.gather [spmem:s2], $0x40, s30, s16, $0xb8;
	[tilespmem:$0x1CC00] =	vst v63  }
0x2e: {  	_ =	swait.ge [sflag:s20], $0x2000  }
0x2f: {  	[sflag:s20] =	ssyncset.done $0x0  }
0x30: {  	s31 =	simm.s32 $0x2880;
	[sflag:s20] =	ssyncadd.s32 $0xFFFFE000  }
0x31: {  	[spmem:s3] =	stream.indirect.scatter.add.f32 [tilespmem:s18], [sflag:$0x3], $0x40, s31, s16, $0xb8;
	[tilespmem:$0x1CC00] =	vst v63  }
0x32: {  	_ =	swait.ge [sflag:s13], $0x2000  }
0x33: {  	[sflag:s13] =	ssyncset.done $0x0  }
0x34: {  	s25 =	simm.s32 $0x180;
	s24 =	simm.s32 $0x400;
	[sflag:s13] =	ssyncadd.s32 $0xFFFFE000  }
.LBB2_2:
0x35: {  	[tilespmem:s18], [sflag:$0x2] =	stream.indirect.gather [spmem:s2], $0x40, s25, s16, $0xb8;
	[tilespmem:$0x1CC00] =	vst v63  }
0x36: {  	s25 =	smov.u32 s24  }
0x37: {  	p0 =	sne.s32 s24, $0x9800;
	s24 =	sadd.s32 $0x400, s24;
	_ =	swait.ge [sflag:s19], $0x2000  }
0x38: {  	s25 =	sshra.s32 s25, $0x2;
	[sflag:s19] =	ssyncset.done $0x0  }
0x39: {  	s26 =	sadd.s32 $0x2800, s25;
	[sflag:s19] =	ssyncadd.s32 $0xFFFFE000  }
0x3a: {  	[spmem:s3] =	stream.indirect.scatter.add.f32 [tilespmem:s17], [sflag:$0x3], $0x40, s26, s16, $0xb8;
	[tilespmem:$0x1CC00] =	vst v63  }
0x3b: {  	_ =	swait.ge [sflag:s13], $0x2000  }
0x3c: {  	[sflag:s13] =	ssyncset.done $0x0  }
0x3d: {  	s26 =	sadd.s32 $0x100, s25;
	[sflag:s13] =	ssyncadd.s32 $0xFFFFE000  }
0x3e: {  	[tilespmem:s17], [sflag:$0x1] =	stream.indirect.gather [spmem:s2], $0x40, s26, s16, $0xb8;
	[tilespmem:$0x1CC00] =	vst v63  }
0x3f: {  	_ =	swait.ge [sflag:s20], $0x2000  }
0x40: {  	[sflag:s20] =	ssyncset.done $0x0  }
.Ltmp0:
0x41: {  	s26 =	sadd.s32 $0x2880, s25;
	[sflag:s20] =	ssyncadd.s32 $0xFFFFE000;
	(pc) =	sbr.rel @p0 .LBB2_2-.Ltmp0, $4  }
0x42: {  	[spmem:s3] =	stream.indirect.scatter.add.f32 [tilespmem:s18], [sflag:$0x3], $0x40, s26, s16, $0xb8;
	[tilespmem:$0x1CC00] =	vst v63  }
0x43: {  	_ =	swait.ge [sflag:s13], $0x2000  }
0x44: {  	[sflag:s13] =	ssyncset.done $0x0  }
0x45: {  	s25 =	sadd.s32 $0x180, s25;
	[sflag:s13] =	ssyncadd.s32 $0xFFFFE000  }
0x46: {  	[tilespmem:s18], [sflag:$0x2] =	stream.indirect.gather [spmem:s2], $0x40, s25, s16, $0xb8;
	[tilespmem:$0x1CC00] =	vst v63  }
0x47: {  	_ =	swait.ge [sflag:s19], $0x2000  }
0x48: {  	[sflag:s19] =	ssyncset.done $0x0  }
0x49: {  	[sflag:s19] =	ssyncadd.s32 $0xFFFFE000  }
0x4a: {  	[spmem:s3] =	stream.indirect.scatter.add.f32 [tilespmem:s17], [sflag:$0x3], $0x40, s21, s16, $0xb8;
	[tilespmem:$0x1CC00] =	vst v63  }
0x4b: {  	_ =	swait.ge [sflag:s13], $0x2000  }
0x4c: {  	[sflag:s13] =	ssyncset.done $0x0  }
0x4d: {  	[sflag:s13] =	ssyncadd.s32 $0xFFFFE000  }
0x4e: {  	_ =	swait.ge [sflag:s20], $0x2000  }
0x4f: {  	[sflag:s20] =	ssyncset.done $0x0  }
0x50: {  	[sflag:s20] =	ssyncadd.s32 $0xFFFFE000  }
0x51: {  	[spmem:s3] =	stream.indirect.scatter.add.f32 [tilespmem:s18], [sflag:$0x3], $0x40, s22, s16, $0xb8;
	[tilespmem:$0x1CC00] =	vst v63  }
0x52: {  	_ =	swait.ge [sflag:s13], $0x2000  }
0x53: {  	s23 =	sadd.s32 $0x1, s23;
	[sflag:s13] =	ssyncset.done $0x0  }
0x54: {  	p0 =	sne.s32 s23, s11;
	[sflag:s13] =	ssyncadd.s32 $0xFFFFE000  }
.Ltmp1:
0x55: {  	[bflag:$0x0] =	sbarrier.arrive $0xFFFF;
	(pc) =	sbr.rel @p0 .LBB2_1-.Ltmp1, $4  }
0x56: {  	[hbm:s10], [sflag:s6] =	dma.local [spmem:s14], $0x13C0  }
0x57: {  	_ =	swait.ge [sflag:s13], $0x13C0  }
0x58: {  	[sflag:s13] =	ssyncset.done $0x0  }
0x59: {  	[sflag:s13] =	ssyncadd.s32 $0xFFFFEC40  }
0x5a: {  	_ =	sfence.sel $0x180000  }
0x5b: {  	[bflag:$0x0] =	sbarrier.arrive $0xFFFF  }
0x5c: {  	p0 =	sne.s32 s0, $0x0;
	_ =	strace $0x90000050  }
0x5d: {  	s0 =	sadd.s32 @!p0 $0x100000, s1;
	[bflag:$0x2] =	sbarrier.arrive $0xFFFF  }
0x5e: {  	[sflag:s0] =	ssyncadd.tile.s32 @!p0 $0x1;
	_ =	shalt  }
.Lfunc_end2:
_tile_overlayer_lowered:
.L_overlay_start_2:
0x5f: {  	(tag) =	ssettag $0x2  }
0x60: {  	s0 =	rddreg [dreg:$0x0];
	s2 =	stileid.u32  }
0x61: {  	s1 =	rddreg [dreg:$0x1];
	p0 =	sne.s32 s2, $0x0  }
0x62: {  	s3 =	rddreg [dreg:$0x2];
	[bflag:$0x3] =	sbarrier.arrive $0xFFFF;
	s2 =	simm.s32 @!p0 $0x1C03  }
0x63: {  	[timem:s3], [sflag:s2] =	dma.local @!p0 [hbm:s0], s1  }
0x64: {  	s0 =	simm.s32 @!p0 $0x3  }
0x65: {  	_ =	swait.ge @!p0 [sflag:s0], s1  }
0x66: {  	s1 =	ssub.s32 @!p0 $0x0, s1;
	[sflag:s0] =	ssyncset.done @!p0 $0x0  }
0x67: {  	[sflag:s0] =	ssyncadd.s32 @!p0 s1  }
0x68: {  	[bflag:$0x3] =	sbarrier.arrive $0xFFFF  }
0x69: {  	_ =	shalt  }

// kernel: kernel.22.cloned.1.call-start
scs
__scs_entry_jumppad:
0x0: {  	(pc) =	sbr.rel $0x88, $3  }
0x1: {  	(tag) =	ssettag $0x0;
	lr =	simm.s32 $0x1  }
0x2: {  	[smem:$0x3F90] =	sst lr;
	_ =	strace $0xD0000000  }
0x3: {  	_ = 	snop  }
0x4: {  	_ = 	snop  }
0x5: {  	_ = 	snop  }
0x6: {  	_ = 	snop  }
0x7: {  	_ = 	snop  }
__scs_overlays_trampoline_lowered:
0x8: {  	[smem:$0x3F9F] =	sst s0  }
0x9: {  	[smem:$0x3FA0] =	sst s1  }
0xa: {  	[smem:$0x3FA1] =	sst s2  }
0xb: {  	[smem:$0x3FA2] =	sst s3  }
0xc: {  	[smem:$0x3FA3] =	sst s4  }
0xd: {  	[smem:$0x3FA4] =	sst s5  }
0xe: {  	[smem:$0x3FA5] =	sst s6  }
0xf: {  	[smem:$0x3FA6] =	sst s7  }
0x10: {  	[smem:$0x3FA7] =	sst s8  }
0x11: {  	[smem:$0x3FA8] =	sst s9;
	s0 =	simm.s32 @!p0 $0x0  }
0x12: {  	s1 =	sld [smem:$0x3F8E];
	s0 =	simm.s32 @p0 $0x1  }
0x13: {  	[smem:$0x3FA9] =	sst s0;
	s0 =	simm.s32 @!p1 $0x0  }
0x14: {  	s2 =	sld [smem:$0x3F8D];
	s0 =	simm.s32 @p1 $0x1  }
0x15: {  	[smem:$0x3FAA] =	sst s0;
	s0 =	simm.s32 @!p2 $0x0  }
0x16: {  	s3 =	sld [smem:$0x3FDB];
	s0 =	simm.s32 @p2 $0x1  }
0x17: {  	s4 =	simm.s32 $0x1BF5;
	[smem:$0x3FAC] =	sst s0  }
0x18: {  	s0 =	sld [smem:$0x3F8F];
	_ =	swait.ge [sflag:s4], $0x0  }
0x19: {  	s7 =	sld [smem:$0x3F90]  }
0x1a: {  	s8 =	sadd.s32 $0xFFFFE003, lr  }
0x1b: {  	s9 =	sadd.s32 $0xFFFFFEF7, lr;
	s5 =	simm.s32 $0xFFFFFFFF;
	p2 =	slt.u32 s8, $0xFFFFF086  }
0x1c: {  	p1 =	slt.u32 s9, $0xF7A;
	s5 =	simm.s32 @!p2 $0x0  }
0x1d: {  	s5 =	simm.s32 @p1 $0x1;
	p0 =	seq.s32 s7, s2  }
0x1e: {  	s7 =	smul.u32 @!p0 $0xF7A, s2;
	p2 =	seq.s32 @!p0 s5, $0x0  }
0x1f: {  	s9 =	smul.u32 $0xF7A, s1;
	s8 =	simm.s32 @!p0 $0x1BF5;
	p2 =	por !p2, p0  }
0x20: {  	[sflag:s8] =	ssyncset.s32 @!p0 $0xFFFFF086;
	s6 =	sadd.s32 @!p0 s3, s7;
	s7 =	simm.s32 @!p0 $0x108  }
0x21: {  	s3 =	sadd.s32 s3, s9;
	s6 =	sadd.s32 @!p0 $0x88, s6;
	s7 =	simm.s32 @p2 $0x1082  }
0x22: {  	[simem:s7], [sflag:s8] =	dma.local @!p0 [hbm:s6], $0xF7A  }
0x23: {  	s9 =	sor.u32 $0xD0000000, s2;
	s6 =	simm.s32 $0x108;
	_ =	swait.ge @!p0 [sflag:s8], $0x0  }
0x24: {  	s3 =	sadd.s32 $0x88, s3;
	s6 =	simm.s32 @!p1 $0x1082;
	[sflag:s4] =	ssyncset.s32 $0xFFFFF086  }
0x25: {  	[simem:s6], [sflag:s4] =	dma.local [hbm:s3], $0xF7A  }
0x26: {  	[smem:$0x3F90] =	sst s1;
	(tag) =	ssettag s2;
	_ =	strace s9  }
0x27: {  	s1 =	sld [smem:$0x3FA0]  }
0x28: {  	s2 =	sld [smem:$0x3FA1]  }
0x29: {  	s4 =	sld [smem:$0x3FA3]  }
0x2a: {  	p0 =	seq.s32 s5, $0x0;
	s5 =	sld [smem:$0x3FA4]  }
0x2b: {  	s6 =	sld [smem:$0x3FA5]  }
0x2c: {  	s7 =	sld [smem:$0x3FA6]  }
0x2d: {  	s3 =	simm.s32 $0x108;
	s8 =	sld [smem:$0x3FA7]  }
0x2e: {  	s3 =	simm.s32 @!p0 $0x1082;
	s9 =	sld [smem:$0x3FA8]  }
0x2f: {  	lr =	sadd.s32 s0, s3;
	s0 =	sld [smem:$0x3F9F]  }
0x30: {  	s3 =	sld [smem:$0x3FA2]  }
0x31: {  	[smem:$0x3FAB] =	sst s10  }
0x32: {  	s10 =	sld [smem:$0x3FA9];
	_ =	sdelay $0x3  }
0x33: {  	p0 =	seq.s32 s10, $0x1;
	s10 =	sld [smem:$0x3FAB];
	_ =	sdelay $0x3  }
0x34: {  	[smem:$0x3FAB] =	sst s10  }
0x35: {  	s10 =	sld [smem:$0x3FAA];
	_ =	sdelay $0x3  }
0x36: {  	p1 =	seq.s32 s10, $0x1;
	s10 =	sld [smem:$0x3FAB];
	_ =	sdelay $0x3  }
0x37: {  	[smem:$0x3FAB] =	sst s10  }
0x38: {  	s10 =	sld [smem:$0x3FAC]  }
0x39: {  	_ = 	snop;
	(pc) =	sbr.ind lr, $3  }
0x3a: {  	_ = 	snop  }
0x3b: {  	_ = 	snop  }
0x3c: {  	p2 =	seq.s32 s10, $0x1;
	s10 =	sld [smem:$0x3FAB]  }
0x3d: {  	_ =	shalt  }
0x3e: {  	_ =	shalt  }
0x3f: {  	_ =	shalt  }
0x40: {  	_ =	shalt  }
0x41: {  	_ =	shalt  }
0x42: {  	_ =	shalt  }
0x43: {  	_ =	shalt  }
0x44: {  	_ =	shalt  }
0x45: {  	_ =	shalt  }
0x46: {  	_ =	shalt  }
0x47: {  	_ =	shalt  }
0x48: {  	_ =	shalt  }
0x49: {  	_ =	shalt  }
0x4a: {  	_ =	shalt  }
0x4b: {  	_ =	shalt  }
0x4c: {  	_ =	shalt  }
0x4d: {  	_ =	shalt  }
0x4e: {  	_ =	shalt  }
0x4f: {  	_ =	shalt  }
0x50: {  	_ =	shalt  }
0x51: {  	_ =	shalt  }
0x52: {  	_ =	shalt  }
0x53: {  	_ =	shalt  }
0x54: {  	_ =	shalt  }
0x55: {  	_ =	shalt  }
0x56: {  	_ =	shalt  }
0x57: {  	_ =	shalt  }
0x58: {  	_ =	shalt  }
0x59: {  	_ =	shalt  }
0x5a: {  	_ =	shalt  }
0x5b: {  	_ =	shalt  }
0x5c: {  	_ =	shalt  }
0x5d: {  	_ =	shalt  }
0x5e: {  	_ =	shalt  }
0x5f: {  	_ =	shalt  }
0x60: {  	_ =	shalt  }
0x61: {  	_ =	shalt  }
0x62: {  	_ =	shalt  }
0x63: {  	_ =	shalt  }
0x64: {  	_ =	shalt  }
0x65: {  	_ =	shalt  }
0x66: {  	_ =	shalt  }
0x67: {  	_ =	shalt  }
0x68: {  	_ =	shalt  }
0x69: {  	_ =	shalt  }
0x6a: {  	_ =	shalt  }
0x6b: {  	_ =	shalt  }
0x6c: {  	_ =	shalt  }
0x6d: {  	_ =	shalt  }
0x6e: {  	_ =	shalt  }
0x6f: {  	_ =	shalt  }
0x70: {  	_ =	shalt  }
0x71: {  	_ =	shalt  }
0x72: {  	_ =	shalt  }
0x73: {  	_ =	shalt  }
0x74: {  	_ =	shalt  }
0x75: {  	_ =	shalt  }
0x76: {  	_ =	shalt  }
0x77: {  	_ =	shalt  }
0x78: {  	_ =	shalt  }
0x79: {  	_ =	shalt  }
0x7a: {  	_ =	shalt  }
0x7b: {  	_ =	shalt  }
0x7c: {  	_ =	shalt  }
0x7d: {  	_ =	shalt  }
0x7e: {  	_ =	shalt  }
0x7f: {  	_ =	shalt  }
0x80: {  	_ =	shalt  }
0x81: {  	_ =	shalt  }
0x82: {  	_ =	shalt  }
0x83: {  	_ =	shalt  }
0x84: {  	_ =	shalt  }
0x85: {  	_ =	shalt  }
0x86: {  	_ =	shalt  }
0x87: {  	_ =	shalt  }
.Lfunc_end0:
.L_simem_size_0:
called_computation.4_lowered:
.L_overlay_start_0:
0x88: {  	s2 =	sld [smem:$0x3FD9]  }
0x89: {  	s3 =	sld [smem:$0x3FFE];
	_ =	sdelay $0x1  }
0x8a: {  	s1 =	srdreg.scid  }
0x8b: {  	s0 =	sand.u32 $0x1, s1  }
0x8c: {  	s16 =	sshll.u32 s0, $0xA;
	s2 =	sadd.s32 s3, s2  }
0x8d: {  	s2 =	sadd.s32 s2, s16  }
0x8e: {  	[smem:$0x3FB7] =	sst s2  }
0x8f: {  	_ = 	snop  }
0x90: {  	(tm) =	ssettm $0x1  }
0x91: {  	s17 =	sld [smem:$0x3FFB];
	_ =	sdelay $0x3  }
0x92: {  	_ =	strace s17  }
0x93: {  	s2 =	sld [smem:$0x3FFC];
	_ =	sdelay $0x3  }
0x94: {  	_ =	strace s2  }
0x95: {  	s2 =	sld [smem:$0x3FFD];
	_ =	sdelay $0x3  }
0x96: {  	_ =	strace s2  }
0x97: {  	_ =	strace $0x8FFFFFFF  }
0x98: {  	s18 =	sld [smem:$0x3FDB];
	_ =	sdelay $0x1  }
0x99: {  	s19 =	simm.s32 $_scs_section_size  }
0x9a: {  	s4 =	simm.s32 $_size__tile_overlayer_lowered;
	s5 =	simm.s32 $_tile_overlayer_lowered  }
0x9b: {  	s22 =	simm.s32 $0x1BFF;
	s21 =	sshll.u32 s5, $0x1;
	s2 =	sadd.s32 s19, s18  }
0x9c: {  	s6 =	simm.s32 $0x0;
	s20 =	sshll.u32 s4, $0x1;
	s4 =	sadd.s32 s21, s2  }
0x9d: {  	[timem:s6], [sflag:s22] =	dma.local [hbm:s4], s20  }
0x9e: {  	_ =	swait.ge [sflag:s22], s20  }
0x9f: {  	s3 =	ssub.s32 $0x0, s20;
	[sflag:s22] =	ssyncset.done $0x0  }
0xa0: {  	[sflag:s22] =	ssyncadd.s32 s3;
	_ =	sdelay $0x1  }
0xa1: {  	s23 =	simm.s32 $0x1B8B  }
0xa2: {  	_ =	swait.ge [sflag:s23], $0x1  }
0xa3: {  	[sflag:s23] =	ssyncset.done $0x0  }
0xa4: {  	s25 =	simm.s32 $0x1B8E;
	s24 =	sld [smem:$0x3FFE];
	[sflag:s23] =	ssyncadd.s32 $0xFFFFFFFF  }
0xa5: {  	s26 =	simm.s32 $execute0_lowered;
	[smem:$0x3FD2] =	sst s25  }
0xa6: {  	s4 =	sshll.u32 s26, $0x1;
	_ =	strace $0x80000052;
	[dreg:$0x1] =	wrdreg $0xFFFFFFFF  }
0xa7: {  	s28 =	simm.s32 $_size_execute0_lowered;
	s2 =	sadd.s32 s2, s4;
	[dreg:$0x0] =	wrdreg $0x0  }
0xa8: {  	s4 =	sshll.u32 s28, $0x1;
	[dreg:$0x2] =	wrdreg s2  }
0xa9: {  	[dreg:$0x3] =	wrdreg s4  }
0xaa: {  	[dreg:$0x4] =	wrdreg $0xC0  }
0xab: {  	_ =	task [dreg:s6], $0x5FFFF  }
0xac: {  	[dreg:$0x1] =	wrdreg $0xFFFFFFFF  }
0xad: {  	[dreg:$0x0] =	wrdreg $0x60  }
0xae: {  	[dreg:$0x2] =	wrdreg s24  }
0xaf: {  	[dreg:$0x3] =	wrdreg $0x90000  }
0xb0: {  	[dreg:$0x4] =	wrdreg $0x12E000  }
0xb1: {  	[dreg:$0x5] =	wrdreg $0x9  }
0xb2: {  	_ =	task.clear_ibuf [dreg:s6], $0x6FFFF;
	_ =	strace $0x90000052  }
0xb3: {  	s29 =	simm.s32 $0x9;
	_ =	strace $0x80000054  }
0xb4: {  	_ =	swait.ge [sflag:s29], $0x1  }
0xb5: {  	[sflag:s29] =	ssyncadd.s32 $0xFFFFFFFF  }
0xb6: {  	_ =	strace $0x90000054  }
0xb7: {  	_ =	sfence  }
0xb8: {  	s30 =	sld [smem:$0x0];
	_ =	sdelay $0x2  }
0xb9: {  	s31 =	sshll.u32 s1, $0xD;
	s1 =	sshrl.u32 s1, $0x2  }
0xba: {  	s3 =	sand.u32 $0x4000, s31;
	s1 =	sadd.s32 s1, s30  }
0xbb: {  	s0 =	sor.u32 s3, s0;
	s1 =	sshll.u32 s1, $0x11  }
0xbc: {  	s0 =	sor.u32 s1, s0  }
0xbd: {  	s0 =	sadd.s32 $0x8F2B, s0  }
0xbe: {  	[sflag:s0] =	ssyncadd.remote.s32 $0x1  }
0xbf: {  	_ =	sfence.sel $0xFFFF  }
0xc0: {  	[dreg:$0x0] =	wrdreg $0xFFFFFFFF;
	(pc) =	sbr.abs _section_cstart, $3  }
0xc1: {  	[dreg:$0x1] =	wrdreg $0xFFFFFFFF  }
0xc2: {  	_ =	task.clear_ibuf [dreg:s6], $0x2FFFF;
	_ =	strace $0x9FFFFFFF  }
0xc3: {  	(tm) =	ssettm $0x7FFFFFFF  }
tec
execute0_lowered:
.L_overlay_start_1:
0x0: {  	(tag) =	ssettag $0x1  }
0x1: {  	s6 =	rddreg [dreg:$0x0]  }
0x2: {  	s2 =	rddreg [dreg:$0x1]  }
0x3: {  	s0 =	srdreg.scid;
	s3 =	rddreg [dreg:$0x2]  }
0x4: {  	s4 =	simm.s32 $0x0;
	s15 =	simm.s32 $0x2800;
	s16 =	simm.s32 $0x80  }
0x5: {  	s17 =	simm.s32 $0x5000;
	s18 =	simm.s32 $0x7000;
	s19 =	simm.s32 $0x1  }
0x6: {  	s20 =	simm.s32 $0x2;
	s21 =	simm.s32 $0x4F00;
	s22 =	simm.s32 $0x4F80  }
0x7: {  	s23 =	simm.s32 $0x0;
	s5 =	sand.u32 $0x1, s0;
	s0 =	stileid.u32  }
0x8: {  	[smem:$0x7FF] =	sst s4;
	s1 =	sshll.u32 s5, $0x4;
	s8 =	smul.u32 $0x9E00, s0  }
0x9: {  	s9 =	smul.u32 $0x9E000, s5;
	s5 =	ssub.s32 $0x2, s5;
	s1 =	sor.u32 s0, s1  }
0xa: {  	s31 =	sshll.u32 s0, $0x6;
	s11 =	sshrl.u32 s5, $0x1;
	s7 =	smul.u32 $0x500, s1  }
0xb: {  	s1 =	rddreg [dreg:$0x3];
	_ =	strace $0x80000053;
	s30 =	sshrl.u32 s8, $0x3  }
0xc: {  	s9 =	sadd.s32 s8, s9;
	s11 =	ssub.s32 s5, s11;
	s13 =	sadd.s32 s8, s2  }
0xd: {  	s14 =	sadd.s32 s8, s3;
	s9 =	sshrl.u32 s9, $0x3;
	s11 =	smax.u32 s11, $0x1  }
0xe: {  	s14 =	sshrl.u32 s14, $0x3;
	s10 =	sadd.s32 s7, s6;
	s7 =	sadd.s32 s30, s6  }
0xf: {  	s12 =	sadd.s32 s9, s6;
	s6 =	sor.u32 $0x1C03, s31;
	s5 =	sadd.s32 $0x2800, s7  }
0x10: {  	s7 =	sadd.s32 $0x2A400, s7;
	s8 =	sadd.s32 $0x20400, s10;
	s9 =	sadd.s32 $0x16400, s10  }
0x11: {  	s10 =	sadd.s32 $0x8D000, s12;
	s12 =	sshrl.u32 s13, $0x3;
	s13 =	simm.s32 $0x3  }
.LBB2_1:
0x12: {  	[spmem:s12], [sflag:s6] =	dma.local [hbm:s5], $0x13C0  }
0x13: {  	_ =	swait.ge [sflag:s13], $0x13C0  }
0x14: {  	[sflag:s13] =	ssyncset.done $0x0  }
0x15: {  	[sflag:s13] =	ssyncadd.s32 $0xFFFFEC40  }
0x16: {  	[spmem:s14], [sflag:s6] =	dma.local [hbm:s7], $0x13C0  }
0x17: {  	_ =	swait.ge [sflag:s13], $0x13C0  }
0x18: {  	[sflag:s13] =	ssyncset.done $0x0  }
0x19: {  	[sflag:s13] =	ssyncadd.s32 $0xFFFFEC40  }
0x1a: {  	[tilespmem:s4], [sflag:$0x3] =	stream.linear.gather [hbm4b:s8+s4], $0x2800, $0x38;
	[tilespmem:$0x1CC00] =	vst v63  }
0x1b: {  	_ =	swait.ge [sflag:s13], $0x2800  }
0x1c: {  	[sflag:s13] =	ssyncset.done $0x0  }
0x1d: {  	[sflag:s13] =	ssyncadd.s32 $0xFFFFD800  }
0x1e: {  	[tilespmem:s15], [sflag:$0x3] =	stream.linear.gather [hbm4b:s9+s4], $0x2800, $0x38;
	[tilespmem:$0x1CC00] =	vst v63  }
0x1f: {  	_ =	swait.ge [sflag:s13], $0x2800  }
0x20: {  	[sflag:s13] =	ssyncset.done $0x0  }
0x21: {  	[sflag:s13] =	ssyncadd.s32 $0xFFFFD800  }
0x22: {  	[bflag:$0x0] =	sbarrier.arrive $0xFFFF  }
0x23: {  	[tilespmem:s17], [sflag:$0x1] =	stream.indirect.gather [spmem:s2], $0x40, s4, s16, $0xb8;
	[tilespmem:$0x1CC00] =	vst v63  }
0x24: {  	_ = 	snop  }
0x25: {  	[tilespmem:s18], [sflag:$0x2] =	stream.indirect.gather [spmem:s2], $0x40, s16, s16, $0xb8;
	[tilespmem:$0x1CC00] =	vst v63  }
0x26: {  	_ =	swait.ge [sflag:s19], $0x2000  }
0x27: {  	[sflag:s19] =	ssyncset.done $0x0  }
0x28: {  	s24 =	simm.s32 $0x2800;
	[sflag:s19] =	ssyncadd.s32 $0xFFFFE000  }
0x29: {  	[spmem:s3] =	stream.indirect.scatter.add.f32 [tilespmem:s17], [sflag:$0x3], $0x40, s24, s16, $0xb8;
	[tilespmem:$0x1CC00] =	vst v63  }
0x2a: {  	_ =	swait.ge [sflag:s13], $0x2000  }
0x2b: {  	[sflag:s13] =	ssyncset.done $0x0  }
0x2c: {  	s30 =	simm.s32 $0x100;
	[sflag:s13] =	ssyncadd.s32 $0xFFFFE000  }
0x2d: {  	[tilespmem:s17], [sflag:$0x1] =	stream.indirect.gather [spmem:s2], $0x40, s30, s16, $0xb8;
	[tilespmem:$0x1CC00] =	vst v63  }
0x2e: {  	_ =	swait.ge [sflag:s20], $0x2000  }
0x2f: {  	[sflag:s20] =	ssyncset.done $0x0  }
0x30: {  	s31 =	simm.s32 $0x2880;
	[sflag:s20] =	ssyncadd.s32 $0xFFFFE000  }
0x31: {  	[spmem:s3] =	stream.indirect.scatter.add.f32 [tilespmem:s18], [sflag:$0x3], $0x40, s31, s16, $0xb8;
	[tilespmem:$0x1CC00] =	vst v63  }
0x32: {  	_ =	swait.ge [sflag:s13], $0x2000  }
0x33: {  	[sflag:s13] =	ssyncset.done $0x0  }
0x34: {  	s25 =	simm.s32 $0x180;
	s24 =	simm.s32 $0x400;
	[sflag:s13] =	ssyncadd.s32 $0xFFFFE000  }
.LBB2_2:
0x35: {  	[tilespmem:s18], [sflag:$0x2] =	stream.indirect.gather [spmem:s2], $0x40, s25, s16, $0xb8;
	[tilespmem:$0x1CC00] =	vst v63  }
0x36: {  	s25 =	smov.u32 s24  }
0x37: {  	p0 =	sne.s32 s24, $0x9800;
	s24 =	sadd.s32 $0x400, s24;
	_ =	swait.ge [sflag:s19], $0x2000  }
0x38: {  	s25 =	sshra.s32 s25, $0x2;
	[sflag:s19] =	ssyncset.done $0x0  }
0x39: {  	s26 =	sadd.s32 $0x2800, s25;
	[sflag:s19] =	ssyncadd.s32 $0xFFFFE000  }
0x3a: {  	[spmem:s3] =	stream.indirect.scatter.add.f32 [tilespmem:s17], [sflag:$0x3], $0x40, s26, s16, $0xb8;
	[tilespmem:$0x1CC00] =	vst v63  }
0x3b: {  	_ =	swait.ge [sflag:s13], $0x2000  }
0x3c: {  	[sflag:s13] =	ssyncset.done $0x0  }
0x3d: {  	s26 =	sadd.s32 $0x100, s25;
	[sflag:s13] =	ssyncadd.s32 $0xFFFFE000  }
0x3e: {  	[tilespmem:s17], [sflag:$0x1] =	stream.indirect.gather [spmem:s2], $0x40, s26, s16, $0xb8;
	[tilespmem:$0x1CC00] =	vst v63  }
0x3f: {  	_ =	swait.ge [sflag:s20], $0x2000  }
0x40: {  	[sflag:s20] =	ssyncset.done $0x0  }
.Ltmp0:
0x41: {  	s26 =	sadd.s32 $0x2880, s25;
	[sflag:s20] =	ssyncadd.s32 $0xFFFFE000;
	(pc) =	sbr.rel @p0 .LBB2_2-.Ltmp0, $4  }
0x42: {  	[spmem:s3] =	stream.indirect.scatter.add.f32 [tilespmem:s18], [sflag:$0x3], $0x40, s26, s16, $0xb8;
	[tilespmem:$0x1CC00] =	vst v63  }
0x43: {  	_ =	swait.ge [sflag:s13], $0x2000  }
0x44: {  	[sflag:s13] =	ssyncset.done $0x0  }
0x45: {  	s25 =	sadd.s32 $0x180, s25;
	[sflag:s13] =	ssyncadd.s32 $0xFFFFE000  }
0x46: {  	[tilespmem:s18], [sflag:$0x2] =	stream.indirect.gather [spmem:s2], $0x40, s25, s16, $0xb8;
	[tilespmem:$0x1CC00] =	vst v63  }
0x47: {  	_ =	swait.ge [sflag:s19], $0x2000  }
0x48: {  	[sflag:s19] =	ssyncset.done $0x0  }
0x49: {  	[sflag:s19] =	ssyncadd.s32 $0xFFFFE000  }
0x4a: {  	[spmem:s3] =	stream.indirect.scatter.add.f32 [tilespmem:s17], [sflag:$0x3], $0x40, s21, s16, $0xb8;
	[tilespmem:$0x1CC00] =	vst v63  }
0x4b: {  	_ =	swait.ge [sflag:s13], $0x2000  }
0x4c: {  	[sflag:s13] =	ssyncset.done $0x0  }
0x4d: {  	[sflag:s13] =	ssyncadd.s32 $0xFFFFE000  }
0x4e: {  	_ =	swait.ge [sflag:s20], $0x2000  }
0x4f: {  	[sflag:s20] =	ssyncset.done $0x0  }
0x50: {  	[sflag:s20] =	ssyncadd.s32 $0xFFFFE000  }
0x51: {  	[spmem:s3] =	stream.indirect.scatter.add.f32 [tilespmem:s18], [sflag:$0x3], $0x40, s22, s16, $0xb8;
	[tilespmem:$0x1CC00] =	vst v63  }
0x52: {  	_ =	swait.ge [sflag:s13], $0x2000  }
0x53: {  	s23 =	sadd.s32 $0x1, s23;
	[sflag:s13] =	ssyncset.done $0x0  }
0x54: {  	p0 =	sne.s32 s23, s11;
	[sflag:s13] =	ssyncadd.s32 $0xFFFFE000  }
.Ltmp1:
0x55: {  	[bflag:$0x0] =	sbarrier.arrive $0xFFFF;
	(pc) =	sbr.rel @p0 .LBB2_1-.Ltmp1, $4  }
0x56: {  	[hbm:s10], [sflag:s6] =	dma.local [spmem:s14], $0x13C0  }
0x57: {  	_ =	swait.ge [sflag:s13], $0x13C0  }
0x58: {  	[sflag:s13] =	ssyncset.done $0x0  }
0x59: {  	[sflag:s13] =	ssyncadd.s32 $0xFFFFEC40  }
0x5a: {  	_ =	sfence.sel $0x180000  }
0x5b: {  	[bflag:$0x0] =	sbarrier.arrive $0xFFFF  }
0x5c: {  	p0 =	sne.s32 s0, $0x0;
	_ =	strace $0x90000053  }
0x5d: {  	s0 =	sadd.s32 @!p0 $0x100000, s1;
	[bflag:$0x2] =	sbarrier.arrive $0xFFFF  }
0x5e: {  	[sflag:s0] =	ssyncadd.tile.s32 @!p0 $0x1;
	_ =	shalt  }
.Lfunc_end2:
_tile_overlayer_lowered:
.L_overlay_start_2:
0x5f: {  	(tag) =	ssettag $0x2  }
0x60: {  	s0 =	rddreg [dreg:$0x0];
	s2 =	stileid.u32  }
0x61: {  	s1 =	rddreg [dreg:$0x1];
	p0 =	sne.s32 s2, $0x0  }
0x62: {  	s3 =	rddreg [dreg:$0x2];
	[bflag:$0x3] =	sbarrier.arrive $0xFFFF;
	s2 =	simm.s32 @!p0 $0x1C03  }
0x63: {  	[timem:s3], [sflag:s2] =	dma.local @!p0 [hbm:s0], s1  }
0x64: {  	s0 =	simm.s32 @!p0 $0x3  }
0x65: {  	_ =	swait.ge @!p0 [sflag:s0], s1  }
0x66: {  	s1 =	ssub.s32 @!p0 $0x0, s1;
	[sflag:s0] =	ssyncset.done @!p0 $0x0  }
0x67: {  	[sflag:s0] =	ssyncadd.s32 @!p0 s1  }
0x68: {  	[bflag:$0x3] =	sbarrier.arrive $0xFFFF  }
0x69: {  	_ =	shalt  }

</sc_bundles>
